<compile_context>
chip_gen: v7x
topology: tpu7x:2x2x1
jax: 0.10.2.dev20260603
libtpu: 0.0.44.dev20260713+nightly
codegen_flags: <defaults>
</compile_context>

<pallas_src>
import functools

import jax
import jax.numpy as jnp
from jax import lax
from jax.experimental import pallas as pl
from jax.experimental.pallas import tpu as pltpu
from jax.experimental.pallas import tpu_sc as plsc

DIM = 2048
N_EXPERTS = 64
TOPK = 8
N_GROUPS = 8
GROUP_SIZE = N_EXPERTS // N_GROUPS
TOPK_GROUPS = 4
ROUTE_SCALE = 2.5
T = 8192

NEG_INF = float("-inf")

NC = 2
NS = 16
NW = NC * NS
ROWS_PER_W = T // NW


def _matmul_kernel(x_ref, w_ref, b_ref, s_ref):
    logits = jax.lax.dot_general(
        x_ref[...], w_ref[...], (((1,), (1,)), ((), ())),
        preferred_element_type=jnp.float32,
    )
    s_ref[...] = jax.nn.sigmoid(logits) + b_ref[...]


def _scores(x, weight, bias):
    return pl.pallas_call(
        _matmul_kernel,
        grid=(8,),
        in_specs=[
            pl.BlockSpec((T // 8, DIM), lambda i: (i, 0)),
            pl.BlockSpec((N_EXPERTS, DIM), lambda i: (0, 0)),
            pl.BlockSpec((1, N_EXPERTS), lambda i: (0, 0)),
        ],
        out_specs=pl.BlockSpec((T // 8, N_EXPERTS), lambda i: (i, 0)),
        out_shape=jax.ShapeDtypeStruct((T, N_EXPERTS), jnp.float32),
    )(x, weight, bias.reshape(1, N_EXPERTS))


def _take(v, idx):
    return lax.gather(
        v, idx[:, None],
        dimension_numbers=lax.GatherDimensionNumbers(
            offset_dims=(), collapsed_slice_dims=(0,), start_index_map=(0,)),
        slice_sizes=(1,),
        mode=lax.GatherScatterMode.PROMISE_IN_BOUNDS)


def _routing_kernel(scores_hbm, wout_hbm, iout_hbm, sv, wv, iv, sem):
    wid = lax.axis_index("s") * NC + lax.axis_index("c")
    base = wid * ROWS_PER_W

    pltpu.async_copy(
        scores_hbm.at[pl.ds(base * N_EXPERTS, ROWS_PER_W * N_EXPERTS)],
        sv.at[pl.ds(0, ROWS_PER_W * N_EXPERTS)], sem).wait()

    lane = lax.iota(jnp.int32, 16)
    lo = lane < GROUP_SIZE

    def allmax16(v):
        for d in (1, 2, 4, 8):
            v = jnp.maximum(v, _take(v, lane ^ d))
        return v

    def route_row(r):
        vs = [sv[pl.ds(r * N_EXPERTS + 16 * k, 16)] for k in range(4)]

        def group_allmax(v):
            for d in (1, 2, 4):
                v = jnp.maximum(v, _take(v, lane ^ d))
            return v

        gsc = []
        for v in vs:
            m1 = group_allmax(v)
            m2 = group_allmax(jnp.where(v == m1, NEG_INF, v))
            gsc.append(m1 + m2)

        half_sel = (lane & 1) * GROUP_SIZE
        gvec = jnp.where(lane < 2, _take(gsc[0], half_sel),
                         jnp.where(lane < 4, _take(gsc[1], half_sel),
                                   jnp.where(lane < 6, _take(gsc[2], half_sel),
                                             _take(gsc[3], half_sel))))
        gvec = jnp.where(lo, gvec, NEG_INF)

        cnt = jnp.zeros((16,), dtype=jnp.float32)
        for rr in range(1, N_GROUPS):
            rot = _take(gvec, (lane + rr) & (N_GROUPS - 1))
            beats = jnp.logical_or(
                rot > gvec,
                jnp.logical_and(rot == gvec, lane < (N_GROUPS - rr)))
            cnt = cnt + jnp.where(beats, 1.0, 0.0)
        keep8 = jnp.where(cnt < float(TOPK_GROUPS), 1.0, 0.0)

        masked = []
        idxvs = []
        for k, v in enumerate(vs):
            kf = _take(keep8, jnp.where(lo, 2 * k, 2 * k + 1))
            masked.append(jnp.where(kf > 0.5, v, NEG_INF))
            idxvs.append(lane + 16 * k)

        wsel = jnp.zeros((16,), dtype=jnp.float32)
        isel = jnp.zeros((16,), dtype=jnp.int32)
        for k in range(TOPK):
            m = allmax16(jnp.maximum(jnp.maximum(masked[0], masked[1]),
                                     jnp.maximum(masked[2], masked[3])))
            cands = [jnp.where(mk == m, iv_, -1)
                     for mk, iv_ in zip(masked, idxvs)]
            a = allmax16(jnp.maximum(jnp.maximum(cands[0], cands[1]),
                                     jnp.maximum(cands[2], cands[3])))
            col = lane == (TOPK - 1 - k)
            wsel = jnp.where(col, m, wsel)
            isel = jnp.where(col, a, isel)
            masked = [jnp.where(iv_ == a, NEG_INF, mk)
                      for mk, iv_ in zip(masked, idxvs)]

        acc = wsel
        for d in (1, 2, 4):
            acc = acc + _take(acc, lane ^ d)
        wnorm = wsel * (ROUTE_SCALE / (acc + 1e-20))
        return wnorm, isel

    def body(p, _):
        we, ie = route_row(2 * p)
        wo, io = route_row(2 * p + 1)
        l7 = lane & (GROUP_SIZE - 1)
        wpair = jnp.where(lo, we, _take(wo, l7))
        ipair = jnp.where(lo, ie, _take(io, l7))
        wv[pl.ds(p * 16, 16)] = wpair
        iv[pl.ds(p * 16, 16)] = ipair
        return 0

    lax.fori_loop(0, ROWS_PER_W // 2, body, 0)

    pltpu.sync_copy(wv.at[pl.ds(0, ROWS_PER_W * TOPK)],
                    wout_hbm.at[pl.ds(base * TOPK, ROWS_PER_W * TOPK)])
    pltpu.sync_copy(iv.at[pl.ds(0, ROWS_PER_W * TOPK)],
                    iout_hbm.at[pl.ds(base * TOPK, ROWS_PER_W * TOPK)])


def _route(scores):
    mesh = plsc.VectorSubcoreMesh(core_axis_name="c", subcore_axis_name="s")
    k = functools.partial(
        pl.kernel,
        mesh=mesh,
        out_type=[
            jax.ShapeDtypeStruct((T * TOPK,), jnp.float32),
            jax.ShapeDtypeStruct((T * TOPK,), jnp.int32),
        ],
        scratch_types=[
            pltpu.VMEM((ROWS_PER_W * N_EXPERTS,), jnp.float32),
            pltpu.VMEM((ROWS_PER_W * TOPK + 16,), jnp.float32),
            pltpu.VMEM((ROWS_PER_W * TOPK + 16,), jnp.int32),
            pltpu.SemaphoreType.DMA,
        ],
    )(_routing_kernel)
    return k(scores.reshape(T * N_EXPERTS))


def kernel(x, weight, e_score_correction_bias):
    scores = _scores(x, weight, e_score_correction_bias)
    wflat, iflat = _route(scores)
    return wflat.reshape(T, TOPK), iflat.reshape(T, TOPK)

# --- scband reference (transcript-rebuilt; emitter-appended) ---
"""Pipeline reference for scband-gate-63350767616767 (READ-ONLY COPY).

The authoritative reference and input builder live on the scoring server;
editing this copy changes nothing except your own understanding.
"""

import jax, jax.numpy as jnp
import numpy as np

DIM = 2048
N_EXPERTS = 64
TOPK = 8
N_GROUPS = 8
TOPK_GROUPS = 4
ROUTE_SCALE = 2.5
T = 8192


def setup_inputs(seed: int = 0) -> dict:
    key = jax.random.key(seed)
    k1, k2 = jax.random.split(key)
    x = jax.random.normal(k1, (T, DIM), dtype=jnp.float32)
    weight = jax.random.normal(k2, (N_EXPERTS, DIM), dtype=jnp.float32) * 0.01
    e_score_correction_bias = jnp.zeros((N_EXPERTS,), dtype=jnp.float32)
    return {"x": x, "weight": weight, "e_score_correction_bias": e_score_correction_bias}


def reference(x, weight, e_score_correction_bias):
    n = x.shape[0]
    scores = jnp.dot(x, weight.T)
    scores = jax.nn.sigmoid(scores)
    original_scores = scores
    scores = scores + e_score_correction_bias
    # group-limited routing (n_groups > 1)
    scores_g = scores.reshape(n, N_GROUPS, -1)
    group_score = jnp.sort(scores_g, axis=-1)[..., -2:].sum(axis=-1)
    group_idx = jnp.argsort(group_score, axis=-1)[..., -TOPK_GROUPS:]
    mask = jnp.ones((n, N_GROUPS), dtype=bool)
    mask = mask.at[jnp.arange(n)[:, None], group_idx].set(False)
    scores_masked = jnp.where(mask[..., None], -jnp.inf, scores_g).reshape(n, -1)
    indices = jnp.argsort(scores_masked, axis=-1)[..., -TOPK:]
    weights = original_scores[jnp.arange(n)[:, None], indices]
    # sigmoid score func -> normalize
    weights = weights / (weights.sum(axis=-1, keepdims=True) + 1e-20)
    weights = weights * ROUTE_SCALE
    return weights, indices

if __name__ == "__main__":
    import jax
    _d = setup_inputs()
    print(jax.jit(kernel)(*tuple(_d.values())))

</pallas_src>

<mosaic_0001>
#map = affine_map<(d0, d1) -> (0)>
module attributes {stable_mosaic.version = 14 : i64} {
  func.func @_routing_kernel(%arg0: i32, %arg1: i32, %arg2: memref<524288xf32, #tpu.memory_space<hbm>>, %arg3: memref<65536xf32, #tpu.memory_space<hbm>>, %arg4: memref<65536xi32, #tpu.memory_space<hbm>>, %arg5: memref<16384xf32, #tpu.memory_space<vmem>>, %arg6: memref<2064xf32, #tpu.memory_space<vmem>>, %arg7: memref<2064xi32, #tpu.memory_space<vmem>>, %arg8: memref<!tpu.dma_semaphore, #tpu.memory_space<semaphore_mem>>) attributes {dimension_semantics = [#tpu.dimension_semantics<core_parallel>, #tpu.dimension_semantics<subcore_parallel>], iteration_bounds = array<i64: 2, 16>, scalar_prefetch = 0 : i64, scratch_operands = 4 : i64, tpu.core_type = #tpu.core_type<sc_vector_subcore>, window_params = [{transform_indices = #map}, {transform_indices = #map}, {transform_indices = #map}]} {
    %mul3A = arith.constant 2 : i32
    %mul3A_0 = arith.muli %arg1, %mul3A : i32
    %add3A = arith.addi %mul3A_0, %arg0 : i32
    %mul3A_1 = arith.constant 256 : i32
    %mul3A_2 = arith.muli %add3A, %mul3A_1 : i32
    %mul3A_3 = arith.constant 64 : i32
    %mul3A_4 = arith.muli %mul3A_2, %mul3A_3 : i32
    %dma_start3A = arith.constant 0 : i32
    %dma_start3A_5 = tpu.memref_slice %arg5[%dma_start3A] : memref<16384xf32, #tpu.memory_space<vmem>> -> memref<16384xf32, #tpu.memory_space<vmem>>
    %dma_start3A_6 = tpu.memref_slice %arg2[%mul3A_4] : memref<524288xf32, #tpu.memory_space<hbm>> -> memref<16384xf32, #tpu.memory_space<hbm>>
    %dma_start3A_7 = arith.constant 0 : i32
    %dma_start3A_8 = tpu.memref_slice %arg5[%dma_start3A_7] : memref<16384xf32, #tpu.memory_space<vmem>> -> memref<16384xf32, #tpu.memory_space<vmem>>
    %dma_start3A_9 = tpu.memref_slice %arg2[%mul3A_4] : memref<524288xf32, #tpu.memory_space<hbm>> -> memref<16384xf32, #tpu.memory_space<hbm>>
    tpu.enqueue_dma source(%dma_start3A_9 : memref<16384xf32, #tpu.memory_space<hbm>>) target(%dma_start3A_8 : memref<16384xf32, #tpu.memory_space<vmem>>) target_semaphore(%arg8 : memref<!tpu.dma_semaphore, #tpu.memory_space<semaphore_mem>>)
    %dma_wait3A = arith.constant 0 : i32
    %dma_wait3A_10 = tpu.memref_slice %arg5[%dma_wait3A] : memref<16384xf32, #tpu.memory_space<vmem>> -> memref<16384xf32, #tpu.memory_space<vmem>>
    %dma_wait3A_11 = tpu.memref_slice %arg2[%mul3A_4] : memref<524288xf32, #tpu.memory_space<hbm>> -> memref<16384xf32, #tpu.memory_space<hbm>>
    %dma_wait3A_12 = arith.constant 0 : i32
    %dma_wait3A_13 = tpu.memref_slice %arg5[%dma_wait3A_12] : memref<16384xf32, #tpu.memory_space<vmem>> -> memref<16384xf32, #tpu.memory_space<vmem>>
    %dma_wait3A_14 = tpu.memref_slice %arg2[%mul3A_4] : memref<524288xf32, #tpu.memory_space<hbm>> -> memref<16384xf32, #tpu.memory_space<hbm>>
    tpu.wait_dma2 semaphore(%arg8 : memref<!tpu.dma_semaphore, #tpu.memory_space<semaphore_mem>>) src(%dma_wait3A_14 : memref<16384xf32, #tpu.memory_space<hbm>>) dst(%dma_wait3A_13 : memref<16384xf32, #tpu.memory_space<vmem>>)
    %iota3A = tpu.iota {dimensions = array<i32: 0>} : vector<16xi32>
    %lt3A = arith.constant 8 : i32
    %lt3A_15 = vector.broadcast %lt3A : i32 to vector<16xi32>
    %lt3A_16 = arith.cmpi slt, %iota3A, %lt3A_15 : vector<16xi32>
    %scan3A = arith.constant 0 : i32
    %scan3A_17 = arith.constant 0 : i32
    %scan3A_18 = arith.constant 128 : i32
    %scan3A_19 = arith.addi %scan3A_17, %scan3A_18 : i32
    %scan3A_20 = arith.constant 1 : i32
    %scan3A_21 = scf.for %scan3A_27 = %scan3A_17 to %scan3A_19 step %scan3A_20 iter_args(%scan3A_28 = %scan3A) -> (i32)  : i32 {
      %mul3A_29 = arith.constant 2 : i32
      %mul3A_30 = arith.muli %mul3A_29, %scan3A_27 : i32
      %mul3A_31 = arith.constant 64 : i32
      %mul3A_32 = arith.muli %mul3A_30, %mul3A_31 : i32
      %add3A_33 = arith.constant 0 : i32
      %add3A_34 = arith.addi %mul3A_32, %add3A_33 : i32
      %get3A = arith.index_cast %add3A_34 : i32 to index
      %get3A_35 = tpu.vector_load %arg5[%get3A] {strides = array<i32>} : memref<16384xf32, #tpu.memory_space<vmem>>, vector<16xf32>,
      %get3A_36 = vector.shape_cast %get3A_35 : vector<16xf32> to vector<16xf32>
      %mul3A_37 = arith.constant 64 : i32
      %mul3A_38 = arith.muli %mul3A_30, %mul3A_37 : i32
      %add3A_39 = arith.constant 16 : i32
      %add3A_40 = arith.addi %mul3A_38, %add3A_39 : i32
      %get3A_41 = arith.index_cast %add3A_40 : i32 to index
      %get3A_42 = tpu.vector_load %arg5[%get3A_41] {strides = array<i32>} : memref<16384xf32, #tpu.memory_space<vmem>>, vector<16xf32>,
      %get3A_43 = vector.shape_cast %get3A_42 : vector<16xf32> to vector<16xf32>
      %mul3A_44 = arith.constant 64 : i32
      %mul3A_45 = arith.muli %mul3A_30, %mul3A_44 : i32
      %add3A_46 = arith.constant 32 : i32
      %add3A_47 = arith.addi %mul3A_45, %add3A_46 : i32
      %get3A_48 = arith.index_cast %add3A_47 : i32 to index
      %get3A_49 = tpu.vector_load %arg5[%get3A_48] {strides = array<i32>} : memref<16384xf32, #tpu.memory_space<vmem>>, vector<16xf32>,
      %get3A_50 = vector.shape_cast %get3A_49 : vector<16xf32> to vector<16xf32>
      %mul3A_51 = arith.constant 64 : i32
      %mul3A_52 = arith.muli %mul3A_30, %mul3A_51 : i32
      %add3A_53 = arith.constant 48 : i32
      %add3A_54 = arith.addi %mul3A_52, %add3A_53 : i32
      %get3A_55 = arith.index_cast %add3A_54 : i32 to index
      %get3A_56 = tpu.vector_load %arg5[%get3A_55] {strides = array<i32>} : memref<16384xf32, #tpu.memory_space<vmem>>, vector<16xf32>,
      %get3A_57 = vector.shape_cast %get3A_56 : vector<16xf32> to vector<16xf32>
      %xor3A = arith.constant 1 : i32
      %xor3A_58 = vector.broadcast %xor3A : i32 to vector<16xi32>
      %xor3A_59 = arith.xori %iota3A, %xor3A_58 : vector<16xi32>
      %broadcast_in_dim3A = vector.shape_cast %xor3A_59 : vector<16xi32> to vector<16x1xi32>
      %gather3A = vector.shape_cast %broadcast_in_dim3A : vector<16x1xi32> to vector<16xi32>
      %gather3A_60 = tpu.dynamic_gather %get3A_36[%gather3A] in [0] : vector<16xf32>, vector<16xi32> -> vector<16xf32>
      %max3A = arith.maximumf %get3A_36, %gather3A_60 : vector<16xf32>
      %xor3A_61 = arith.constant 2 : i32
      %xor3A_62 = vector.broadcast %xor3A_61 : i32 to vector<16xi32>
      %xor3A_63 = arith.xori %iota3A, %xor3A_62 : vector<16xi32>
      %broadcast_in_dim3A_64 = vector.shape_cast %xor3A_63 : vector<16xi32> to vector<16x1xi32>
      %gather3A_65 = vector.shape_cast %broadcast_in_dim3A_64 : vector<16x1xi32> to vector<16xi32>
      %gather3A_66 = tpu.dynamic_gather %max3A[%gather3A_65] in [0] : vector<16xf32>, vector<16xi32> -> vector<16xf32>
      %max3A_67 = arith.maximumf %max3A, %gather3A_66 : vector<16xf32>
      %xor3A_68 = arith.constant 4 : i32
      %xor3A_69 = vector.broadcast %xor3A_68 : i32 to vector<16xi32>
      %xor3A_70 = arith.xori %iota3A, %xor3A_69 : vector<16xi32>
      %broadcast_in_dim3A_71 = vector.shape_cast %xor3A_70 : vector<16xi32> to vector<16x1xi32>
      %gather3A_72 = vector.shape_cast %broadcast_in_dim3A_71 : vector<16x1xi32> to vector<16xi32>
      %gather3A_73 = tpu.dynamic_gather %max3A_67[%gather3A_72] in [0] : vector<16xf32>, vector<16xi32> -> vector<16xf32>
      %max3A_74 = arith.maximumf %max3A_67, %gather3A_73 : vector<16xf32>
      %eq3A = arith.cmpf oeq, %get3A_36, %max3A_74 : vector<16xf32>
      %jit3A = arith.constant 0xFF800000 : f32
      %broadcast_in_dim3A_75 = vector.broadcast %jit3A : f32 to vector<16xf32>
      %select_n3A = arith.select %eq3A, %broadcast_in_dim3A_75, %get3A_36 : vector<16xi1>, vector<16xf32>
      %xor3A_76 = arith.constant 1 : i32
      %xor3A_77 = vector.broadcast %xor3A_76 : i32 to vector<16xi32>
      %xor3A_78 = arith.xori %iota3A, %xor3A_77 : vector<16xi32>
      %broadcast_in_dim3A_79 = vector.shape_cast %xor3A_78 : vector<16xi32> to vector<16x1xi32>
      %gather3A_80 = vector.shape_cast %broadcast_in_dim3A_79 : vector<16x1xi32> to vector<16xi32>
      %gather3A_81 = tpu.dynamic_gather %select_n3A[%gather3A_80] in [0] : vector<16xf32>, vector<16xi32> -> vector<16xf32>
      %max3A_82 = arith.maximumf %select_n3A, %gather3A_81 : vector<16xf32>
      %xor3A_83 = arith.constant 2 : i32
      %xor3A_84 = vector.broadcast %xor3A_83 : i32 to vector<16xi32>
      %xor3A_85 = arith.xori %iota3A, %xor3A_84 : vector<16xi32>
      %broadcast_in_dim3A_86 = vector.shape_cast %xor3A_85 : vector<16xi32> to vector<16x1xi32>
      %gather3A_87 = vector.shape_cast %broadcast_in_dim3A_86 : vector<16x1xi32> to vector<16xi32>
      %gather3A_88 = tpu.dynamic_gather %max3A_82[%gather3A_87] in [0] : vector<16xf32>, vector<16xi32> -> vector<16xf32>
      %max3A_89 = arith.maximumf %max3A_82, %gather3A_88 : vector<16xf32>
      %xor3A_90 = arith.constant 4 : i32
      %xor3A_91 = vector.broadcast %xor3A_90 : i32 to vector<16xi32>
      %xor3A_92 = arith.xori %iota3A, %xor3A_91 : vector<16xi32>
      %broadcast_in_dim3A_93 = vector.shape_cast %xor3A_92 : vector<16xi32> to vector<16x1xi32>
      %gather3A_94 = vector.shape_cast %broadcast_in_dim3A_93 : vector<16x1xi32> to vector<16xi32>
      %gather3A_95 = tpu.dynamic_gather %max3A_89[%gather3A_94] in [0] : vector<16xf32>, vector<16xi32> -> vector<16xf32>
      %max3A_96 = arith.maximumf %max3A_89, %gather3A_95 : vector<16xf32>
      %add3A_97 = arith.addf %max3A_74, %max3A_96 : vector<16xf32>
      %xor3A_98 = arith.constant 1 : i32
      %xor3A_99 = vector.broadcast %xor3A_98 : i32 to vector<16xi32>
      %xor3A_100 = arith.xori %iota3A, %xor3A_99 : vector<16xi32>
      %broadcast_in_dim3A_101 = vector.shape_cast %xor3A_100 : vector<16xi32> to vector<16x1xi32>
      %gather3A_102 = vector.shape_cast %broadcast_in_dim3A_101 : vector<16x1xi32> to vector<16xi32>
      %gather3A_103 = tpu.dynamic_gather %get3A_43[%gather3A_102] in [0] : vector<16xf32>, vector<16xi32> -> vector<16xf32>
      %max3A_104 = arith.maximumf %get3A_43, %gather3A_103 : vector<16xf32>
      %xor3A_105 = arith.constant 2 : i32
      %xor3A_106 = vector.broadcast %xor3A_105 : i32 to vector<16xi32>
      %xor3A_107 = arith.xori %iota3A, %xor3A_106 : vector<16xi32>
      %broadcast_in_dim3A_108 = vector.shape_cast %xor3A_107 : vector<16xi32> to vector<16x1xi32>
      %gather3A_109 = vector.shape_cast %broadcast_in_dim3A_108 : vector<16x1xi32> to vector<16xi32>
      %gather3A_110 = tpu.dynamic_gather %max3A_104[%gather3A_109] in [0] : vector<16xf32>, vector<16xi32> -> vector<16xf32>
      %max3A_111 = arith.maximumf %max3A_104, %gather3A_110 : vector<16xf32>
      %xor3A_112 = arith.constant 4 : i32
      %xor3A_113 = vector.broadcast %xor3A_112 : i32 to vector<16xi32>
      %xor3A_114 = arith.xori %iota3A, %xor3A_113 : vector<16xi32>
      %broadcast_in_dim3A_115 = vector.shape_cast %xor3A_114 : vector<16xi32> to vector<16x1xi32>
      %gather3A_116 = vector.shape_cast %broadcast_in_dim3A_115 : vector<16x1xi32> to vector<16xi32>
      %gather3A_117 = tpu.dynamic_gather %max3A_111[%gather3A_116] in [0] : vector<16xf32>, vector<16xi32> -> vector<16xf32>
      %max3A_118 = arith.maximumf %max3A_111, %gather3A_117 : vector<16xf32>
      %eq3A_119 = arith.cmpf oeq, %get3A_43, %max3A_118 : vector<16xf32>
      %jit3A_120 = arith.constant 0xFF800000 : f32
      %broadcast_in_dim3A_121 = vector.broadcast %jit3A_120 : f32 to vector<16xf32>
      %select_n3A_122 = arith.select %eq3A_119, %broadcast_in_dim3A_121, %get3A_43 : vector<16xi1>, vector<16xf32>
      %xor3A_123 = arith.constant 1 : i32
      %xor3A_124 = vector.broadcast %xor3A_123 : i32 to vector<16xi32>
      %xor3A_125 = arith.xori %iota3A, %xor3A_124 : vector<16xi32>
      %broadcast_in_dim3A_126 = vector.shape_cast %xor3A_125 : vector<16xi32> to vector<16x1xi32>
      %gather3A_127 = vector.shape_cast %broadcast_in_dim3A_126 : vector<16x1xi32> to vector<16xi32>
      %gather3A_128 = tpu.dynamic_gather %select_n3A_122[%gather3A_127] in [0] : vector<16xf32>, vector<16xi32> -> vector<16xf32>
      %max3A_129 = arith.maximumf %select_n3A_122, %gather3A_128 : vector<16xf32>
      %xor3A_130 = arith.constant 2 : i32
      %xor3A_131 = vector.broadcast %xor3A_130 : i32 to vector<16xi32>
      %xor3A_132 = arith.xori %iota3A, %xor3A_131 : vector<16xi32>
      %broadcast_in_dim3A_133 = vector.shape_cast %xor3A_132 : vector<16xi32> to vector<16x1xi32>
      %gather3A_134 = vector.shape_cast %broadcast_in_dim3A_133 : vector<16x1xi32> to vector<16xi32>
      %gather3A_135 = tpu.dynamic_gather %max3A_129[%gather3A_134] in [0] : vector<16xf32>, vector<16xi32> -> vector<16xf32>
      %max3A_136 = arith.maximumf %max3A_129, %gather3A_135 : vector<16xf32>
      %xor3A_137 = arith.constant 4 : i32
      %xor3A_138 = vector.broadcast %xor3A_137 : i32 to vector<16xi32>
      %xor3A_139 = arith.xori %iota3A, %xor3A_138 : vector<16xi32>
      %broadcast_in_dim3A_140 = vector.shape_cast %xor3A_139 : vector<16xi32> to vector<16x1xi32>
      %gather3A_141 = vector.shape_cast %broadcast_in_dim3A_140 : vector<16x1xi32> to vector<16xi32>
      %gather3A_142 = tpu.dynamic_gather %max3A_136[%gather3A_141] in [0] : vector<16xf32>, vector<16xi32> -> vector<16xf32>
      %max3A_143 = arith.maximumf %max3A_136, %gather3A_142 : vector<16xf32>
      %add3A_144 = arith.addf %max3A_118, %max3A_143 : vector<16xf32>
      %xor3A_145 = arith.constant 1 : i32
      %xor3A_146 = vector.broadcast %xor3A_145 : i32 to vector<16xi32>
      %xor3A_147 = arith.xori %iota3A, %xor3A_146 : vector<16xi32>
      %broadcast_in_dim3A_148 = vector.shape_cast %xor3A_147 : vector<16xi32> to vector<16x1xi32>
      %gather3A_149 = vector.shape_cast %broadcast_in_dim3A_148 : vector<16x1xi32> to vector<16xi32>
      %gather3A_150 = tpu.dynamic_gather %get3A_50[%gather3A_149] in [0] : vector<16xf32>, vector<16xi32> -> vector<16xf32>
      %max3A_151 = arith.maximumf %get3A_50, %gather3A_150 : vector<16xf32>
      %xor3A_152 = arith.constant 2 : i32
      %xor3A_153 = vector.broadcast %xor3A_152 : i32 to vector<16xi32>
      %xor3A_154 = arith.xori %iota3A, %xor3A_153 : vector<16xi32>
      %broadcast_in_dim3A_155 = vector.shape_cast %xor3A_154 : vector<16xi32> to vector<16x1xi32>
      %gather3A_156 = vector.shape_cast %broadcast_in_dim3A_155 : vector<16x1xi32> to vector<16xi32>
      %gather3A_157 = tpu.dynamic_gather %max3A_151[%gather3A_156] in [0] : vector<16xf32>, vector<16xi32> -> vector<16xf32>
      %max3A_158 = arith.maximumf %max3A_151, %gather3A_157 : vector<16xf32>
      %xor3A_159 = arith.constant 4 : i32
      %xor3A_160 = vector.broadcast %xor3A_159 : i32 to vector<16xi32>
      %xor3A_161 = arith.xori %iota3A, %xor3A_160 : vector<16xi32>
      %broadcast_in_dim3A_162 = vector.shape_cast %xor3A_161 : vector<16xi32> to vector<16x1xi32>
      %gather3A_163 = vector.shape_cast %broadcast_in_dim3A_162 : vector<16x1xi32> to vector<16xi32>
      %gather3A_164 = tpu.dynamic_gather %max3A_158[%gather3A_163] in [0] : vector<16xf32>, vector<16xi32> -> vector<16xf32>
      %max3A_165 = arith.maximumf %max3A_158, %gather3A_164 : vector<16xf32>
      %eq3A_166 = arith.cmpf oeq, %get3A_50, %max3A_165 : vector<16xf32>
      %jit3A_167 = arith.constant 0xFF800000 : f32
      %broadcast_in_dim3A_168 = vector.broadcast %jit3A_167 : f32 to vector<16xf32>
      %select_n3A_169 = arith.select %eq3A_166, %broadcast_in_dim3A_168, %get3A_50 : vector<16xi1>, vector<16xf32>
      %xor3A_170 = arith.constant 1 : i32
      %xor3A_171 = vector.broadcast %xor3A_170 : i32 to vector<16xi32>
      %xor3A_172 = arith.xori %iota3A, %xor3A_171 : vector<16xi32>
      %broadcast_in_dim3A_173 = vector.shape_cast %xor3A_172 : vector<16xi32> to vector<16x1xi32>
      %gather3A_174 = vector.shape_cast %broadcast_in_dim3A_173 : vector<16x1xi32> to vector<16xi32>
      %gather3A_175 = tpu.dynamic_gather %select_n3A_169[%gather3A_174] in [0] : vector<16xf32>, vector<16xi32> -> vector<16xf32>
      %max3A_176 = arith.maximumf %select_n3A_169, %gather3A_175 : vector<16xf32>
      %xor3A_177 = arith.constant 2 : i32
      %xor3A_178 = vector.broadcast %xor3A_177 : i32 to vector<16xi32>
      %xor3A_179 = arith.xori %iota3A, %xor3A_178 : vector<16xi32>
      %broadcast_in_dim3A_180 = vector.shape_cast %xor3A_179 : vector<16xi32> to vector<16x1xi32>
      %gather3A_181 = vector.shape_cast %broadcast_in_dim3A_180 : vector<16x1xi32> to vector<16xi32>
      %gather3A_182 = tpu.dynamic_gather %max3A_176[%gather3A_181] in [0] : vector<16xf32>, vector<16xi32> -> vector<16xf32>
      %max3A_183 = arith.maximumf %max3A_176, %gather3A_182 : vector<16xf32>
      %xor3A_184 = arith.constant 4 : i32
      %xor3A_185 = vector.broadcast %xor3A_184 : i32 to vector<16xi32>
      %xor3A_186 = arith.xori %iota3A, %xor3A_185 : vector<16xi32>
      %broadcast_in_dim3A_187 = vector.shape_cast %xor3A_186 : vector<16xi32> to vector<16x1xi32>
      %gather3A_188 = vector.shape_cast %broadcast_in_dim3A_187 : vector<16x1xi32> to vector<16xi32>
      %gather3A_189 = tpu.dynamic_gather %max3A_183[%gather3A_188] in [0] : vector<16xf32>, vector<16xi32> -> vector<16xf32>
      %max3A_190 = arith.maximumf %max3A_183, %gather3A_189 : vector<16xf32>
      %add3A_191 = arith.addf %max3A_165, %max3A_190 : vector<16xf32>
      %xor3A_192 = arith.constant 1 : i32
      %xor3A_193 = vector.broadcast %xor3A_192 : i32 to vector<16xi32>
      %xor3A_194 = arith.xori %iota3A, %xor3A_193 : vector<16xi32>
      %broadcast_in_dim3A_195 = vector.shape_cast %xor3A_194 : vector<16xi32> to vector<16x1xi32>
      %gather3A_196 = vector.shape_cast %broadcast_in_dim3A_195 : vector<16x1xi32> to vector<16xi32>
      %gather3A_197 = tpu.dynamic_gather %get3A_57[%gather3A_196] in [0] : vector<16xf32>, vector<16xi32> -> vector<16xf32>
      %max3A_198 = arith.maximumf %get3A_57, %gather3A_197 : vector<16xf32>
      %xor3A_199 = arith.constant 2 : i32
      %xor3A_200 = vector.broadcast %xor3A_199 : i32 to vector<16xi32>
      %xor3A_201 = arith.xori %iota3A, %xor3A_200 : vector<16xi32>
      %broadcast_in_dim3A_202 = vector.shape_cast %xor3A_201 : vector<16xi32> to vector<16x1xi32>
      %gather3A_203 = vector.shape_cast %broadcast_in_dim3A_202 : vector<16x1xi32> to vector<16xi32>
      %gather3A_204 = tpu.dynamic_gather %max3A_198[%gather3A_203] in [0] : vector<16xf32>, vector<16xi32> -> vector<16xf32>
      %max3A_205 = arith.maximumf %max3A_198, %gather3A_204 : vector<16xf32>
      %xor3A_206 = arith.constant 4 : i32
      %xor3A_207 = vector.broadcast %xor3A_206 : i32 to vector<16xi32>
      %xor3A_208 = arith.xori %iota3A, %xor3A_207 : vector<16xi32>
      %broadcast_in_dim3A_209 = vector.shape_cast %xor3A_208 : vector<16xi32> to vector<16x1xi32>
      %gather3A_210 = vector.shape_cast %broadcast_in_dim3A_209 : vector<16x1xi32> to vector<16xi32>
      %gather3A_211 = tpu.dynamic_gather %max3A_205[%gather3A_210] in [0] : vector<16xf32>, vector<16xi32> -> vector<16xf32>
      %max3A_212 = arith.maximumf %max3A_205, %gather3A_211 : vector<16xf32>
      %eq3A_213 = arith.cmpf oeq, %get3A_57, %max3A_212 : vector<16xf32>
      %jit3A_214 = arith.constant 0xFF800000 : f32
      %broadcast_in_dim3A_215 = vector.broadcast %jit3A_214 : f32 to vector<16xf32>
      %select_n3A_216 = arith.select %eq3A_213, %broadcast_in_dim3A_215, %get3A_57 : vector<16xi1>, vector<16xf32>
      %xor3A_217 = arith.constant 1 : i32
      %xor3A_218 = vector.broadcast %xor3A_217 : i32 to vector<16xi32>
      %xor3A_219 = arith.xori %iota3A, %xor3A_218 : vector<16xi32>
      %broadcast_in_dim3A_220 = vector.shape_cast %xor3A_219 : vector<16xi32> to vector<16x1xi32>
      %gather3A_221 = vector.shape_cast %broadcast_in_dim3A_220 : vector<16x1xi32> to vector<16xi32>
      %gather3A_222 = tpu.dynamic_gather %select_n3A_216[%gather3A_221] in [0] : vector<16xf32>, vector<16xi32> -> vector<16xf32>
      %max3A_223 = arith.maximumf %select_n3A_216, %gather3A_222 : vector<16xf32>
      %xor3A_224 = arith.constant 2 : i32
      %xor3A_225 = vector.broadcast %xor3A_224 : i32 to vector<16xi32>
      %xor3A_226 = arith.xori %iota3A, %xor3A_225 : vector<16xi32>
      %broadcast_in_dim3A_227 = vector.shape_cast %xor3A_226 : vector<16xi32> to vector<16x1xi32>
      %gather3A_228 = vector.shape_cast %broadcast_in_dim3A_227 : vector<16x1xi32> to vector<16xi32>
      %gather3A_229 = tpu.dynamic_gather %max3A_223[%gather3A_228] in [0] : vector<16xf32>, vector<16xi32> -> vector<16xf32>
      %max3A_230 = arith.maximumf %max3A_223, %gather3A_229 : vector<16xf32>
      %xor3A_231 = arith.constant 4 : i32
      %xor3A_232 = vector.broadcast %xor3A_231 : i32 to vector<16xi32>
      %xor3A_233 = arith.xori %iota3A, %xor3A_232 : vector<16xi32>
      %broadcast_in_dim3A_234 = vector.shape_cast %xor3A_233 : vector<16xi32> to vector<16x1xi32>
      %gather3A_235 = vector.shape_cast %broadcast_in_dim3A_234 : vector<16x1xi32> to vector<16xi32>
      %gather3A_236 = tpu.dynamic_gather %max3A_230[%gather3A_235] in [0] : vector<16xf32>, vector<16xi32> -> vector<16xf32>
      %max3A_237 = arith.maximumf %max3A_230, %gather3A_236 : vector<16xf32>
      %add3A_238 = arith.addf %max3A_212, %max3A_237 : vector<16xf32>
      %and3A = arith.constant 1 : i32
      %and3A_239 = vector.broadcast %and3A : i32 to vector<16xi32>
      %and3A_240 = arith.andi %iota3A, %and3A_239 : vector<16xi32>
      %mul3A_241 = arith.constant 8 : i32
      %mul3A_242 = vector.broadcast %mul3A_241 : i32 to vector<16xi32>
      %mul3A_243 = arith.muli %and3A_240, %mul3A_242 : vector<16xi32>
      %lt3A_244 = arith.constant 2 : i32
      %lt3A_245 = vector.broadcast %lt3A_244 : i32 to vector<16xi32>
      %lt3A_246 = arith.cmpi slt, %iota3A, %lt3A_245 : vector<16xi32>
      %broadcast_in_dim3A_247 = vector.shape_cast %mul3A_243 : vector<16xi32> to vector<16x1xi32>
      %gather3A_248 = vector.shape_cast %broadcast_in_dim3A_247 : vector<16x1xi32> to vector<16xi32>
      %gather3A_249 = tpu.dynamic_gather %add3A_97[%gather3A_248] in [0] : vector<16xf32>, vector<16xi32> -> vector<16xf32>
      %lt3A_250 = arith.constant 4 : i32
      %lt3A_251 = vector.broadcast %lt3A_250 : i32 to vector<16xi32>
      %lt3A_252 = arith.cmpi slt, %iota3A, %lt3A_251 : vector<16xi32>
      %broadcast_in_dim3A_253 = vector.shape_cast %mul3A_243 : vector<16xi32> to vector<16x1xi32>
      %gather3A_254 = vector.shape_cast %broadcast_in_dim3A_253 : vector<16x1xi32> to vector<16xi32>
      %gather3A_255 = tpu.dynamic_gather %add3A_144[%gather3A_254] in [0] : vector<16xf32>, vector<16xi32> -> vector<16xf32>
      %lt3A_256 = arith.constant 6 : i32
      %lt3A_257 = vector.broadcast %lt3A_256 : i32 to vector<16xi32>
      %lt3A_258 = arith.cmpi slt, %iota3A, %lt3A_257 : vector<16xi32>
      %broadcast_in_dim3A_259 = vector.shape_cast %mul3A_243 : vector<16xi32> to vector<16x1xi32>
      %gather3A_260 = vector.shape_cast %broadcast_in_dim3A_259 : vector<16x1xi32> to vector<16xi32>
      %gather3A_261 = tpu.dynamic_gather %add3A_191[%gather3A_260] in [0] : vector<16xf32>, vector<16xi32> -> vector<16xf32>
      %broadcast_in_dim3A_262 = vector.shape_cast %mul3A_243 : vector<16xi32> to vector<16x1xi32>
      %gather3A_263 = vector.shape_cast %broadcast_in_dim3A_262 : vector<16x1xi32> to vector<16xi32>
      %gather3A_264 = tpu.dynamic_gather %add3A_238[%gather3A_263] in [0] : vector<16xf32>, vector<16xi32> -> vector<16xf32>
      %select_n3A_265 = arith.select %lt3A_258, %gather3A_261, %gather3A_264 : vector<16xi1>, vector<16xf32>
      %select_n3A_266 = arith.select %lt3A_252, %gather3A_255, %select_n3A_265 : vector<16xi1>, vector<16xf32>
      %select_n3A_267 = arith.select %lt3A_246, %gather3A_249, %select_n3A_266 : vector<16xi1>, vector<16xf32>
      %jit3A_268 = arith.constant 0xFF800000 : f32
      %broadcast_in_dim3A_269 = vector.broadcast %jit3A_268 : f32 to vector<16xf32>
      %select_n3A_270 = arith.select %lt3A_16, %select_n3A_267, %broadcast_in_dim3A_269 : vector<16xi1>, vector<16xf32>
      %broadcast_in_dim3A_271 = arith.constant 0.000000e+00 : f32
      %broadcast_in_dim3A_272 = vector.broadcast %broadcast_in_dim3A_271 : f32 to vector<16xf32>
      %add3A_273 = arith.constant 1 : i32
      %add3A_274 = vector.broadcast %add3A_273 : i32 to vector<16xi32>
      %add3A_275 = arith.addi %iota3A, %add3A_274 : vector<16xi32>
      %and3A_276 = arith.constant 7 : i32
      %and3A_277 = vector.broadcast %and3A_276 : i32 to vector<16xi32>
      %and3A_278 = arith.andi %add3A_275, %and3A_277 : vector<16xi32>
      %broadcast_in_dim3A_279 = vector.shape_cast %and3A_278 : vector<16xi32> to vector<16x1xi32>
      %gather3A_280 = vector.shape_cast %broadcast_in_dim3A_279 : vector<16x1xi32> to vector<16xi32>
      %gather3A_281 = tpu.dynamic_gather %select_n3A_270[%gather3A_280] in [0] : vector<16xf32>, vector<16xi32> -> vector<16xf32>
      %gt3A = arith.cmpf ogt, %gather3A_281, %select_n3A_270 : vector<16xf32>
      %eq3A_282 = arith.cmpf oeq, %gather3A_281, %select_n3A_270 : vector<16xf32>
      %lt3A_283 = arith.constant 7 : i32
      %lt3A_284 = vector.broadcast %lt3A_283 : i32 to vector<16xi32>
      %lt3A_285 = arith.cmpi slt, %iota3A, %lt3A_284 : vector<16xi32>
      %and3A_286 = arith.andi %eq3A_282, %lt3A_285 : vector<16xi1>
      %or3A = arith.ori %gt3A, %and3A_286 : vector<16xi1>
      %jit3A_287 = arith.constant 1.000000e+00 : f32
      %jit3A_288 = arith.constant 0.000000e+00 : f32
      %broadcast_in_dim3A_289 = vector.broadcast %jit3A_287 : f32 to vector<16xf32>
      %broadcast_in_dim3A_290 = vector.broadcast %jit3A_288 : f32 to vector<16xf32>
      %select_n3A_291 = arith.select %or3A, %broadcast_in_dim3A_289, %broadcast_in_dim3A_290 : vector<16xi1>, vector<16xf32>
      %add3A_292 = arith.addf %broadcast_in_dim3A_272, %select_n3A_291 : vector<16xf32>
      %add3A_293 = arith.constant 2 : i32
      %add3A_294 = vector.broadcast %add3A_293 : i32 to vector<16xi32>
      %add3A_295 = arith.addi %iota3A, %add3A_294 : vector<16xi32>
      %and3A_296 = arith.constant 7 : i32
      %and3A_297 = vector.broadcast %and3A_296 : i32 to vector<16xi32>
      %and3A_298 = arith.andi %add3A_295, %and3A_297 : vector<16xi32>
      %broadcast_in_dim3A_299 = vector.shape_cast %and3A_298 : vector<16xi32> to vector<16x1xi32>
      %gather3A_300 = vector.shape_cast %broadcast_in_dim3A_299 : vector<16x1xi32> to vector<16xi32>
      %gather3A_301 = tpu.dynamic_gather %select_n3A_270[%gather3A_300] in [0] : vector<16xf32>, vector<16xi32> -> vector<16xf32>
      %gt3A_302 = arith.cmpf ogt, %gather3A_301, %select_n3A_270 : vector<16xf32>
      %eq3A_303 = arith.cmpf oeq, %gather3A_301, %select_n3A_270 : vector<16xf32>
      %lt3A_304 = arith.constant 6 : i32
      %lt3A_305 = vector.broadcast %lt3A_304 : i32 to vector<16xi32>
      %lt3A_306 = arith.cmpi slt, %iota3A, %lt3A_305 : vector<16xi32>
      %and3A_307 = arith.andi %eq3A_303, %lt3A_306 : vector<16xi1>
      %or3A_308 = arith.ori %gt3A_302, %and3A_307 : vector<16xi1>
      %jit3A_309 = arith.constant 1.000000e+00 : f32
      %jit3A_310 = arith.constant 0.000000e+00 : f32
      %broadcast_in_dim3A_311 = vector.broadcast %jit3A_309 : f32 to vector<16xf32>
      %broadcast_in_dim3A_312 = vector.broadcast %jit3A_310 : f32 to vector<16xf32>
      %select_n3A_313 = arith.select %or3A_308, %broadcast_in_dim3A_311, %broadcast_in_dim3A_312 : vector<16xi1>, vector<16xf32>
      %add3A_314 = arith.addf %add3A_292, %select_n3A_313 : vector<16xf32>
      %add3A_315 = arith.constant 3 : i32
      %add3A_316 = vector.broadcast %add3A_315 : i32 to vector<16xi32>
      %add3A_317 = arith.addi %iota3A, %add3A_316 : vector<16xi32>
      %and3A_318 = arith.constant 7 : i32
      %and3A_319 = vector.broadcast %and3A_318 : i32 to vector<16xi32>
      %and3A_320 = arith.andi %add3A_317, %and3A_319 : vector<16xi32>
      %broadcast_in_dim3A_321 = vector.shape_cast %and3A_320 : vector<16xi32> to vector<16x1xi32>
      %gather3A_322 = vector.shape_cast %broadcast_in_dim3A_321 : vector<16x1xi32> to vector<16xi32>
      %gather3A_323 = tpu.dynamic_gather %select_n3A_270[%gather3A_322] in [0] : vector<16xf32>, vector<16xi32> -> vector<16xf32>
      %gt3A_324 = arith.cmpf ogt, %gather3A_323, %select_n3A_270 : vector<16xf32>
      %eq3A_325 = arith.cmpf oeq, %gather3A_323, %select_n3A_270 : vector<16xf32>
      %lt3A_326 = arith.constant 5 : i32
      %lt3A_327 = vector.broadcast %lt3A_326 : i32 to vector<16xi32>
      %lt3A_328 = arith.cmpi slt, %iota3A, %lt3A_327 : vector<16xi32>
      %and3A_329 = arith.andi %eq3A_325, %lt3A_328 : vector<16xi1>
      %or3A_330 = arith.ori %gt3A_324, %and3A_329 : vector<16xi1>
      %jit3A_331 = arith.constant 1.000000e+00 : f32
      %jit3A_332 = arith.constant 0.000000e+00 : f32
      %broadcast_in_dim3A_333 = vector.broadcast %jit3A_331 : f32 to vector<16xf32>
      %broadcast_in_dim3A_334 = vector.broadcast %jit3A_332 : f32 to vector<16xf32>
      %select_n3A_335 = arith.select %or3A_330, %broadcast_in_dim3A_333, %broadcast_in_dim3A_334 : vector<16xi1>, vector<16xf32>
      %add3A_336 = arith.addf %add3A_314, %select_n3A_335 : vector<16xf32>
      %add3A_337 = arith.constant 4 : i32
      %add3A_338 = vector.broadcast %add3A_337 : i32 to vector<16xi32>
      %add3A_339 = arith.addi %iota3A, %add3A_338 : vector<16xi32>
      %and3A_340 = arith.constant 7 : i32
      %and3A_341 = vector.broadcast %and3A_340 : i32 to vector<16xi32>
      %and3A_342 = arith.andi %add3A_339, %and3A_341 : vector<16xi32>
      %broadcast_in_dim3A_343 = vector.shape_cast %and3A_342 : vector<16xi32> to vector<16x1xi32>
      %gather3A_344 = vector.shape_cast %broadcast_in_dim3A_343 : vector<16x1xi32> to vector<16xi32>
      %gather3A_345 = tpu.dynamic_gather %select_n3A_270[%gather3A_344] in [0] : vector<16xf32>, vector<16xi32> -> vector<16xf32>
      %gt3A_346 = arith.cmpf ogt, %gather3A_345, %select_n3A_270 : vector<16xf32>
      %eq3A_347 = arith.cmpf oeq, %gather3A_345, %select_n3A_270 : vector<16xf32>
      %lt3A_348 = arith.constant 4 : i32
      %lt3A_349 = vector.broadcast %lt3A_348 : i32 to vector<16xi32>
      %lt3A_350 = arith.cmpi slt, %iota3A, %lt3A_349 : vector<16xi32>
      %and3A_351 = arith.andi %eq3A_347, %lt3A_350 : vector<16xi1>
      %or3A_352 = arith.ori %gt3A_346, %and3A_351 : vector<16xi1>
      %jit3A_353 = arith.constant 1.000000e+00 : f32
      %jit3A_354 = arith.constant 0.000000e+00 : f32
      %broadcast_in_dim3A_355 = vector.broadcast %jit3A_353 : f32 to vector<16xf32>
      %broadcast_in_dim3A_356 = vector.broadcast %jit3A_354 : f32 to vector<16xf32>
      %select_n3A_357 = arith.select %or3A_352, %broadcast_in_dim3A_355, %broadcast_in_dim3A_356 : vector<16xi1>, vector<16xf32>
      %add3A_358 = arith.addf %add3A_336, %select_n3A_357 : vector<16xf32>
      %add3A_359 = arith.constant 5 : i32
      %add3A_360 = vector.broadcast %add3A_359 : i32 to vector<16xi32>
      %add3A_361 = arith.addi %iota3A, %add3A_360 : vector<16xi32>
      %and3A_362 = arith.constant 7 : i32
      %and3A_363 = vector.broadcast %and3A_362 : i32 to vector<16xi32>
      %and3A_364 = arith.andi %add3A_361, %and3A_363 : vector<16xi32>
      %broadcast_in_dim3A_365 = vector.shape_cast %and3A_364 : vector<16xi32> to vector<16x1xi32>
      %gather3A_366 = vector.shape_cast %broadcast_in_dim3A_365 : vector<16x1xi32> to vector<16xi32>
      %gather3A_367 = tpu.dynamic_gather %select_n3A_270[%gather3A_366] in [0] : vector<16xf32>, vector<16xi32> -> vector<16xf32>
      %gt3A_368 = arith.cmpf ogt, %gather3A_367, %select_n3A_270 : vector<16xf32>
      %eq3A_369 = arith.cmpf oeq, %gather3A_367, %select_n3A_270 : vector<16xf32>
      %lt3A_370 = arith.constant 3 : i32
      %lt3A_371 = vector.broadcast %lt3A_370 : i32 to vector<16xi32>
      %lt3A_372 = arith.cmpi slt, %iota3A, %lt3A_371 : vector<16xi32>
      %and3A_373 = arith.andi %eq3A_369, %lt3A_372 : vector<16xi1>
      %or3A_374 = arith.ori %gt3A_368, %and3A_373 : vector<16xi1>
      %jit3A_375 = arith.constant 1.000000e+00 : f32
      %jit3A_376 = arith.constant 0.000000e+00 : f32
      %broadcast_in_dim3A_377 = vector.broadcast %jit3A_375 : f32 to vector<16xf32>
      %broadcast_in_dim3A_378 = vector.broadcast %jit3A_376 : f32 to vector<16xf32>
      %select_n3A_379 = arith.select %or3A_374, %broadcast_in_dim3A_377, %broadcast_in_dim3A_378 : vector<16xi1>, vector<16xf32>
      %add3A_380 = arith.addf %add3A_358, %select_n3A_379 : vector<16xf32>
      %add3A_381 = arith.constant 6 : i32
      %add3A_382 = vector.broadcast %add3A_381 : i32 to vector<16xi32>
      %add3A_383 = arith.addi %iota3A, %add3A_382 : vector<16xi32>
      %and3A_384 = arith.constant 7 : i32
      %and3A_385 = vector.broadcast %and3A_384 : i32 to vector<16xi32>
      %and3A_386 = arith.andi %add3A_383, %and3A_385 : vector<16xi32>
      %broadcast_in_dim3A_387 = vector.shape_cast %and3A_386 : vector<16xi32> to vector<16x1xi32>
      %gather3A_388 = vector.shape_cast %broadcast_in_dim3A_387 : vector<16x1xi32> to vector<16xi32>
      %gather3A_389 = tpu.dynamic_gather %select_n3A_270[%gather3A_388] in [0] : vector<16xf32>, vector<16xi32> -> vector<16xf32>
      %gt3A_390 = arith.cmpf ogt, %gather3A_389, %select_n3A_270 : vector<16xf32>
      %eq3A_391 = arith.cmpf oeq, %gather3A_389, %select_n3A_270 : vector<16xf32>
      %lt3A_392 = arith.constant 2 : i32
      %lt3A_393 = vector.broadcast %lt3A_392 : i32 to vector<16xi32>
      %lt3A_394 = arith.cmpi slt, %iota3A, %lt3A_393 : vector<16xi32>
      %and3A_395 = arith.andi %eq3A_391, %lt3A_394 : vector<16xi1>
      %or3A_396 = arith.ori %gt3A_390, %and3A_395 : vector<16xi1>
      %jit3A_397 = arith.constant 1.000000e+00 : f32
      %jit3A_398 = arith.constant 0.000000e+00 : f32
      %broadcast_in_dim3A_399 = vector.broadcast %jit3A_397 : f32 to vector<16xf32>
      %broadcast_in_dim3A_400 = vector.broadcast %jit3A_398 : f32 to vector<16xf32>
      %select_n3A_401 = arith.select %or3A_396, %broadcast_in_dim3A_399, %broadcast_in_dim3A_400 : vector<16xi1>, vector<16xf32>
      %add3A_402 = arith.addf %add3A_380, %select_n3A_401 : vector<16xf32>
      %add3A_403 = arith.constant 7 : i32
      %add3A_404 = vector.broadcast %add3A_403 : i32 to vector<16xi32>
      %add3A_405 = arith.addi %iota3A, %add3A_404 : vector<16xi32>
      %and3A_406 = arith.constant 7 : i32
      %and3A_407 = vector.broadcast %and3A_406 : i32 to vector<16xi32>
      %and3A_408 = arith.andi %add3A_405, %and3A_407 : vector<16xi32>
      %broadcast_in_dim3A_409 = vector.shape_cast %and3A_408 : vector<16xi32> to vector<16x1xi32>
      %gather3A_410 = vector.shape_cast %broadcast_in_dim3A_409 : vector<16x1xi32> to vector<16xi32>
      %gather3A_411 = tpu.dynamic_gather %select_n3A_270[%gather3A_410] in [0] : vector<16xf32>, vector<16xi32> -> vector<16xf32>
      %gt3A_412 = arith.cmpf ogt, %gather3A_411, %select_n3A_270 : vector<16xf32>
      %eq3A_413 = arith.cmpf oeq, %gather3A_411, %select_n3A_270 : vector<16xf32>
      %lt3A_414 = arith.constant 1 : i32
      %lt3A_415 = vector.broadcast %lt3A_414 : i32 to vector<16xi32>
      %lt3A_416 = arith.cmpi slt, %iota3A, %lt3A_415 : vector<16xi32>
      %and3A_417 = arith.andi %eq3A_413, %lt3A_416 : vector<16xi1>
      %or3A_418 = arith.ori %gt3A_412, %and3A_417 : vector<16xi1>
      %jit3A_419 = arith.constant 1.000000e+00 : f32
      %jit3A_420 = arith.constant 0.000000e+00 : f32
      %broadcast_in_dim3A_421 = vector.broadcast %jit3A_419 : f32 to vector<16xf32>
      %broadcast_in_dim3A_422 = vector.broadcast %jit3A_420 : f32 to vector<16xf32>
      %select_n3A_423 = arith.select %or3A_418, %broadcast_in_dim3A_421, %broadcast_in_dim3A_422 : vector<16xi1>, vector<16xf32>
      %add3A_424 = arith.addf %add3A_402, %select_n3A_423 : vector<16xf32>
      %lt3A_425 = arith.constant 4.000000e+00 : f32
      %lt3A_426 = vector.broadcast %lt3A_425 : f32 to vector<16xf32>
      %lt3A_427 = arith.cmpf olt, %add3A_424, %lt3A_426 : vector<16xf32>
      %jit3A_428 = arith.constant 1.000000e+00 : f32
      %jit3A_429 = arith.constant 0.000000e+00 : f32
      %broadcast_in_dim3A_430 = vector.broadcast %jit3A_428 : f32 to vector<16xf32>
      %broadcast_in_dim3A_431 = vector.broadcast %jit3A_429 : f32 to vector<16xf32>
      %select_n3A_432 = arith.select %lt3A_427, %broadcast_in_dim3A_430, %broadcast_in_dim3A_431 : vector<16xi1>, vector<16xf32>
      %jit3A_433 = arith.constant 0 : i32
      %jit3A_434 = arith.constant 1 : i32
      %broadcast_in_dim3A_435 = vector.broadcast %jit3A_433 : i32 to vector<16xi32>
      %broadcast_in_dim3A_436 = vector.broadcast %jit3A_434 : i32 to vector<16xi32>
      %select_n3A_437 = arith.select %lt3A_16, %broadcast_in_dim3A_435, %broadcast_in_dim3A_436 : vector<16xi1>, vector<16xi32>
      %broadcast_in_dim3A_438 = vector.shape_cast %select_n3A_437 : vector<16xi32> to vector<16x1xi32>
      %gather3A_439 = vector.shape_cast %broadcast_in_dim3A_438 : vector<16x1xi32> to vector<16xi32>
      %gather3A_440 = tpu.dynamic_gather %select_n3A_432[%gather3A_439] in [0] : vector<16xf32>, vector<16xi32> -> vector<16xf32>
      %gt3A_441 = arith.constant 5.000000e-01 : f32
      %gt3A_442 = vector.broadcast %gt3A_441 : f32 to vector<16xf32>
      %gt3A_443 = arith.cmpf ogt, %gather3A_440, %gt3A_442 : vector<16xf32>
      %jit3A_444 = arith.constant 0xFF800000 : f32
      %broadcast_in_dim3A_445 = vector.broadcast %jit3A_444 : f32 to vector<16xf32>
      %select_n3A_446 = arith.select %gt3A_443, %get3A_36, %broadcast_in_dim3A_445 : vector<16xi1>, vector<16xf32>
      %add3A_447 = arith.constant 0 : i32
      %add3A_448 = vector.broadcast %add3A_447 : i32 to vector<16xi32>
      %add3A_449 = arith.addi %iota3A, %add3A_448 : vector<16xi32>
      %jit3A_450 = arith.constant 2 : i32
      %jit3A_451 = arith.constant 3 : i32
      %broadcast_in_dim3A_452 = vector.broadcast %jit3A_450 : i32 to vector<16xi32>
      %broadcast_in_dim3A_453 = vector.broadcast %jit3A_451 : i32 to vector<16xi32>
      %select_n3A_454 = arith.select %lt3A_16, %broadcast_in_dim3A_452, %broadcast_in_dim3A_453 : vector<16xi1>, vector<16xi32>
      %broadcast_in_dim3A_455 = vector.shape_cast %select_n3A_454 : vector<16xi32> to vector<16x1xi32>
      %gather3A_456 = vector.shape_cast %broadcast_in_dim3A_455 : vector<16x1xi32> to vector<16xi32>
      %gather3A_457 = tpu.dynamic_gather %select_n3A_432[%gather3A_456] in [0] : vector<16xf32>, vector<16xi32> -> vector<16xf32>
      %gt3A_458 = arith.constant 5.000000e-01 : f32
      %gt3A_459 = vector.broadcast %gt3A_458 : f32 to vector<16xf32>
      %gt3A_460 = arith.cmpf ogt, %gather3A_457, %gt3A_459 : vector<16xf32>
      %jit3A_461 = arith.constant 0xFF800000 : f32
      %broadcast_in_dim3A_462 = vector.broadcast %jit3A_461 : f32 to vector<16xf32>
      %select_n3A_463 = arith.select %gt3A_460, %get3A_43, %broadcast_in_dim3A_462 : vector<16xi1>, vector<16xf32>
      %add3A_464 = arith.constant 16 : i32
      %add3A_465 = vector.broadcast %add3A_464 : i32 to vector<16xi32>
      %add3A_466 = arith.addi %iota3A, %add3A_465 : vector<16xi32>
      %jit3A_467 = arith.constant 4 : i32
      %jit3A_468 = arith.constant 5 : i32
      %broadcast_in_dim3A_469 = vector.broadcast %jit3A_467 : i32 to vector<16xi32>
      %broadcast_in_dim3A_470 = vector.broadcast %jit3A_468 : i32 to vector<16xi32>
      %select_n3A_471 = arith.select %lt3A_16, %broadcast_in_dim3A_469, %broadcast_in_dim3A_470 : vector<16xi1>, vector<16xi32>
      %broadcast_in_dim3A_472 = vector.shape_cast %select_n3A_471 : vector<16xi32> to vector<16x1xi32>
      %gather3A_473 = vector.shape_cast %broadcast_in_dim3A_472 : vector<16x1xi32> to vector<16xi32>
      %gather3A_474 = tpu.dynamic_gather %select_n3A_432[%gather3A_473] in [0] : vector<16xf32>, vector<16xi32> -> vector<16xf32>
      %gt3A_475 = arith.constant 5.000000e-01 : f32
      %gt3A_476 = vector.broadcast %gt3A_475 : f32 to vector<16xf32>
      %gt3A_477 = arith.cmpf ogt, %gather3A_474, %gt3A_476 : vector<16xf32>
      %jit3A_478 = arith.constant 0xFF800000 : f32
      %broadcast_in_dim3A_479 = vector.broadcast %jit3A_478 : f32 to vector<16xf32>
      %select_n3A_480 = arith.select %gt3A_477, %get3A_50, %broadcast_in_dim3A_479 : vector<16xi1>, vector<16xf32>
      %add3A_481 = arith.constant 32 : i32
      %add3A_482 = vector.broadcast %add3A_481 : i32 to vector<16xi32>
      %add3A_483 = arith.addi %iota3A, %add3A_482 : vector<16xi32>
      %jit3A_484 = arith.constant 6 : i32
      %jit3A_485 = arith.constant 7 : i32
      %broadcast_in_dim3A_486 = vector.broadcast %jit3A_484 : i32 to vector<16xi32>
      %broadcast_in_dim3A_487 = vector.broadcast %jit3A_485 : i32 to vector<16xi32>
      %select_n3A_488 = arith.select %lt3A_16, %broadcast_in_dim3A_486, %broadcast_in_dim3A_487 : vector<16xi1>, vector<16xi32>
      %broadcast_in_dim3A_489 = vector.shape_cast %select_n3A_488 : vector<16xi32> to vector<16x1xi32>
      %gather3A_490 = vector.shape_cast %broadcast_in_dim3A_489 : vector<16x1xi32> to vector<16xi32>
      %gather3A_491 = tpu.dynamic_gather %select_n3A_432[%gather3A_490] in [0] : vector<16xf32>, vector<16xi32> -> vector<16xf32>
      %gt3A_492 = arith.constant 5.000000e-01 : f32
      %gt3A_493 = vector.broadcast %gt3A_492 : f32 to vector<16xf32>
      %gt3A_494 = arith.cmpf ogt, %gather3A_491, %gt3A_493 : vector<16xf32>
      %jit3A_495 = arith.constant 0xFF800000 : f32
      %broadcast_in_dim3A_496 = vector.broadcast %jit3A_495 : f32 to vector<16xf32>
      %select_n3A_497 = arith.select %gt3A_494, %get3A_57, %broadcast_in_dim3A_496 : vector<16xi1>, vector<16xf32>
      %add3A_498 = arith.constant 48 : i32
      %add3A_499 = vector.broadcast %add3A_498 : i32 to vector<16xi32>
      %add3A_500 = arith.addi %iota3A, %add3A_499 : vector<16xi32>
      %broadcast_in_dim3A_501 = arith.constant 0.000000e+00 : f32
      %broadcast_in_dim3A_502 = vector.broadcast %broadcast_in_dim3A_501 : f32 to vector<16xf32>
      %broadcast_in_dim3A_503 = arith.constant 0 : i32
      %broadcast_in_dim3A_504 = vector.broadcast %broadcast_in_dim3A_503 : i32 to vector<16xi32>
      %max3A_505 = arith.maximumf %select_n3A_446, %select_n3A_463 : vector<16xf32>
      %max3A_506 = arith.maximumf %select_n3A_480, %select_n3A_497 : vector<16xf32>
      %max3A_507 = arith.maximumf %max3A_505, %max3A_506 : vector<16xf32>
      %xor3A_508 = arith.constant 1 : i32
      %xor3A_509 = vector.broadcast %xor3A_508 : i32 to vector<16xi32>
      %xor3A_510 = arith.xori %iota3A, %xor3A_509 : vector<16xi32>
      %broadcast_in_dim3A_511 = vector.shape_cast %xor3A_510 : vector<16xi32> to vector<16x1xi32>
      %gather3A_512 = vector.shape_cast %broadcast_in_dim3A_511 : vector<16x1xi32> to vector<16xi32>
      %gather3A_513 = tpu.dynamic_gather %max3A_507[%gather3A_512] in [0] : vector<16xf32>, vector<16xi32> -> vector<16xf32>
      %max3A_514 = arith.maximumf %max3A_507, %gather3A_513 : vector<16xf32>
      %xor3A_515 = arith.constant 2 : i32
      %xor3A_516 = vector.broadcast %xor3A_515 : i32 to vector<16xi32>
      %xor3A_517 = arith.xori %iota3A, %xor3A_516 : vector<16xi32>
      %broadcast_in_dim3A_518 = vector.shape_cast %xor3A_517 : vector<16xi32> to vector<16x1xi32>
      %gather3A_519 = vector.shape_cast %broadcast_in_dim3A_518 : vector<16x1xi32> to vector<16xi32>
      %gather3A_520 = tpu.dynamic_gather %max3A_514[%gather3A_519] in [0] : vector<16xf32>, vector<16xi32> -> vector<16xf32>
      %max3A_521 = arith.maximumf %max3A_514, %gather3A_520 : vector<16xf32>
      %xor3A_522 = arith.constant 4 : i32
      %xor3A_523 = vector.broadcast %xor3A_522 : i32 to vector<16xi32>
      %xor3A_524 = arith.xori %iota3A, %xor3A_523 : vector<16xi32>
      %broadcast_in_dim3A_525 = vector.shape_cast %xor3A_524 : vector<16xi32> to vector<16x1xi32>
      %gather3A_526 = vector.shape_cast %broadcast_in_dim3A_525 : vector<16x1xi32> to vector<16xi32>
      %gather3A_527 = tpu.dynamic_gather %max3A_521[%gather3A_526] in [0] : vector<16xf32>, vector<16xi32> -> vector<16xf32>
      %max3A_528 = arith.maximumf %max3A_521, %gather3A_527 : vector<16xf32>
      %xor3A_529 = arith.constant 8 : i32
      %xor3A_530 = vector.broadcast %xor3A_529 : i32 to vector<16xi32>
      %xor3A_531 = arith.xori %iota3A, %xor3A_530 : vector<16xi32>
      %broadcast_in_dim3A_532 = vector.shape_cast %xor3A_531 : vector<16xi32> to vector<16x1xi32>
      %gather3A_533 = vector.shape_cast %broadcast_in_dim3A_532 : vector<16x1xi32> to vector<16xi32>
      %gather3A_534 = tpu.dynamic_gather %max3A_528[%gather3A_533] in [0] : vector<16xf32>, vector<16xi32> -> vector<16xf32>
      %max3A_535 = arith.maximumf %max3A_528, %gather3A_534 : vector<16xf32>
      %eq3A_536 = arith.cmpf oeq, %select_n3A_446, %max3A_535 : vector<16xf32>
      %jit3A_537 = arith.constant -1 : i32
      %broadcast_in_dim3A_538 = vector.broadcast %jit3A_537 : i32 to vector<16xi32>
      %select_n3A_539 = arith.select %eq3A_536, %add3A_449, %broadcast_in_dim3A_538 : vector<16xi1>, vector<16xi32>
      %eq3A_540 = arith.cmpf oeq, %select_n3A_463, %max3A_535 : vector<16xf32>
      %jit3A_541 = arith.constant -1 : i32
      %broadcast_in_dim3A_542 = vector.broadcast %jit3A_541 : i32 to vector<16xi32>
      %select_n3A_543 = arith.select %eq3A_540, %add3A_466, %broadcast_in_dim3A_542 : vector<16xi1>, vector<16xi32>
      %eq3A_544 = arith.cmpf oeq, %select_n3A_480, %max3A_535 : vector<16xf32>
      %jit3A_545 = arith.constant -1 : i32
      %broadcast_in_dim3A_546 = vector.broadcast %jit3A_545 : i32 to vector<16xi32>
      %select_n3A_547 = arith.select %eq3A_544, %add3A_483, %broadcast_in_dim3A_546 : vector<16xi1>, vector<16xi32>
      %eq3A_548 = arith.cmpf oeq, %select_n3A_497, %max3A_535 : vector<16xf32>
      %jit3A_549 = arith.constant -1 : i32
      %broadcast_in_dim3A_550 = vector.broadcast %jit3A_549 : i32 to vector<16xi32>
      %select_n3A_551 = arith.select %eq3A_548, %add3A_500, %broadcast_in_dim3A_550 : vector<16xi1>, vector<16xi32>
      %max3A_552 = arith.maxsi %select_n3A_539, %select_n3A_543 : vector<16xi32>
      %max3A_553 = arith.maxsi %select_n3A_547, %select_n3A_551 : vector<16xi32>
      %max3A_554 = arith.maxsi %max3A_552, %max3A_553 : vector<16xi32>
      %xor3A_555 = arith.constant 1 : i32
      %xor3A_556 = vector.broadcast %xor3A_555 : i32 to vector<16xi32>
      %xor3A_557 = arith.xori %iota3A, %xor3A_556 : vector<16xi32>
      %broadcast_in_dim3A_558 = vector.shape_cast %xor3A_557 : vector<16xi32> to vector<16x1xi32>
      %gather3A_559 = vector.shape_cast %broadcast_in_dim3A_558 : vector<16x1xi32> to vector<16xi32>
      %gather3A_560 = tpu.dynamic_gather %max3A_554[%gather3A_559] in [0] : vector<16xi32>, vector<16xi32> -> vector<16xi32>
      %max3A_561 = arith.maxsi %max3A_554, %gather3A_560 : vector<16xi32>
      %xor3A_562 = arith.constant 2 : i32
      %xor3A_563 = vector.broadcast %xor3A_562 : i32 to vector<16xi32>
      %xor3A_564 = arith.xori %iota3A, %xor3A_563 : vector<16xi32>
      %broadcast_in_dim3A_565 = vector.shape_cast %xor3A_564 : vector<16xi32> to vector<16x1xi32>
      %gather3A_566 = vector.shape_cast %broadcast_in_dim3A_565 : vector<16x1xi32> to vector<16xi32>
      %gather3A_567 = tpu.dynamic_gather %max3A_561[%gather3A_566] in [0] : vector<16xi32>, vector<16xi32> -> vector<16xi32>
      %max3A_568 = arith.maxsi %max3A_561, %gather3A_567 : vector<16xi32>
      %xor3A_569 = arith.constant 4 : i32
      %xor3A_570 = vector.broadcast %xor3A_569 : i32 to vector<16xi32>
      %xor3A_571 = arith.xori %iota3A, %xor3A_570 : vector<16xi32>
      %broadcast_in_dim3A_572 = vector.shape_cast %xor3A_571 : vector<16xi32> to vector<16x1xi32>
      %gather3A_573 = vector.shape_cast %broadcast_in_dim3A_572 : vector<16x1xi32> to vector<16xi32>
      %gather3A_574 = tpu.dynamic_gather %max3A_568[%gather3A_573] in [0] : vector<16xi32>, vector<16xi32> -> vector<16xi32>
      %max3A_575 = arith.maxsi %max3A_568, %gather3A_574 : vector<16xi32>
      %xor3A_576 = arith.constant 8 : i32
      %xor3A_577 = vector.broadcast %xor3A_576 : i32 to vector<16xi32>
      %xor3A_578 = arith.xori %iota3A, %xor3A_577 : vector<16xi32>
      %broadcast_in_dim3A_579 = vector.shape_cast %xor3A_578 : vector<16xi32> to vector<16x1xi32>
      %gather3A_580 = vector.shape_cast %broadcast_in_dim3A_579 : vector<16x1xi32> to vector<16xi32>
      %gather3A_581 = tpu.dynamic_gather %max3A_575[%gather3A_580] in [0] : vector<16xi32>, vector<16xi32> -> vector<16xi32>
      %max3A_582 = arith.maxsi %max3A_575, %gather3A_581 : vector<16xi32>
      %eq3A_583 = arith.constant 7 : i32
      %eq3A_584 = vector.broadcast %eq3A_583 : i32 to vector<16xi32>
      %eq3A_585 = arith.cmpi eq, %iota3A, %eq3A_584 : vector<16xi32>
      %select_n3A_586 = arith.select %eq3A_585, %max3A_535, %broadcast_in_dim3A_502 : vector<16xi1>, vector<16xf32>
      %select_n3A_587 = arith.select %eq3A_585, %max3A_582, %broadcast_in_dim3A_504 : vector<16xi1>, vector<16xi32>
      %eq3A_588 = arith.cmpi eq, %add3A_449, %max3A_582 : vector<16xi32>
      %jit3A_589 = arith.constant 0xFF800000 : f32
      %broadcast_in_dim3A_590 = vector.broadcast %jit3A_589 : f32 to vector<16xf32>
      %select_n3A_591 = arith.select %eq3A_588, %broadcast_in_dim3A_590, %select_n3A_446 : vector<16xi1>, vector<16xf32>
      %eq3A_592 = arith.cmpi eq, %add3A_466, %max3A_582 : vector<16xi32>
      %jit3A_593 = arith.constant 0xFF800000 : f32
      %broadcast_in_dim3A_594 = vector.broadcast %jit3A_593 : f32 to vector<16xf32>
      %select_n3A_595 = arith.select %eq3A_592, %broadcast_in_dim3A_594, %select_n3A_463 : vector<16xi1>, vector<16xf32>
      %eq3A_596 = arith.cmpi eq, %add3A_483, %max3A_582 : vector<16xi32>
      %jit3A_597 = arith.constant 0xFF800000 : f32
      %broadcast_in_dim3A_598 = vector.broadcast %jit3A_597 : f32 to vector<16xf32>
      %select_n3A_599 = arith.select %eq3A_596, %broadcast_in_dim3A_598, %select_n3A_480 : vector<16xi1>, vector<16xf32>
      %eq3A_600 = arith.cmpi eq, %add3A_500, %max3A_582 : vector<16xi32>
      %jit3A_601 = arith.constant 0xFF800000 : f32
      %broadcast_in_dim3A_602 = vector.broadcast %jit3A_601 : f32 to vector<16xf32>
      %select_n3A_603 = arith.select %eq3A_600, %broadcast_in_dim3A_602, %select_n3A_497 : vector<16xi1>, vector<16xf32>
      %max3A_604 = arith.maximumf %select_n3A_591, %select_n3A_595 : vector<16xf32>
      %max3A_605 = arith.maximumf %select_n3A_599, %select_n3A_603 : vector<16xf32>
      %max3A_606 = arith.maximumf %max3A_604, %max3A_605 : vector<16xf32>
      %xor3A_607 = arith.constant 1 : i32
      %xor3A_608 = vector.broadcast %xor3A_607 : i32 to vector<16xi32>
      %xor3A_609 = arith.xori %iota3A, %xor3A_608 : vector<16xi32>
      %broadcast_in_dim3A_610 = vector.shape_cast %xor3A_609 : vector<16xi32> to vector<16x1xi32>
      %gather3A_611 = vector.shape_cast %broadcast_in_dim3A_610 : vector<16x1xi32> to vector<16xi32>
      %gather3A_612 = tpu.dynamic_gather %max3A_606[%gather3A_611] in [0] : vector<16xf32>, vector<16xi32> -> vector<16xf32>
      %max3A_613 = arith.maximumf %max3A_606, %gather3A_612 : vector<16xf32>
      %xor3A_614 = arith.constant 2 : i32
      %xor3A_615 = vector.broadcast %xor3A_614 : i32 to vector<16xi32>
      %xor3A_616 = arith.xori %iota3A, %xor3A_615 : vector<16xi32>
      %broadcast_in_dim3A_617 = vector.shape_cast %xor3A_616 : vector<16xi32> to vector<16x1xi32>
      %gather3A_618 = vector.shape_cast %broadcast_in_dim3A_617 : vector<16x1xi32> to vector<16xi32>
      %gather3A_619 = tpu.dynamic_gather %max3A_613[%gather3A_618] in [0] : vector<16xf32>, vector<16xi32> -> vector<16xf32>
      %max3A_620 = arith.maximumf %max3A_613, %gather3A_619 : vector<16xf32>
      %xor3A_621 = arith.constant 4 : i32
      %xor3A_622 = vector.broadcast %xor3A_621 : i32 to vector<16xi32>
      %xor3A_623 = arith.xori %iota3A, %xor3A_622 : vector<16xi32>
      %broadcast_in_dim3A_624 = vector.shape_cast %xor3A_623 : vector<16xi32> to vector<16x1xi32>
      %gather3A_625 = vector.shape_cast %broadcast_in_dim3A_624 : vector<16x1xi32> to vector<16xi32>
      %gather3A_626 = tpu.dynamic_gather %max3A_620[%gather3A_625] in [0] : vector<16xf32>, vector<16xi32> -> vector<16xf32>
      %max3A_627 = arith.maximumf %max3A_620, %gather3A_626 : vector<16xf32>
      %xor3A_628 = arith.constant 8 : i32
      %xor3A_629 = vector.broadcast %xor3A_628 : i32 to vector<16xi32>
      %xor3A_630 = arith.xori %iota3A, %xor3A_629 : vector<16xi32>
      %broadcast_in_dim3A_631 = vector.shape_cast %xor3A_630 : vector<16xi32> to vector<16x1xi32>
      %gather3A_632 = vector.shape_cast %broadcast_in_dim3A_631 : vector<16x1xi32> to vector<16xi32>
      %gather3A_633 = tpu.dynamic_gather %max3A_627[%gather3A_632] in [0] : vector<16xf32>, vector<16xi32> -> vector<16xf32>
      %max3A_634 = arith.maximumf %max3A_627, %gather3A_633 : vector<16xf32>
      %eq3A_635 = arith.cmpf oeq, %select_n3A_591, %max3A_634 : vector<16xf32>
      %jit3A_636 = arith.constant -1 : i32
      %broadcast_in_dim3A_637 = vector.broadcast %jit3A_636 : i32 to vector<16xi32>
      %select_n3A_638 = arith.select %eq3A_635, %add3A_449, %broadcast_in_dim3A_637 : vector<16xi1>, vector<16xi32>
      %eq3A_639 = arith.cmpf oeq, %select_n3A_595, %max3A_634 : vector<16xf32>
      %jit3A_640 = arith.constant -1 : i32
      %broadcast_in_dim3A_641 = vector.broadcast %jit3A_640 : i32 to vector<16xi32>
      %select_n3A_642 = arith.select %eq3A_639, %add3A_466, %broadcast_in_dim3A_641 : vector<16xi1>, vector<16xi32>
      %eq3A_643 = arith.cmpf oeq, %select_n3A_599, %max3A_634 : vector<16xf32>
      %jit3A_644 = arith.constant -1 : i32
      %broadcast_in_dim3A_645 = vector.broadcast %jit3A_644 : i32 to vector<16xi32>
      %select_n3A_646 = arith.select %eq3A_643, %add3A_483, %broadcast_in_dim3A_645 : vector<16xi1>, vector<16xi32>
      %eq3A_647 = arith.cmpf oeq, %select_n3A_603, %max3A_634 : vector<16xf32>
      %jit3A_648 = arith.constant -1 : i32
      %broadcast_in_dim3A_649 = vector.broadcast %jit3A_648 : i32 to vector<16xi32>
      %select_n3A_650 = arith.select %eq3A_647, %add3A_500, %broadcast_in_dim3A_649 : vector<16xi1>, vector<16xi32>
      %max3A_651 = arith.maxsi %select_n3A_638, %select_n3A_642 : vector<16xi32>
      %max3A_652 = arith.maxsi %select_n3A_646, %select_n3A_650 : vector<16xi32>
      %max3A_653 = arith.maxsi %max3A_651, %max3A_652 : vector<16xi32>
      %xor3A_654 = arith.constant 1 : i32
      %xor3A_655 = vector.broadcast %xor3A_654 : i32 to vector<16xi32>
      %xor3A_656 = arith.xori %iota3A, %xor3A_655 : vector<16xi32>
      %broadcast_in_dim3A_657 = vector.shape_cast %xor3A_656 : vector<16xi32> to vector<16x1xi32>
      %gather3A_658 = vector.shape_cast %broadcast_in_dim3A_657 : vector<16x1xi32> to vector<16xi32>
      %gather3A_659 = tpu.dynamic_gather %max3A_653[%gather3A_658] in [0] : vector<16xi32>, vector<16xi32> -> vector<16xi32>
      %max3A_660 = arith.maxsi %max3A_653, %gather3A_659 : vector<16xi32>
      %xor3A_661 = arith.constant 2 : i32
      %xor3A_662 = vector.broadcast %xor3A_661 : i32 to vector<16xi32>
      %xor3A_663 = arith.xori %iota3A, %xor3A_662 : vector<16xi32>
      %broadcast_in_dim3A_664 = vector.shape_cast %xor3A_663 : vector<16xi32> to vector<16x1xi32>
      %gather3A_665 = vector.shape_cast %broadcast_in_dim3A_664 : vector<16x1xi32> to vector<16xi32>
      %gather3A_666 = tpu.dynamic_gather %max3A_660[%gather3A_665] in [0] : vector<16xi32>, vector<16xi32> -> vector<16xi32>
      %max3A_667 = arith.maxsi %max3A_660, %gather3A_666 : vector<16xi32>
      %xor3A_668 = arith.constant 4 : i32
      %xor3A_669 = vector.broadcast %xor3A_668 : i32 to vector<16xi32>
      %xor3A_670 = arith.xori %iota3A, %xor3A_669 : vector<16xi32>
      %broadcast_in_dim3A_671 = vector.shape_cast %xor3A_670 : vector<16xi32> to vector<16x1xi32>
      %gather3A_672 = vector.shape_cast %broadcast_in_dim3A_671 : vector<16x1xi32> to vector<16xi32>
      %gather3A_673 = tpu.dynamic_gather %max3A_667[%gather3A_672] in [0] : vector<16xi32>, vector<16xi32> -> vector<16xi32>
      %max3A_674 = arith.maxsi %max3A_667, %gather3A_673 : vector<16xi32>
      %xor3A_675 = arith.constant 8 : i32
      %xor3A_676 = vector.broadcast %xor3A_675 : i32 to vector<16xi32>
      %xor3A_677 = arith.xori %iota3A, %xor3A_676 : vector<16xi32>
      %broadcast_in_dim3A_678 = vector.shape_cast %xor3A_677 : vector<16xi32> to vector<16x1xi32>
      %gather3A_679 = vector.shape_cast %broadcast_in_dim3A_678 : vector<16x1xi32> to vector<16xi32>
      %gather3A_680 = tpu.dynamic_gather %max3A_674[%gather3A_679] in [0] : vector<16xi32>, vector<16xi32> -> vector<16xi32>
      %max3A_681 = arith.maxsi %max3A_674, %gather3A_680 : vector<16xi32>
      %eq3A_682 = arith.constant 6 : i32
      %eq3A_683 = vector.broadcast %eq3A_682 : i32 to vector<16xi32>
      %eq3A_684 = arith.cmpi eq, %iota3A, %eq3A_683 : vector<16xi32>
      %select_n3A_685 = arith.select %eq3A_684, %max3A_634, %select_n3A_586 : vector<16xi1>, vector<16xf32>
      %select_n3A_686 = arith.select %eq3A_684, %max3A_681, %select_n3A_587 : vector<16xi1>, vector<16xi32>
      %eq3A_687 = arith.cmpi eq, %add3A_449, %max3A_681 : vector<16xi32>
      %jit3A_688 = arith.constant 0xFF800000 : f32
      %broadcast_in_dim3A_689 = vector.broadcast %jit3A_688 : f32 to vector<16xf32>
      %select_n3A_690 = arith.select %eq3A_687, %broadcast_in_dim3A_689, %select_n3A_591 : vector<16xi1>, vector<16xf32>
      %eq3A_691 = arith.cmpi eq, %add3A_466, %max3A_681 : vector<16xi32>
      %jit3A_692 = arith.constant 0xFF800000 : f32
      %broadcast_in_dim3A_693 = vector.broadcast %jit3A_692 : f32 to vector<16xf32>
      %select_n3A_694 = arith.select %eq3A_691, %broadcast_in_dim3A_693, %select_n3A_595 : vector<16xi1>, vector<16xf32>
      %eq3A_695 = arith.cmpi eq, %add3A_483, %max3A_681 : vector<16xi32>
      %jit3A_696 = arith.constant 0xFF800000 : f32
      %broadcast_in_dim3A_697 = vector.broadcast %jit3A_696 : f32 to vector<16xf32>
      %select_n3A_698 = arith.select %eq3A_695, %broadcast_in_dim3A_697, %select_n3A_599 : vector<16xi1>, vector<16xf32>
      %eq3A_699 = arith.cmpi eq, %add3A_500, %max3A_681 : vector<16xi32>
      %jit3A_700 = arith.constant 0xFF800000 : f32
      %broadcast_in_dim3A_701 = vector.broadcast %jit3A_700 : f32 to vector<16xf32>
      %select_n3A_702 = arith.select %eq3A_699, %broadcast_in_dim3A_701, %select_n3A_603 : vector<16xi1>, vector<16xf32>
      %max3A_703 = arith.maximumf %select_n3A_690, %select_n3A_694 : vector<16xf32>
      %max3A_704 = arith.maximumf %select_n3A_698, %select_n3A_702 : vector<16xf32>
      %max3A_705 = arith.maximumf %max3A_703, %max3A_704 : vector<16xf32>
      %xor3A_706 = arith.constant 1 : i32
      %xor3A_707 = vector.broadcast %xor3A_706 : i32 to vector<16xi32>
      %xor3A_708 = arith.xori %iota3A, %xor3A_707 : vector<16xi32>
      %broadcast_in_dim3A_709 = vector.shape_cast %xor3A_708 : vector<16xi32> to vector<16x1xi32>
      %gather3A_710 = vector.shape_cast %broadcast_in_dim3A_709 : vector<16x1xi32> to vector<16xi32>
      %gather3A_711 = tpu.dynamic_gather %max3A_705[%gather3A_710] in [0] : vector<16xf32>, vector<16xi32> -> vector<16xf32>
      %max3A_712 = arith.maximumf %max3A_705, %gather3A_711 : vector<16xf32>
      %xor3A_713 = arith.constant 2 : i32
      %xor3A_714 = vector.broadcast %xor3A_713 : i32 to vector<16xi32>
      %xor3A_715 = arith.xori %iota3A, %xor3A_714 : vector<16xi32>
      %broadcast_in_dim3A_716 = vector.shape_cast %xor3A_715 : vector<16xi32> to vector<16x1xi32>
      %gather3A_717 = vector.shape_cast %broadcast_in_dim3A_716 : vector<16x1xi32> to vector<16xi32>
      %gather3A_718 = tpu.dynamic_gather %max3A_712[%gather3A_717] in [0] : vector<16xf32>, vector<16xi32> -> vector<16xf32>
      %max3A_719 = arith.maximumf %max3A_712, %gather3A_718 : vector<16xf32>
      %xor3A_720 = arith.constant 4 : i32
      %xor3A_721 = vector.broadcast %xor3A_720 : i32 to vector<16xi32>
      %xor3A_722 = arith.xori %iota3A, %xor3A_721 : vector<16xi32>
      %broadcast_in_dim3A_723 = vector.shape_cast %xor3A_722 : vector<16xi32> to vector<16x1xi32>
      %gather3A_724 = vector.shape_cast %broadcast_in_dim3A_723 : vector<16x1xi32> to vector<16xi32>
      %gather3A_725 = tpu.dynamic_gather %max3A_719[%gather3A_724] in [0] : vector<16xf32>, vector<16xi32> -> vector<16xf32>
      %max3A_726 = arith.maximumf %max3A_719, %gather3A_725 : vector<16xf32>
      %xor3A_727 = arith.constant 8 : i32
      %xor3A_728 = vector.broadcast %xor3A_727 : i32 to vector<16xi32>
      %xor3A_729 = arith.xori %iota3A, %xor3A_728 : vector<16xi32>
      %broadcast_in_dim3A_730 = vector.shape_cast %xor3A_729 : vector<16xi32> to vector<16x1xi32>
      %gather3A_731 = vector.shape_cast %broadcast_in_dim3A_730 : vector<16x1xi32> to vector<16xi32>
      %gather3A_732 = tpu.dynamic_gather %max3A_726[%gather3A_731] in [0] : vector<16xf32>, vector<16xi32> -> vector<16xf32>
      %max3A_733 = arith.maximumf %max3A_726, %gather3A_732 : vector<16xf32>
      %eq3A_734 = arith.cmpf oeq, %select_n3A_690, %max3A_733 : vector<16xf32>
      %jit3A_735 = arith.constant -1 : i32
      %broadcast_in_dim3A_736 = vector.broadcast %jit3A_735 : i32 to vector<16xi32>
      %select_n3A_737 = arith.select %eq3A_734, %add3A_449, %broadcast_in_dim3A_736 : vector<16xi1>, vector<16xi32>
      %eq3A_738 = arith.cmpf oeq, %select_n3A_694, %max3A_733 : vector<16xf32>
      %jit3A_739 = arith.constant -1 : i32
      %broadcast_in_dim3A_740 = vector.broadcast %jit3A_739 : i32 to vector<16xi32>
      %select_n3A_741 = arith.select %eq3A_738, %add3A_466, %broadcast_in_dim3A_740 : vector<16xi1>, vector<16xi32>
      %eq3A_742 = arith.cmpf oeq, %select_n3A_698, %max3A_733 : vector<16xf32>
      %jit3A_743 = arith.constant -1 : i32
      %broadcast_in_dim3A_744 = vector.broadcast %jit3A_743 : i32 to vector<16xi32>
      %select_n3A_745 = arith.select %eq3A_742, %add3A_483, %broadcast_in_dim3A_744 : vector<16xi1>, vector<16xi32>
      %eq3A_746 = arith.cmpf oeq, %select_n3A_702, %max3A_733 : vector<16xf32>
      %jit3A_747 = arith.constant -1 : i32
      %broadcast_in_dim3A_748 = vector.broadcast %jit3A_747 : i32 to vector<16xi32>
      %select_n3A_749 = arith.select %eq3A_746, %add3A_500, %broadcast_in_dim3A_748 : vector<16xi1>, vector<16xi32>
      %max3A_750 = arith.maxsi %select_n3A_737, %select_n3A_741 : vector<16xi32>
      %max3A_751 = arith.maxsi %select_n3A_745, %select_n3A_749 : vector<16xi32>
      %max3A_752 = arith.maxsi %max3A_750, %max3A_751 : vector<16xi32>
      %xor3A_753 = arith.constant 1 : i32
      %xor3A_754 = vector.broadcast %xor3A_753 : i32 to vector<16xi32>
      %xor3A_755 = arith.xori %iota3A, %xor3A_754 : vector<16xi32>
      %broadcast_in_dim3A_756 = vector.shape_cast %xor3A_755 : vector<16xi32> to vector<16x1xi32>
      %gather3A_757 = vector.shape_cast %broadcast_in_dim3A_756 : vector<16x1xi32> to vector<16xi32>
      %gather3A_758 = tpu.dynamic_gather %max3A_752[%gather3A_757] in [0] : vector<16xi32>, vector<16xi32> -> vector<16xi32>
      %max3A_759 = arith.maxsi %max3A_752, %gather3A_758 : vector<16xi32>
      %xor3A_760 = arith.constant 2 : i32
      %xor3A_761 = vector.broadcast %xor3A_760 : i32 to vector<16xi32>
      %xor3A_762 = arith.xori %iota3A, %xor3A_761 : vector<16xi32>
      %broadcast_in_dim3A_763 = vector.shape_cast %xor3A_762 : vector<16xi32> to vector<16x1xi32>
      %gather3A_764 = vector.shape_cast %broadcast_in_dim3A_763 : vector<16x1xi32> to vector<16xi32>
      %gather3A_765 = tpu.dynamic_gather %max3A_759[%gather3A_764] in [0] : vector<16xi32>, vector<16xi32> -> vector<16xi32>
      %max3A_766 = arith.maxsi %max3A_759, %gather3A_765 : vector<16xi32>
      %xor3A_767 = arith.constant 4 : i32
      %xor3A_768 = vector.broadcast %xor3A_767 : i32 to vector<16xi32>
      %xor3A_769 = arith.xori %iota3A, %xor3A_768 : vector<16xi32>
      %broadcast_in_dim3A_770 = vector.shape_cast %xor3A_769 : vector<16xi32> to vector<16x1xi32>
      %gather3A_771 = vector.shape_cast %broadcast_in_dim3A_770 : vector<16x1xi32> to vector<16xi32>
      %gather3A_772 = tpu.dynamic_gather %max3A_766[%gather3A_771] in [0] : vector<16xi32>, vector<16xi32> -> vector<16xi32>
      %max3A_773 = arith.maxsi %max3A_766, %gather3A_772 : vector<16xi32>
      %xor3A_774 = arith.constant 8 : i32
      %xor3A_775 = vector.broadcast %xor3A_774 : i32 to vector<16xi32>
      %xor3A_776 = arith.xori %iota3A, %xor3A_775 : vector<16xi32>
      %broadcast_in_dim3A_777 = vector.shape_cast %xor3A_776 : vector<16xi32> to vector<16x1xi32>
      %gather3A_778 = vector.shape_cast %broadcast_in_dim3A_777 : vector<16x1xi32> to vector<16xi32>
      %gather3A_779 = tpu.dynamic_gather %max3A_773[%gather3A_778] in [0] : vector<16xi32>, vector<16xi32> -> vector<16xi32>
      %max3A_780 = arith.maxsi %max3A_773, %gather3A_779 : vector<16xi32>
      %eq3A_781 = arith.constant 5 : i32
      %eq3A_782 = vector.broadcast %eq3A_781 : i32 to vector<16xi32>
      %eq3A_783 = arith.cmpi eq, %iota3A, %eq3A_782 : vector<16xi32>
      %select_n3A_784 = arith.select %eq3A_783, %max3A_733, %select_n3A_685 : vector<16xi1>, vector<16xf32>
      %select_n3A_785 = arith.select %eq3A_783, %max3A_780, %select_n3A_686 : vector<16xi1>, vector<16xi32>
      %eq3A_786 = arith.cmpi eq, %add3A_449, %max3A_780 : vector<16xi32>
      %jit3A_787 = arith.constant 0xFF800000 : f32
      %broadcast_in_dim3A_788 = vector.broadcast %jit3A_787 : f32 to vector<16xf32>
      %select_n3A_789 = arith.select %eq3A_786, %broadcast_in_dim3A_788, %select_n3A_690 : vector<16xi1>, vector<16xf32>
      %eq3A_790 = arith.cmpi eq, %add3A_466, %max3A_780 : vector<16xi32>
      %jit3A_791 = arith.constant 0xFF800000 : f32
      %broadcast_in_dim3A_792 = vector.broadcast %jit3A_791 : f32 to vector<16xf32>
      %select_n3A_793 = arith.select %eq3A_790, %broadcast_in_dim3A_792, %select_n3A_694 : vector<16xi1>, vector<16xf32>
      %eq3A_794 = arith.cmpi eq, %add3A_483, %max3A_780 : vector<16xi32>
      %jit3A_795 = arith.constant 0xFF800000 : f32
      %broadcast_in_dim3A_796 = vector.broadcast %jit3A_795 : f32 to vector<16xf32>
      %select_n3A_797 = arith.select %eq3A_794, %broadcast_in_dim3A_796, %select_n3A_698 : vector<16xi1>, vector<16xf32>
      %eq3A_798 = arith.cmpi eq, %add3A_500, %max3A_780 : vector<16xi32>
      %jit3A_799 = arith.constant 0xFF800000 : f32
      %broadcast_in_dim3A_800 = vector.broadcast %jit3A_799 : f32 to vector<16xf32>
      %select_n3A_801 = arith.select %eq3A_798, %broadcast_in_dim3A_800, %select_n3A_702 : vector<16xi1>, vector<16xf32>
      %max3A_802 = arith.maximumf %select_n3A_789, %select_n3A_793 : vector<16xf32>
      %max3A_803 = arith.maximumf %select_n3A_797, %select_n3A_801 : vector<16xf32>
      %max3A_804 = arith.maximumf %max3A_802, %max3A_803 : vector<16xf32>
      %xor3A_805 = arith.constant 1 : i32
      %xor3A_806 = vector.broadcast %xor3A_805 : i32 to vector<16xi32>
      %xor3A_807 = arith.xori %iota3A, %xor3A_806 : vector<16xi32>
      %broadcast_in_dim3A_808 = vector.shape_cast %xor3A_807 : vector<16xi32> to vector<16x1xi32>
      %gather3A_809 = vector.shape_cast %broadcast_in_dim3A_808 : vector<16x1xi32> to vector<16xi32>
      %gather3A_810 = tpu.dynamic_gather %max3A_804[%gather3A_809] in [0] : vector<16xf32>, vector<16xi32> -> vector<16xf32>
      %max3A_811 = arith.maximumf %max3A_804, %gather3A_810 : vector<16xf32>
      %xor3A_812 = arith.constant 2 : i32
      %xor3A_813 = vector.broadcast %xor3A_812 : i32 to vector<16xi32>
      %xor3A_814 = arith.xori %iota3A, %xor3A_813 : vector<16xi32>
      %broadcast_in_dim3A_815 = vector.shape_cast %xor3A_814 : vector<16xi32> to vector<16x1xi32>
      %gather3A_816 = vector.shape_cast %broadcast_in_dim3A_815 : vector<16x1xi32> to vector<16xi32>
      %gather3A_817 = tpu.dynamic_gather %max3A_811[%gather3A_816] in [0] : vector<16xf32>, vector<16xi32> -> vector<16xf32>
      %max3A_818 = arith.maximumf %max3A_811, %gather3A_817 : vector<16xf32>
      %xor3A_819 = arith.constant 4 : i32
      %xor3A_820 = vector.broadcast %xor3A_819 : i32 to vector<16xi32>
      %xor3A_821 = arith.xori %iota3A, %xor3A_820 : vector<16xi32>
      %broadcast_in_dim3A_822 = vector.shape_cast %xor3A_821 : vector<16xi32> to vector<16x1xi32>
      %gather3A_823 = vector.shape_cast %broadcast_in_dim3A_822 : vector<16x1xi32> to vector<16xi32>
      %gather3A_824 = tpu.dynamic_gather %max3A_818[%gather3A_823] in [0] : vector<16xf32>, vector<16xi32> -> vector<16xf32>
      %max3A_825 = arith.maximumf %max3A_818, %gather3A_824 : vector<16xf32>
      %xor3A_826 = arith.constant 8 : i32
      %xor3A_827 = vector.broadcast %xor3A_826 : i32 to vector<16xi32>
      %xor3A_828 = arith.xori %iota3A, %xor3A_827 : vector<16xi32>
      %broadcast_in_dim3A_829 = vector.shape_cast %xor3A_828 : vector<16xi32> to vector<16x1xi32>
      %gather3A_830 = vector.shape_cast %broadcast_in_dim3A_829 : vector<16x1xi32> to vector<16xi32>
      %gather3A_831 = tpu.dynamic_gather %max3A_825[%gather3A_830] in [0] : vector<16xf32>, vector<16xi32> -> vector<16xf32>
      %max3A_832 = arith.maximumf %max3A_825, %gather3A_831 : vector<16xf32>
      %eq3A_833 = arith.cmpf oeq, %select_n3A_789, %max3A_832 : vector<16xf32>
      %jit3A_834 = arith.constant -1 : i32
      %broadcast_in_dim3A_835 = vector.broadcast %jit3A_834 : i32 to vector<16xi32>
      %select_n3A_836 = arith.select %eq3A_833, %add3A_449, %broadcast_in_dim3A_835 : vector<16xi1>, vector<16xi32>
      %eq3A_837 = arith.cmpf oeq, %select_n3A_793, %max3A_832 : vector<16xf32>
      %jit3A_838 = arith.constant -1 : i32
      %broadcast_in_dim3A_839 = vector.broadcast %jit3A_838 : i32 to vector<16xi32>
      %select_n3A_840 = arith.select %eq3A_837, %add3A_466, %broadcast_in_dim3A_839 : vector<16xi1>, vector<16xi32>
      %eq3A_841 = arith.cmpf oeq, %select_n3A_797, %max3A_832 : vector<16xf32>
      %jit3A_842 = arith.constant -1 : i32
      %broadcast_in_dim3A_843 = vector.broadcast %jit3A_842 : i32 to vector<16xi32>
      %select_n3A_844 = arith.select %eq3A_841, %add3A_483, %broadcast_in_dim3A_843 : vector<16xi1>, vector<16xi32>
      %eq3A_845 = arith.cmpf oeq, %select_n3A_801, %max3A_832 : vector<16xf32>
      %jit3A_846 = arith.constant -1 : i32
      %broadcast_in_dim3A_847 = vector.broadcast %jit3A_846 : i32 to vector<16xi32>
      %select_n3A_848 = arith.select %eq3A_845, %add3A_500, %broadcast_in_dim3A_847 : vector<16xi1>, vector<16xi32>
      %max3A_849 = arith.maxsi %select_n3A_836, %select_n3A_840 : vector<16xi32>
      %max3A_850 = arith.maxsi %select_n3A_844, %select_n3A_848 : vector<16xi32>
      %max3A_851 = arith.maxsi %max3A_849, %max3A_850 : vector<16xi32>
      %xor3A_852 = arith.constant 1 : i32
      %xor3A_853 = vector.broadcast %xor3A_852 : i32 to vector<16xi32>
      %xor3A_854 = arith.xori %iota3A, %xor3A_853 : vector<16xi32>
      %broadcast_in_dim3A_855 = vector.shape_cast %xor3A_854 : vector<16xi32> to vector<16x1xi32>
      %gather3A_856 = vector.shape_cast %broadcast_in_dim3A_855 : vector<16x1xi32> to vector<16xi32>
      %gather3A_857 = tpu.dynamic_gather %max3A_851[%gather3A_856] in [0] : vector<16xi32>, vector<16xi32> -> vector<16xi32>
      %max3A_858 = arith.maxsi %max3A_851, %gather3A_857 : vector<16xi32>
      %xor3A_859 = arith.constant 2 : i32
      %xor3A_860 = vector.broadcast %xor3A_859 : i32 to vector<16xi32>
      %xor3A_861 = arith.xori %iota3A, %xor3A_860 : vector<16xi32>
      %broadcast_in_dim3A_862 = vector.shape_cast %xor3A_861 : vector<16xi32> to vector<16x1xi32>
      %gather3A_863 = vector.shape_cast %broadcast_in_dim3A_862 : vector<16x1xi32> to vector<16xi32>
      %gather3A_864 = tpu.dynamic_gather %max3A_858[%gather3A_863] in [0] : vector<16xi32>, vector<16xi32> -> vector<16xi32>
      %max3A_865 = arith.maxsi %max3A_858, %gather3A_864 : vector<16xi32>
      %xor3A_866 = arith.constant 4 : i32
      %xor3A_867 = vector.broadcast %xor3A_866 : i32 to vector<16xi32>
      %xor3A_868 = arith.xori %iota3A, %xor3A_867 : vector<16xi32>
      %broadcast_in_dim3A_869 = vector.shape_cast %xor3A_868 : vector<16xi32> to vector<16x1xi32>
      %gather3A_870 = vector.shape_cast %broadcast_in_dim3A_869 : vector<16x1xi32> to vector<16xi32>
      %gather3A_871 = tpu.dynamic_gather %max3A_865[%gather3A_870] in [0] : vector<16xi32>, vector<16xi32> -> vector<16xi32>
      %max3A_872 = arith.maxsi %max3A_865, %gather3A_871 : vector<16xi32>
      %xor3A_873 = arith.constant 8 : i32
      %xor3A_874 = vector.broadcast %xor3A_873 : i32 to vector<16xi32>
      %xor3A_875 = arith.xori %iota3A, %xor3A_874 : vector<16xi32>
      %broadcast_in_dim3A_876 = vector.shape_cast %xor3A_875 : vector<16xi32> to vector<16x1xi32>
      %gather3A_877 = vector.shape_cast %broadcast_in_dim3A_876 : vector<16x1xi32> to vector<16xi32>
      %gather3A_878 = tpu.dynamic_gather %max3A_872[%gather3A_877] in [0] : vector<16xi32>, vector<16xi32> -> vector<16xi32>
      %max3A_879 = arith.maxsi %max3A_872, %gather3A_878 : vector<16xi32>
      %eq3A_880 = arith.constant 4 : i32
      %eq3A_881 = vector.broadcast %eq3A_880 : i32 to vector<16xi32>
      %eq3A_882 = arith.cmpi eq, %iota3A, %eq3A_881 : vector<16xi32>
      %select_n3A_883 = arith.select %eq3A_882, %max3A_832, %select_n3A_784 : vector<16xi1>, vector<16xf32>
      %select_n3A_884 = arith.select %eq3A_882, %max3A_879, %select_n3A_785 : vector<16xi1>, vector<16xi32>
      %eq3A_885 = arith.cmpi eq, %add3A_449, %max3A_879 : vector<16xi32>
      %jit3A_886 = arith.constant 0xFF800000 : f32
      %broadcast_in_dim3A_887 = vector.broadcast %jit3A_886 : f32 to vector<16xf32>
      %select_n3A_888 = arith.select %eq3A_885, %broadcast_in_dim3A_887, %select_n3A_789 : vector<16xi1>, vector<16xf32>
      %eq3A_889 = arith.cmpi eq, %add3A_466, %max3A_879 : vector<16xi32>
      %jit3A_890 = arith.constant 0xFF800000 : f32
      %broadcast_in_dim3A_891 = vector.broadcast %jit3A_890 : f32 to vector<16xf32>
      %select_n3A_892 = arith.select %eq3A_889, %broadcast_in_dim3A_891, %select_n3A_793 : vector<16xi1>, vector<16xf32>
      %eq3A_893 = arith.cmpi eq, %add3A_483, %max3A_879 : vector<16xi32>
      %jit3A_894 = arith.constant 0xFF800000 : f32
      %broadcast_in_dim3A_895 = vector.broadcast %jit3A_894 : f32 to vector<16xf32>
      %select_n3A_896 = arith.select %eq3A_893, %broadcast_in_dim3A_895, %select_n3A_797 : vector<16xi1>, vector<16xf32>
      %eq3A_897 = arith.cmpi eq, %add3A_500, %max3A_879 : vector<16xi32>
      %jit3A_898 = arith.constant 0xFF800000 : f32
      %broadcast_in_dim3A_899 = vector.broadcast %jit3A_898 : f32 to vector<16xf32>
      %select_n3A_900 = arith.select %eq3A_897, %broadcast_in_dim3A_899, %select_n3A_801 : vector<16xi1>, vector<16xf32>
      %max3A_901 = arith.maximumf %select_n3A_888, %select_n3A_892 : vector<16xf32>
      %max3A_902 = arith.maximumf %select_n3A_896, %select_n3A_900 : vector<16xf32>
      %max3A_903 = arith.maximumf %max3A_901, %max3A_902 : vector<16xf32>
      %xor3A_904 = arith.constant 1 : i32
      %xor3A_905 = vector.broadcast %xor3A_904 : i32 to vector<16xi32>
      %xor3A_906 = arith.xori %iota3A, %xor3A_905 : vector<16xi32>
      %broadcast_in_dim3A_907 = vector.shape_cast %xor3A_906 : vector<16xi32> to vector<16x1xi32>
      %gather3A_908 = vector.shape_cast %broadcast_in_dim3A_907 : vector<16x1xi32> to vector<16xi32>
      %gather3A_909 = tpu.dynamic_gather %max3A_903[%gather3A_908] in [0] : vector<16xf32>, vector<16xi32> -> vector<16xf32>
      %max3A_910 = arith.maximumf %max3A_903, %gather3A_909 : vector<16xf32>
      %xor3A_911 = arith.constant 2 : i32
      %xor3A_912 = vector.broadcast %xor3A_911 : i32 to vector<16xi32>
      %xor3A_913 = arith.xori %iota3A, %xor3A_912 : vector<16xi32>
      %broadcast_in_dim3A_914 = vector.shape_cast %xor3A_913 : vector<16xi32> to vector<16x1xi32>
      %gather3A_915 = vector.shape_cast %broadcast_in_dim3A_914 : vector<16x1xi32> to vector<16xi32>
      %gather3A_916 = tpu.dynamic_gather %max3A_910[%gather3A_915] in [0] : vector<16xf32>, vector<16xi32> -> vector<16xf32>
      %max3A_917 = arith.maximumf %max3A_910, %gather3A_916 : vector<16xf32>
      %xor3A_918 = arith.constant 4 : i32
      %xor3A_919 = vector.broadcast %xor3A_918 : i32 to vector<16xi32>
      %xor3A_920 = arith.xori %iota3A, %xor3A_919 : vector<16xi32>
      %broadcast_in_dim3A_921 = vector.shape_cast %xor3A_920 : vector<16xi32> to vector<16x1xi32>
      %gather3A_922 = vector.shape_cast %broadcast_in_dim3A_921 : vector<16x1xi32> to vector<16xi32>
      %gather3A_923 = tpu.dynamic_gather %max3A_917[%gather3A_922] in [0] : vector<16xf32>, vector<16xi32> -> vector<16xf32>
      %max3A_924 = arith.maximumf %max3A_917, %gather3A_923 : vector<16xf32>
      %xor3A_925 = arith.constant 8 : i32
      %xor3A_926 = vector.broadcast %xor3A_925 : i32 to vector<16xi32>
      %xor3A_927 = arith.xori %iota3A, %xor3A_926 : vector<16xi32>
      %broadcast_in_dim3A_928 = vector.shape_cast %xor3A_927 : vector<16xi32> to vector<16x1xi32>
      %gather3A_929 = vector.shape_cast %broadcast_in_dim3A_928 : vector<16x1xi32> to vector<16xi32>
      %gather3A_930 = tpu.dynamic_gather %max3A_924[%gather3A_929] in [0] : vector<16xf32>, vector<16xi32> -> vector<16xf32>
      %max3A_931 = arith.maximumf %max3A_924, %gather3A_930 : vector<16xf32>
      %eq3A_932 = arith.cmpf oeq, %select_n3A_888, %max3A_931 : vector<16xf32>
      %jit3A_933 = arith.constant -1 : i32
      %broadcast_in_dim3A_934 = vector.broadcast %jit3A_933 : i32 to vector<16xi32>
      %select_n3A_935 = arith.select %eq3A_932, %add3A_449, %broadcast_in_dim3A_934 : vector<16xi1>, vector<16xi32>
      %eq3A_936 = arith.cmpf oeq, %select_n3A_892, %max3A_931 : vector<16xf32>
      %jit3A_937 = arith.constant -1 : i32
      %broadcast_in_dim3A_938 = vector.broadcast %jit3A_937 : i32 to vector<16xi32>
      %select_n3A_939 = arith.select %eq3A_936, %add3A_466, %broadcast_in_dim3A_938 : vector<16xi1>, vector<16xi32>
      %eq3A_940 = arith.cmpf oeq, %select_n3A_896, %max3A_931 : vector<16xf32>
      %jit3A_941 = arith.constant -1 : i32
      %broadcast_in_dim3A_942 = vector.broadcast %jit3A_941 : i32 to vector<16xi32>
      %select_n3A_943 = arith.select %eq3A_940, %add3A_483, %broadcast_in_dim3A_942 : vector<16xi1>, vector<16xi32>
      %eq3A_944 = arith.cmpf oeq, %select_n3A_900, %max3A_931 : vector<16xf32>
      %jit3A_945 = arith.constant -1 : i32
      %broadcast_in_dim3A_946 = vector.broadcast %jit3A_945 : i32 to vector<16xi32>
      %select_n3A_947 = arith.select %eq3A_944, %add3A_500, %broadcast_in_dim3A_946 : vector<16xi1>, vector<16xi32>
      %max3A_948 = arith.maxsi %select_n3A_935, %select_n3A_939 : vector<16xi32>
      %max3A_949 = arith.maxsi %select_n3A_943, %select_n3A_947 : vector<16xi32>
      %max3A_950 = arith.maxsi %max3A_948, %max3A_949 : vector<16xi32>
      %xor3A_951 = arith.constant 1 : i32
      %xor3A_952 = vector.broadcast %xor3A_951 : i32 to vector<16xi32>
      %xor3A_953 = arith.xori %iota3A, %xor3A_952 : vector<16xi32>
      %broadcast_in_dim3A_954 = vector.shape_cast %xor3A_953 : vector<16xi32> to vector<16x1xi32>
      %gather3A_955 = vector.shape_cast %broadcast_in_dim3A_954 : vector<16x1xi32> to vector<16xi32>
      %gather3A_956 = tpu.dynamic_gather %max3A_950[%gather3A_955] in [0] : vector<16xi32>, vector<16xi32> -> vector<16xi32>
      %max3A_957 = arith.maxsi %max3A_950, %gather3A_956 : vector<16xi32>
      %xor3A_958 = arith.constant 2 : i32
      %xor3A_959 = vector.broadcast %xor3A_958 : i32 to vector<16xi32>
      %xor3A_960 = arith.xori %iota3A, %xor3A_959 : vector<16xi32>
      %broadcast_in_dim3A_961 = vector.shape_cast %xor3A_960 : vector<16xi32> to vector<16x1xi32>
      %gather3A_962 = vector.shape_cast %broadcast_in_dim3A_961 : vector<16x1xi32> to vector<16xi32>
      %gather3A_963 = tpu.dynamic_gather %max3A_957[%gather3A_962] in [0] : vector<16xi32>, vector<16xi32> -> vector<16xi32>
      %max3A_964 = arith.maxsi %max3A_957, %gather3A_963 : vector<16xi32>
      %xor3A_965 = arith.constant 4 : i32
      %xor3A_966 = vector.broadcast %xor3A_965 : i32 to vector<16xi32>
      %xor3A_967 = arith.xori %iota3A, %xor3A_966 : vector<16xi32>
      %broadcast_in_dim3A_968 = vector.shape_cast %xor3A_967 : vector<16xi32> to vector<16x1xi32>
      %gather3A_969 = vector.shape_cast %broadcast_in_dim3A_968 : vector<16x1xi32> to vector<16xi32>
      %gather3A_970 = tpu.dynamic_gather %max3A_964[%gather3A_969] in [0] : vector<16xi32>, vector<16xi32> -> vector<16xi32>
      %max3A_971 = arith.maxsi %max3A_964, %gather3A_970 : vector<16xi32>
      %xor3A_972 = arith.constant 8 : i32
      %xor3A_973 = vector.broadcast %xor3A_972 : i32 to vector<16xi32>
      %xor3A_974 = arith.xori %iota3A, %xor3A_973 : vector<16xi32>
      %broadcast_in_dim3A_975 = vector.shape_cast %xor3A_974 : vector<16xi32> to vector<16x1xi32>
      %gather3A_976 = vector.shape_cast %broadcast_in_dim3A_975 : vector<16x1xi32> to vector<16xi32>
      %gather3A_977 = tpu.dynamic_gather %max3A_971[%gather3A_976] in [0] : vector<16xi32>, vector<16xi32> -> vector<16xi32>
      %max3A_978 = arith.maxsi %max3A_971, %gather3A_977 : vector<16xi32>
      %eq3A_979 = arith.constant 3 : i32
      %eq3A_980 = vector.broadcast %eq3A_979 : i32 to vector<16xi32>
      %eq3A_981 = arith.cmpi eq, %iota3A, %eq3A_980 : vector<16xi32>
      %select_n3A_982 = arith.select %eq3A_981, %max3A_931, %select_n3A_883 : vector<16xi1>, vector<16xf32>
      %select_n3A_983 = arith.select %eq3A_981, %max3A_978, %select_n3A_884 : vector<16xi1>, vector<16xi32>
      %eq3A_984 = arith.cmpi eq, %add3A_449, %max3A_978 : vector<16xi32>
      %jit3A_985 = arith.constant 0xFF800000 : f32
      %broadcast_in_dim3A_986 = vector.broadcast %jit3A_985 : f32 to vector<16xf32>
      %select_n3A_987 = arith.select %eq3A_984, %broadcast_in_dim3A_986, %select_n3A_888 : vector<16xi1>, vector<16xf32>
      %eq3A_988 = arith.cmpi eq, %add3A_466, %max3A_978 : vector<16xi32>
      %jit3A_989 = arith.constant 0xFF800000 : f32
      %broadcast_in_dim3A_990 = vector.broadcast %jit3A_989 : f32 to vector<16xf32>
      %select_n3A_991 = arith.select %eq3A_988, %broadcast_in_dim3A_990, %select_n3A_892 : vector<16xi1>, vector<16xf32>
      %eq3A_992 = arith.cmpi eq, %add3A_483, %max3A_978 : vector<16xi32>
      %jit3A_993 = arith.constant 0xFF800000 : f32
      %broadcast_in_dim3A_994 = vector.broadcast %jit3A_993 : f32 to vector<16xf32>
      %select_n3A_995 = arith.select %eq3A_992, %broadcast_in_dim3A_994, %select_n3A_896 : vector<16xi1>, vector<16xf32>
      %eq3A_996 = arith.cmpi eq, %add3A_500, %max3A_978 : vector<16xi32>
      %jit3A_997 = arith.constant 0xFF800000 : f32
      %broadcast_in_dim3A_998 = vector.broadcast %jit3A_997 : f32 to vector<16xf32>
      %select_n3A_999 = arith.select %eq3A_996, %broadcast_in_dim3A_998, %select_n3A_900 : vector<16xi1>, vector<16xf32>
      %max3A_1000 = arith.maximumf %select_n3A_987, %select_n3A_991 : vector<16xf32>
      %max3A_1001 = arith.maximumf %select_n3A_995, %select_n3A_999 : vector<16xf32>
      %max3A_1002 = arith.maximumf %max3A_1000, %max3A_1001 : vector<16xf32>
      %xor3A_1003 = arith.constant 1 : i32
      %xor3A_1004 = vector.broadcast %xor3A_1003 : i32 to vector<16xi32>
      %xor3A_1005 = arith.xori %iota3A, %xor3A_1004 : vector<16xi32>
      %broadcast_in_dim3A_1006 = vector.shape_cast %xor3A_1005 : vector<16xi32> to vector<16x1xi32>
      %gather3A_1007 = vector.shape_cast %broadcast_in_dim3A_1006 : vector<16x1xi32> to vector<16xi32>
      %gather3A_1008 = tpu.dynamic_gather %max3A_1002[%gather3A_1007] in [0] : vector<16xf32>, vector<16xi32> -> vector<16xf32>
      %max3A_1009 = arith.maximumf %max3A_1002, %gather3A_1008 : vector<16xf32>
      %xor3A_1010 = arith.constant 2 : i32
      %xor3A_1011 = vector.broadcast %xor3A_1010 : i32 to vector<16xi32>
      %xor3A_1012 = arith.xori %iota3A, %xor3A_1011 : vector<16xi32>
      %broadcast_in_dim3A_1013 = vector.shape_cast %xor3A_1012 : vector<16xi32> to vector<16x1xi32>
      %gather3A_1014 = vector.shape_cast %broadcast_in_dim3A_1013 : vector<16x1xi32> to vector<16xi32>
      %gather3A_1015 = tpu.dynamic_gather %max3A_1009[%gather3A_1014] in [0] : vector<16xf32>, vector<16xi32> -> vector<16xf32>
      %max3A_1016 = arith.maximumf %max3A_1009, %gather3A_1015 : vector<16xf32>
      %xor3A_1017 = arith.constant 4 : i32
      %xor3A_1018 = vector.broadcast %xor3A_1017 : i32 to vector<16xi32>
      %xor3A_1019 = arith.xori %iota3A, %xor3A_1018 : vector<16xi32>
      %broadcast_in_dim3A_1020 = vector.shape_cast %xor3A_1019 : vector<16xi32> to vector<16x1xi32>
      %gather3A_1021 = vector.shape_cast %broadcast_in_dim3A_1020 : vector<16x1xi32> to vector<16xi32>
      %gather3A_1022 = tpu.dynamic_gather %max3A_1016[%gather3A_1021] in [0] : vector<16xf32>, vector<16xi32> -> vector<16xf32>
      %max3A_1023 = arith.maximumf %max3A_1016, %gather3A_1022 : vector<16xf32>
      %xor3A_1024 = arith.constant 8 : i32
      %xor3A_1025 = vector.broadcast %xor3A_1024 : i32 to vector<16xi32>
      %xor3A_1026 = arith.xori %iota3A, %xor3A_1025 : vector<16xi32>
      %broadcast_in_dim3A_1027 = vector.shape_cast %xor3A_1026 : vector<16xi32> to vector<16x1xi32>
      %gather3A_1028 = vector.shape_cast %broadcast_in_dim3A_1027 : vector<16x1xi32> to vector<16xi32>
      %gather3A_1029 = tpu.dynamic_gather %max3A_1023[%gather3A_1028] in [0] : vector<16xf32>, vector<16xi32> -> vector<16xf32>
      %max3A_1030 = arith.maximumf %max3A_1023, %gather3A_1029 : vector<16xf32>
      %eq3A_1031 = arith.cmpf oeq, %select_n3A_987, %max3A_1030 : vector<16xf32>
      %jit3A_1032 = arith.constant -1 : i32
      %broadcast_in_dim3A_1033 = vector.broadcast %jit3A_1032 : i32 to vector<16xi32>
      %select_n3A_1034 = arith.select %eq3A_1031, %add3A_449, %broadcast_in_dim3A_1033 : vector<16xi1>, vector<16xi32>
      %eq3A_1035 = arith.cmpf oeq, %select_n3A_991, %max3A_1030 : vector<16xf32>
      %jit3A_1036 = arith.constant -1 : i32
      %broadcast_in_dim3A_1037 = vector.broadcast %jit3A_1036 : i32 to vector<16xi32>
      %select_n3A_1038 = arith.select %eq3A_1035, %add3A_466, %broadcast_in_dim3A_1037 : vector<16xi1>, vector<16xi32>
      %eq3A_1039 = arith.cmpf oeq, %select_n3A_995, %max3A_1030 : vector<16xf32>
      %jit3A_1040 = arith.constant -1 : i32
      %broadcast_in_dim3A_1041 = vector.broadcast %jit3A_1040 : i32 to vector<16xi32>
      %select_n3A_1042 = arith.select %eq3A_1039, %add3A_483, %broadcast_in_dim3A_1041 : vector<16xi1>, vector<16xi32>
      %eq3A_1043 = arith.cmpf oeq, %select_n3A_999, %max3A_1030 : vector<16xf32>
      %jit3A_1044 = arith.constant -1 : i32
      %broadcast_in_dim3A_1045 = vector.broadcast %jit3A_1044 : i32 to vector<16xi32>
      %select_n3A_1046 = arith.select %eq3A_1043, %add3A_500, %broadcast_in_dim3A_1045 : vector<16xi1>, vector<16xi32>
      %max3A_1047 = arith.maxsi %select_n3A_1034, %select_n3A_1038 : vector<16xi32>
      %max3A_1048 = arith.maxsi %select_n3A_1042, %select_n3A_1046 : vector<16xi32>
      %max3A_1049 = arith.maxsi %max3A_1047, %max3A_1048 : vector<16xi32>
      %xor3A_1050 = arith.constant 1 : i32
      %xor3A_1051 = vector.broadcast %xor3A_1050 : i32 to vector<16xi32>
      %xor3A_1052 = arith.xori %iota3A, %xor3A_1051 : vector<16xi32>
      %broadcast_in_dim3A_1053 = vector.shape_cast %xor3A_1052 : vector<16xi32> to vector<16x1xi32>
      %gather3A_1054 = vector.shape_cast %broadcast_in_dim3A_1053 : vector<16x1xi32> to vector<16xi32>
      %gather3A_1055 = tpu.dynamic_gather %max3A_1049[%gather3A_1054] in [0] : vector<16xi32>, vector<16xi32> -> vector<16xi32>
      %max3A_1056 = arith.maxsi %max3A_1049, %gather3A_1055 : vector<16xi32>
      %xor3A_1057 = arith.constant 2 : i32
      %xor3A_1058 = vector.broadcast %xor3A_1057 : i32 to vector<16xi32>
      %xor3A_1059 = arith.xori %iota3A, %xor3A_1058 : vector<16xi32>
      %broadcast_in_dim3A_1060 = vector.shape_cast %xor3A_1059 : vector<16xi32> to vector<16x1xi32>
      %gather3A_1061 = vector.shape_cast %broadcast_in_dim3A_1060 : vector<16x1xi32> to vector<16xi32>
      %gather3A_1062 = tpu.dynamic_gather %max3A_1056[%gather3A_1061] in [0] : vector<16xi32>, vector<16xi32> -> vector<16xi32>
      %max3A_1063 = arith.maxsi %max3A_1056, %gather3A_1062 : vector<16xi32>
      %xor3A_1064 = arith.constant 4 : i32
      %xor3A_1065 = vector.broadcast %xor3A_1064 : i32 to vector<16xi32>
      %xor3A_1066 = arith.xori %iota3A, %xor3A_1065 : vector<16xi32>
      %broadcast_in_dim3A_1067 = vector.shape_cast %xor3A_1066 : vector<16xi32> to vector<16x1xi32>
      %gather3A_1068 = vector.shape_cast %broadcast_in_dim3A_1067 : vector<16x1xi32> to vector<16xi32>
      %gather3A_1069 = tpu.dynamic_gather %max3A_1063[%gather3A_1068] in [0] : vector<16xi32>, vector<16xi32> -> vector<16xi32>
      %max3A_1070 = arith.maxsi %max3A_1063, %gather3A_1069 : vector<16xi32>
      %xor3A_1071 = arith.constant 8 : i32
      %xor3A_1072 = vector.broadcast %xor3A_1071 : i32 to vector<16xi32>
      %xor3A_1073 = arith.xori %iota3A, %xor3A_1072 : vector<16xi32>
      %broadcast_in_dim3A_1074 = vector.shape_cast %xor3A_1073 : vector<16xi32> to vector<16x1xi32>
      %gather3A_1075 = vector.shape_cast %broadcast_in_dim3A_1074 : vector<16x1xi32> to vector<16xi32>
      %gather3A_1076 = tpu.dynamic_gather %max3A_1070[%gather3A_1075] in [0] : vector<16xi32>, vector<16xi32> -> vector<16xi32>
      %max3A_1077 = arith.maxsi %max3A_1070, %gather3A_1076 : vector<16xi32>
      %eq3A_1078 = arith.constant 2 : i32
      %eq3A_1079 = vector.broadcast %eq3A_1078 : i32 to vector<16xi32>
      %eq3A_1080 = arith.cmpi eq, %iota3A, %eq3A_1079 : vector<16xi32>
      %select_n3A_1081 = arith.select %eq3A_1080, %max3A_1030, %select_n3A_982 : vector<16xi1>, vector<16xf32>
      %select_n3A_1082 = arith.select %eq3A_1080, %max3A_1077, %select_n3A_983 : vector<16xi1>, vector<16xi32>
      %eq3A_1083 = arith.cmpi eq, %add3A_449, %max3A_1077 : vector<16xi32>
      %jit3A_1084 = arith.constant 0xFF800000 : f32
      %broadcast_in_dim3A_1085 = vector.broadcast %jit3A_1084 : f32 to vector<16xf32>
      %select_n3A_1086 = arith.select %eq3A_1083, %broadcast_in_dim3A_1085, %select_n3A_987 : vector<16xi1>, vector<16xf32>
      %eq3A_1087 = arith.cmpi eq, %add3A_466, %max3A_1077 : vector<16xi32>
      %jit3A_1088 = arith.constant 0xFF800000 : f32
      %broadcast_in_dim3A_1089 = vector.broadcast %jit3A_1088 : f32 to vector<16xf32>
      %select_n3A_1090 = arith.select %eq3A_1087, %broadcast_in_dim3A_1089, %select_n3A_991 : vector<16xi1>, vector<16xf32>
      %eq3A_1091 = arith.cmpi eq, %add3A_483, %max3A_1077 : vector<16xi32>
      %jit3A_1092 = arith.constant 0xFF800000 : f32
      %broadcast_in_dim3A_1093 = vector.broadcast %jit3A_1092 : f32 to vector<16xf32>
      %select_n3A_1094 = arith.select %eq3A_1091, %broadcast_in_dim3A_1093, %select_n3A_995 : vector<16xi1>, vector<16xf32>
      %eq3A_1095 = arith.cmpi eq, %add3A_500, %max3A_1077 : vector<16xi32>
      %jit3A_1096 = arith.constant 0xFF800000 : f32
      %broadcast_in_dim3A_1097 = vector.broadcast %jit3A_1096 : f32 to vector<16xf32>
      %select_n3A_1098 = arith.select %eq3A_1095, %broadcast_in_dim3A_1097, %select_n3A_999 : vector<16xi1>, vector<16xf32>
      %max3A_1099 = arith.maximumf %select_n3A_1086, %select_n3A_1090 : vector<16xf32>
      %max3A_1100 = arith.maximumf %select_n3A_1094, %select_n3A_1098 : vector<16xf32>
      %max3A_1101 = arith.maximumf %max3A_1099, %max3A_1100 : vector<16xf32>
      %xor3A_1102 = arith.constant 1 : i32
      %xor3A_1103 = vector.broadcast %xor3A_1102 : i32 to vector<16xi32>
      %xor3A_1104 = arith.xori %iota3A, %xor3A_1103 : vector<16xi32>
      %broadcast_in_dim3A_1105 = vector.shape_cast %xor3A_1104 : vector<16xi32> to vector<16x1xi32>
      %gather3A_1106 = vector.shape_cast %broadcast_in_dim3A_1105 : vector<16x1xi32> to vector<16xi32>
      %gather3A_1107 = tpu.dynamic_gather %max3A_1101[%gather3A_1106] in [0] : vector<16xf32>, vector<16xi32> -> vector<16xf32>
      %max3A_1108 = arith.maximumf %max3A_1101, %gather3A_1107 : vector<16xf32>
      %xor3A_1109 = arith.constant 2 : i32
      %xor3A_1110 = vector.broadcast %xor3A_1109 : i32 to vector<16xi32>
      %xor3A_1111 = arith.xori %iota3A, %xor3A_1110 : vector<16xi32>
      %broadcast_in_dim3A_1112 = vector.shape_cast %xor3A_1111 : vector<16xi32> to vector<16x1xi32>
      %gather3A_1113 = vector.shape_cast %broadcast_in_dim3A_1112 : vector<16x1xi32> to vector<16xi32>
      %gather3A_1114 = tpu.dynamic_gather %max3A_1108[%gather3A_1113] in [0] : vector<16xf32>, vector<16xi32> -> vector<16xf32>
      %max3A_1115 = arith.maximumf %max3A_1108, %gather3A_1114 : vector<16xf32>
      %xor3A_1116 = arith.constant 4 : i32
      %xor3A_1117 = vector.broadcast %xor3A_1116 : i32 to vector<16xi32>
      %xor3A_1118 = arith.xori %iota3A, %xor3A_1117 : vector<16xi32>
      %broadcast_in_dim3A_1119 = vector.shape_cast %xor3A_1118 : vector<16xi32> to vector<16x1xi32>
      %gather3A_1120 = vector.shape_cast %broadcast_in_dim3A_1119 : vector<16x1xi32> to vector<16xi32>
      %gather3A_1121 = tpu.dynamic_gather %max3A_1115[%gather3A_1120] in [0] : vector<16xf32>, vector<16xi32> -> vector<16xf32>
      %max3A_1122 = arith.maximumf %max3A_1115, %gather3A_1121 : vector<16xf32>
      %xor3A_1123 = arith.constant 8 : i32
      %xor3A_1124 = vector.broadcast %xor3A_1123 : i32 to vector<16xi32>
      %xor3A_1125 = arith.xori %iota3A, %xor3A_1124 : vector<16xi32>
      %broadcast_in_dim3A_1126 = vector.shape_cast %xor3A_1125 : vector<16xi32> to vector<16x1xi32>
      %gather3A_1127 = vector.shape_cast %broadcast_in_dim3A_1126 : vector<16x1xi32> to vector<16xi32>
      %gather3A_1128 = tpu.dynamic_gather %max3A_1122[%gather3A_1127] in [0] : vector<16xf32>, vector<16xi32> -> vector<16xf32>
      %max3A_1129 = arith.maximumf %max3A_1122, %gather3A_1128 : vector<16xf32>
      %eq3A_1130 = arith.cmpf oeq, %select_n3A_1086, %max3A_1129 : vector<16xf32>
      %jit3A_1131 = arith.constant -1 : i32
      %broadcast_in_dim3A_1132 = vector.broadcast %jit3A_1131 : i32 to vector<16xi32>
      %select_n3A_1133 = arith.select %eq3A_1130, %add3A_449, %broadcast_in_dim3A_1132 : vector<16xi1>, vector<16xi32>
      %eq3A_1134 = arith.cmpf oeq, %select_n3A_1090, %max3A_1129 : vector<16xf32>
      %jit3A_1135 = arith.constant -1 : i32
      %broadcast_in_dim3A_1136 = vector.broadcast %jit3A_1135 : i32 to vector<16xi32>
      %select_n3A_1137 = arith.select %eq3A_1134, %add3A_466, %broadcast_in_dim3A_1136 : vector<16xi1>, vector<16xi32>
      %eq3A_1138 = arith.cmpf oeq, %select_n3A_1094, %max3A_1129 : vector<16xf32>
      %jit3A_1139 = arith.constant -1 : i32
      %broadcast_in_dim3A_1140 = vector.broadcast %jit3A_1139 : i32 to vector<16xi32>
      %select_n3A_1141 = arith.select %eq3A_1138, %add3A_483, %broadcast_in_dim3A_1140 : vector<16xi1>, vector<16xi32>
      %eq3A_1142 = arith.cmpf oeq, %select_n3A_1098, %max3A_1129 : vector<16xf32>
      %jit3A_1143 = arith.constant -1 : i32
      %broadcast_in_dim3A_1144 = vector.broadcast %jit3A_1143 : i32 to vector<16xi32>
      %select_n3A_1145 = arith.select %eq3A_1142, %add3A_500, %broadcast_in_dim3A_1144 : vector<16xi1>, vector<16xi32>
      %max3A_1146 = arith.maxsi %select_n3A_1133, %select_n3A_1137 : vector<16xi32>
      %max3A_1147 = arith.maxsi %select_n3A_1141, %select_n3A_1145 : vector<16xi32>
      %max3A_1148 = arith.maxsi %max3A_1146, %max3A_1147 : vector<16xi32>
      %xor3A_1149 = arith.constant 1 : i32
      %xor3A_1150 = vector.broadcast %xor3A_1149 : i32 to vector<16xi32>
      %xor3A_1151 = arith.xori %iota3A, %xor3A_1150 : vector<16xi32>
      %broadcast_in_dim3A_1152 = vector.shape_cast %xor3A_1151 : vector<16xi32> to vector<16x1xi32>
      %gather3A_1153 = vector.shape_cast %broadcast_in_dim3A_1152 : vector<16x1xi32> to vector<16xi32>
      %gather3A_1154 = tpu.dynamic_gather %max3A_1148[%gather3A_1153] in [0] : vector<16xi32>, vector<16xi32> -> vector<16xi32>
      %max3A_1155 = arith.maxsi %max3A_1148, %gather3A_1154 : vector<16xi32>
      %xor3A_1156 = arith.constant 2 : i32
      %xor3A_1157 = vector.broadcast %xor3A_1156 : i32 to vector<16xi32>
      %xor3A_1158 = arith.xori %iota3A, %xor3A_1157 : vector<16xi32>
      %broadcast_in_dim3A_1159 = vector.shape_cast %xor3A_1158 : vector<16xi32> to vector<16x1xi32>
      %gather3A_1160 = vector.shape_cast %broadcast_in_dim3A_1159 : vector<16x1xi32> to vector<16xi32>
      %gather3A_1161 = tpu.dynamic_gather %max3A_1155[%gather3A_1160] in [0] : vector<16xi32>, vector<16xi32> -> vector<16xi32>
      %max3A_1162 = arith.maxsi %max3A_1155, %gather3A_1161 : vector<16xi32>
      %xor3A_1163 = arith.constant 4 : i32
      %xor3A_1164 = vector.broadcast %xor3A_1163 : i32 to vector<16xi32>
      %xor3A_1165 = arith.xori %iota3A, %xor3A_1164 : vector<16xi32>
      %broadcast_in_dim3A_1166 = vector.shape_cast %xor3A_1165 : vector<16xi32> to vector<16x1xi32>
      %gather3A_1167 = vector.shape_cast %broadcast_in_dim3A_1166 : vector<16x1xi32> to vector<16xi32>
      %gather3A_1168 = tpu.dynamic_gather %max3A_1162[%gather3A_1167] in [0] : vector<16xi32>, vector<16xi32> -> vector<16xi32>
      %max3A_1169 = arith.maxsi %max3A_1162, %gather3A_1168 : vector<16xi32>
      %xor3A_1170 = arith.constant 8 : i32
      %xor3A_1171 = vector.broadcast %xor3A_1170 : i32 to vector<16xi32>
      %xor3A_1172 = arith.xori %iota3A, %xor3A_1171 : vector<16xi32>
      %broadcast_in_dim3A_1173 = vector.shape_cast %xor3A_1172 : vector<16xi32> to vector<16x1xi32>
      %gather3A_1174 = vector.shape_cast %broadcast_in_dim3A_1173 : vector<16x1xi32> to vector<16xi32>
      %gather3A_1175 = tpu.dynamic_gather %max3A_1169[%gather3A_1174] in [0] : vector<16xi32>, vector<16xi32> -> vector<16xi32>
      %max3A_1176 = arith.maxsi %max3A_1169, %gather3A_1175 : vector<16xi32>
      %eq3A_1177 = arith.constant 1 : i32
      %eq3A_1178 = vector.broadcast %eq3A_1177 : i32 to vector<16xi32>
      %eq3A_1179 = arith.cmpi eq, %iota3A, %eq3A_1178 : vector<16xi32>
      %select_n3A_1180 = arith.select %eq3A_1179, %max3A_1129, %select_n3A_1081 : vector<16xi1>, vector<16xf32>
      %select_n3A_1181 = arith.select %eq3A_1179, %max3A_1176, %select_n3A_1082 : vector<16xi1>, vector<16xi32>
      %eq3A_1182 = arith.cmpi eq, %add3A_449, %max3A_1176 : vector<16xi32>
      %jit3A_1183 = arith.constant 0xFF800000 : f32
      %broadcast_in_dim3A_1184 = vector.broadcast %jit3A_1183 : f32 to vector<16xf32>
      %select_n3A_1185 = arith.select %eq3A_1182, %broadcast_in_dim3A_1184, %select_n3A_1086 : vector<16xi1>, vector<16xf32>
      %eq3A_1186 = arith.cmpi eq, %add3A_466, %max3A_1176 : vector<16xi32>
      %jit3A_1187 = arith.constant 0xFF800000 : f32
      %broadcast_in_dim3A_1188 = vector.broadcast %jit3A_1187 : f32 to vector<16xf32>
      %select_n3A_1189 = arith.select %eq3A_1186, %broadcast_in_dim3A_1188, %select_n3A_1090 : vector<16xi1>, vector<16xf32>
      %eq3A_1190 = arith.cmpi eq, %add3A_483, %max3A_1176 : vector<16xi32>
      %jit3A_1191 = arith.constant 0xFF800000 : f32
      %broadcast_in_dim3A_1192 = vector.broadcast %jit3A_1191 : f32 to vector<16xf32>
      %select_n3A_1193 = arith.select %eq3A_1190, %broadcast_in_dim3A_1192, %select_n3A_1094 : vector<16xi1>, vector<16xf32>
      %eq3A_1194 = arith.cmpi eq, %add3A_500, %max3A_1176 : vector<16xi32>
      %jit3A_1195 = arith.constant 0xFF800000 : f32
      %broadcast_in_dim3A_1196 = vector.broadcast %jit3A_1195 : f32 to vector<16xf32>
      %select_n3A_1197 = arith.select %eq3A_1194, %broadcast_in_dim3A_1196, %select_n3A_1098 : vector<16xi1>, vector<16xf32>
      %max3A_1198 = arith.maximumf %select_n3A_1185, %select_n3A_1189 : vector<16xf32>
      %max3A_1199 = arith.maximumf %select_n3A_1193, %select_n3A_1197 : vector<16xf32>
      %max3A_1200 = arith.maximumf %max3A_1198, %max3A_1199 : vector<16xf32>
      %xor3A_1201 = arith.constant 1 : i32
      %xor3A_1202 = vector.broadcast %xor3A_1201 : i32 to vector<16xi32>
      %xor3A_1203 = arith.xori %iota3A, %xor3A_1202 : vector<16xi32>
      %broadcast_in_dim3A_1204 = vector.shape_cast %xor3A_1203 : vector<16xi32> to vector<16x1xi32>
      %gather3A_1205 = vector.shape_cast %broadcast_in_dim3A_1204 : vector<16x1xi32> to vector<16xi32>
      %gather3A_1206 = tpu.dynamic_gather %max3A_1200[%gather3A_1205] in [0] : vector<16xf32>, vector<16xi32> -> vector<16xf32>
      %max3A_1207 = arith.maximumf %max3A_1200, %gather3A_1206 : vector<16xf32>
      %xor3A_1208 = arith.constant 2 : i32
      %xor3A_1209 = vector.broadcast %xor3A_1208 : i32 to vector<16xi32>
      %xor3A_1210 = arith.xori %iota3A, %xor3A_1209 : vector<16xi32>
      %broadcast_in_dim3A_1211 = vector.shape_cast %xor3A_1210 : vector<16xi32> to vector<16x1xi32>
      %gather3A_1212 = vector.shape_cast %broadcast_in_dim3A_1211 : vector<16x1xi32> to vector<16xi32>
      %gather3A_1213 = tpu.dynamic_gather %max3A_1207[%gather3A_1212] in [0] : vector<16xf32>, vector<16xi32> -> vector<16xf32>
      %max3A_1214 = arith.maximumf %max3A_1207, %gather3A_1213 : vector<16xf32>
      %xor3A_1215 = arith.constant 4 : i32
      %xor3A_1216 = vector.broadcast %xor3A_1215 : i32 to vector<16xi32>
      %xor3A_1217 = arith.xori %iota3A, %xor3A_1216 : vector<16xi32>
      %broadcast_in_dim3A_1218 = vector.shape_cast %xor3A_1217 : vector<16xi32> to vector<16x1xi32>
      %gather3A_1219 = vector.shape_cast %broadcast_in_dim3A_1218 : vector<16x1xi32> to vector<16xi32>
      %gather3A_1220 = tpu.dynamic_gather %max3A_1214[%gather3A_1219] in [0] : vector<16xf32>, vector<16xi32> -> vector<16xf32>
      %max3A_1221 = arith.maximumf %max3A_1214, %gather3A_1220 : vector<16xf32>
      %xor3A_1222 = arith.constant 8 : i32
      %xor3A_1223 = vector.broadcast %xor3A_1222 : i32 to vector<16xi32>
      %xor3A_1224 = arith.xori %iota3A, %xor3A_1223 : vector<16xi32>
      %broadcast_in_dim3A_1225 = vector.shape_cast %xor3A_1224 : vector<16xi32> to vector<16x1xi32>
      %gather3A_1226 = vector.shape_cast %broadcast_in_dim3A_1225 : vector<16x1xi32> to vector<16xi32>
      %gather3A_1227 = tpu.dynamic_gather %max3A_1221[%gather3A_1226] in [0] : vector<16xf32>, vector<16xi32> -> vector<16xf32>
      %max3A_1228 = arith.maximumf %max3A_1221, %gather3A_1227 : vector<16xf32>
      %eq3A_1229 = arith.cmpf oeq, %select_n3A_1185, %max3A_1228 : vector<16xf32>
      %jit3A_1230 = arith.constant -1 : i32
      %broadcast_in_dim3A_1231 = vector.broadcast %jit3A_1230 : i32 to vector<16xi32>
      %select_n3A_1232 = arith.select %eq3A_1229, %add3A_449, %broadcast_in_dim3A_1231 : vector<16xi1>, vector<16xi32>
      %eq3A_1233 = arith.cmpf oeq, %select_n3A_1189, %max3A_1228 : vector<16xf32>
      %jit3A_1234 = arith.constant -1 : i32
      %broadcast_in_dim3A_1235 = vector.broadcast %jit3A_1234 : i32 to vector<16xi32>
      %select_n3A_1236 = arith.select %eq3A_1233, %add3A_466, %broadcast_in_dim3A_1235 : vector<16xi1>, vector<16xi32>
      %eq3A_1237 = arith.cmpf oeq, %select_n3A_1193, %max3A_1228 : vector<16xf32>
      %jit3A_1238 = arith.constant -1 : i32
      %broadcast_in_dim3A_1239 = vector.broadcast %jit3A_1238 : i32 to vector<16xi32>
      %select_n3A_1240 = arith.select %eq3A_1237, %add3A_483, %broadcast_in_dim3A_1239 : vector<16xi1>, vector<16xi32>
      %eq3A_1241 = arith.cmpf oeq, %select_n3A_1197, %max3A_1228 : vector<16xf32>
      %jit3A_1242 = arith.constant -1 : i32
      %broadcast_in_dim3A_1243 = vector.broadcast %jit3A_1242 : i32 to vector<16xi32>
      %select_n3A_1244 = arith.select %eq3A_1241, %add3A_500, %broadcast_in_dim3A_1243 : vector<16xi1>, vector<16xi32>
      %max3A_1245 = arith.maxsi %select_n3A_1232, %select_n3A_1236 : vector<16xi32>
      %max3A_1246 = arith.maxsi %select_n3A_1240, %select_n3A_1244 : vector<16xi32>
      %max3A_1247 = arith.maxsi %max3A_1245, %max3A_1246 : vector<16xi32>
      %xor3A_1248 = arith.constant 1 : i32
      %xor3A_1249 = vector.broadcast %xor3A_1248 : i32 to vector<16xi32>
      %xor3A_1250 = arith.xori %iota3A, %xor3A_1249 : vector<16xi32>
      %broadcast_in_dim3A_1251 = vector.shape_cast %xor3A_1250 : vector<16xi32> to vector<16x1xi32>
      %gather3A_1252 = vector.shape_cast %broadcast_in_dim3A_1251 : vector<16x1xi32> to vector<16xi32>
      %gather3A_1253 = tpu.dynamic_gather %max3A_1247[%gather3A_1252] in [0] : vector<16xi32>, vector<16xi32> -> vector<16xi32>
      %max3A_1254 = arith.maxsi %max3A_1247, %gather3A_1253 : vector<16xi32>
      %xor3A_1255 = arith.constant 2 : i32
      %xor3A_1256 = vector.broadcast %xor3A_1255 : i32 to vector<16xi32>
      %xor3A_1257 = arith.xori %iota3A, %xor3A_1256 : vector<16xi32>
      %broadcast_in_dim3A_1258 = vector.shape_cast %xor3A_1257 : vector<16xi32> to vector<16x1xi32>
      %gather3A_1259 = vector.shape_cast %broadcast_in_dim3A_1258 : vector<16x1xi32> to vector<16xi32>
      %gather3A_1260 = tpu.dynamic_gather %max3A_1254[%gather3A_1259] in [0] : vector<16xi32>, vector<16xi32> -> vector<16xi32>
      %max3A_1261 = arith.maxsi %max3A_1254, %gather3A_1260 : vector<16xi32>
      %xor3A_1262 = arith.constant 4 : i32
      %xor3A_1263 = vector.broadcast %xor3A_1262 : i32 to vector<16xi32>
      %xor3A_1264 = arith.xori %iota3A, %xor3A_1263 : vector<16xi32>
      %broadcast_in_dim3A_1265 = vector.shape_cast %xor3A_1264 : vector<16xi32> to vector<16x1xi32>
      %gather3A_1266 = vector.shape_cast %broadcast_in_dim3A_1265 : vector<16x1xi32> to vector<16xi32>
      %gather3A_1267 = tpu.dynamic_gather %max3A_1261[%gather3A_1266] in [0] : vector<16xi32>, vector<16xi32> -> vector<16xi32>
      %max3A_1268 = arith.maxsi %max3A_1261, %gather3A_1267 : vector<16xi32>
      %xor3A_1269 = arith.constant 8 : i32
      %xor3A_1270 = vector.broadcast %xor3A_1269 : i32 to vector<16xi32>
      %xor3A_1271 = arith.xori %iota3A, %xor3A_1270 : vector<16xi32>
      %broadcast_in_dim3A_1272 = vector.shape_cast %xor3A_1271 : vector<16xi32> to vector<16x1xi32>
      %gather3A_1273 = vector.shape_cast %broadcast_in_dim3A_1272 : vector<16x1xi32> to vector<16xi32>
      %gather3A_1274 = tpu.dynamic_gather %max3A_1268[%gather3A_1273] in [0] : vector<16xi32>, vector<16xi32> -> vector<16xi32>
      %max3A_1275 = arith.maxsi %max3A_1268, %gather3A_1274 : vector<16xi32>
      %eq3A_1276 = arith.constant 0 : i32
      %eq3A_1277 = vector.broadcast %eq3A_1276 : i32 to vector<16xi32>
      %eq3A_1278 = arith.cmpi eq, %iota3A, %eq3A_1277 : vector<16xi32>
      %select_n3A_1279 = arith.select %eq3A_1278, %max3A_1228, %select_n3A_1180 : vector<16xi1>, vector<16xf32>
      %select_n3A_1280 = arith.select %eq3A_1278, %max3A_1275, %select_n3A_1181 : vector<16xi1>, vector<16xi32>
      %eq3A_1281 = arith.cmpi eq, %add3A_449, %max3A_1275 : vector<16xi32>
      %jit3A_1282 = arith.constant 0xFF800000 : f32
      %broadcast_in_dim3A_1283 = vector.broadcast %jit3A_1282 : f32 to vector<16xf32>
      %select_n3A_1284 = arith.select %eq3A_1281, %broadcast_in_dim3A_1283, %select_n3A_1185 : vector<16xi1>, vector<16xf32>
      %eq3A_1285 = arith.cmpi eq, %add3A_466, %max3A_1275 : vector<16xi32>
      %jit3A_1286 = arith.constant 0xFF800000 : f32
      %broadcast_in_dim3A_1287 = vector.broadcast %jit3A_1286 : f32 to vector<16xf32>
      %select_n3A_1288 = arith.select %eq3A_1285, %broadcast_in_dim3A_1287, %select_n3A_1189 : vector<16xi1>, vector<16xf32>
      %eq3A_1289 = arith.cmpi eq, %add3A_483, %max3A_1275 : vector<16xi32>
      %jit3A_1290 = arith.constant 0xFF800000 : f32
      %broadcast_in_dim3A_1291 = vector.broadcast %jit3A_1290 : f32 to vector<16xf32>
      %select_n3A_1292 = arith.select %eq3A_1289, %broadcast_in_dim3A_1291, %select_n3A_1193 : vector<16xi1>, vector<16xf32>
      %eq3A_1293 = arith.cmpi eq, %add3A_500, %max3A_1275 : vector<16xi32>
      %jit3A_1294 = arith.constant 0xFF800000 : f32
      %broadcast_in_dim3A_1295 = vector.broadcast %jit3A_1294 : f32 to vector<16xf32>
      %select_n3A_1296 = arith.select %eq3A_1293, %broadcast_in_dim3A_1295, %select_n3A_1197 : vector<16xi1>, vector<16xf32>
      %xor3A_1297 = arith.constant 1 : i32
      %xor3A_1298 = vector.broadcast %xor3A_1297 : i32 to vector<16xi32>
      %xor3A_1299 = arith.xori %iota3A, %xor3A_1298 : vector<16xi32>
      %broadcast_in_dim3A_1300 = vector.shape_cast %xor3A_1299 : vector<16xi32> to vector<16x1xi32>
      %gather3A_1301 = vector.shape_cast %broadcast_in_dim3A_1300 : vector<16x1xi32> to vector<16xi32>
      %gather3A_1302 = tpu.dynamic_gather %select_n3A_1279[%gather3A_1301] in [0] : vector<16xf32>, vector<16xi32> -> vector<16xf32>
      %add3A_1303 = arith.addf %select_n3A_1279, %gather3A_1302 : vector<16xf32>
      %xor3A_1304 = arith.constant 2 : i32
      %xor3A_1305 = vector.broadcast %xor3A_1304 : i32 to vector<16xi32>
      %xor3A_1306 = arith.xori %iota3A, %xor3A_1305 : vector<16xi32>
      %broadcast_in_dim3A_1307 = vector.shape_cast %xor3A_1306 : vector<16xi32> to vector<16x1xi32>
      %gather3A_1308 = vector.shape_cast %broadcast_in_dim3A_1307 : vector<16x1xi32> to vector<16xi32>
      %gather3A_1309 = tpu.dynamic_gather %add3A_1303[%gather3A_1308] in [0] : vector<16xf32>, vector<16xi32> -> vector<16xf32>
      %add3A_1310 = arith.addf %add3A_1303, %gather3A_1309 : vector<16xf32>
      %xor3A_1311 = arith.constant 4 : i32
      %xor3A_1312 = vector.broadcast %xor3A_1311 : i32 to vector<16xi32>
      %xor3A_1313 = arith.xori %iota3A, %xor3A_1312 : vector<16xi32>
      %broadcast_in_dim3A_1314 = vector.shape_cast %xor3A_1313 : vector<16xi32> to vector<16x1xi32>
      %gather3A_1315 = vector.shape_cast %broadcast_in_dim3A_1314 : vector<16x1xi32> to vector<16xi32>
      %gather3A_1316 = tpu.dynamic_gather %add3A_1310[%gather3A_1315] in [0] : vector<16xf32>, vector<16xi32> -> vector<16xf32>
      %add3A_1317 = arith.addf %add3A_1310, %gather3A_1316 : vector<16xf32>
      %add3A_1318 = arith.constant 9.99999968E-21 : f32
      %add3A_1319 = vector.broadcast %add3A_1318 : f32 to vector<16xf32>
      %add3A_1320 = arith.addf %add3A_1317, %add3A_1319 : vector<16xf32>
      %div3A = arith.constant 2.500000e+00 : f32
      %div3A_1321 = vector.broadcast %div3A : f32 to vector<16xf32>
      %div3A_1322 = arith.divf %div3A_1321, %add3A_1320 : vector<16xf32>
      %mul3A_1323 = arith.mulf %select_n3A_1279, %div3A_1322 : vector<16xf32>
      %mul3A_1324 = arith.constant 2 : i32
      %mul3A_1325 = arith.muli %mul3A_1324, %scan3A_27 : i32
      %add3A_1326 = arith.constant 1 : i32
      %add3A_1327 = arith.addi %mul3A_1325, %add3A_1326 : i32
      %mul3A_1328 = arith.constant 64 : i32
      %mul3A_1329 = arith.muli %add3A_1327, %mul3A_1328 : i32
      %add3A_1330 = arith.constant 0 : i32
      %add3A_1331 = arith.addi %mul3A_1329, %add3A_1330 : i32
      %get3A_1332 = arith.index_cast %add3A_1331 : i32 to index
      %get3A_1333 = tpu.vector_load %arg5[%get3A_1332] {strides = array<i32>} : memref<16384xf32, #tpu.memory_space<vmem>>, vector<16xf32>,
      %get3A_1334 = vector.shape_cast %get3A_1333 : vector<16xf32> to vector<16xf32>
      %mul3A_1335 = arith.constant 64 : i32
      %mul3A_1336 = arith.muli %add3A_1327, %mul3A_1335 : i32
      %add3A_1337 = arith.constant 16 : i32
      %add3A_1338 = arith.addi %mul3A_1336, %add3A_1337 : i32
      %get3A_1339 = arith.index_cast %add3A_1338 : i32 to index
      %get3A_1340 = tpu.vector_load %arg5[%get3A_1339] {strides = array<i32>} : memref<16384xf32, #tpu.memory_space<vmem>>, vector<16xf32>,
      %get3A_1341 = vector.shape_cast %get3A_1340 : vector<16xf32> to vector<16xf32>
      %mul3A_1342 = arith.constant 64 : i32
      %mul3A_1343 = arith.muli %add3A_1327, %mul3A_1342 : i32
      %add3A_1344 = arith.constant 32 : i32
      %add3A_1345 = arith.addi %mul3A_1343, %add3A_1344 : i32
      %get3A_1346 = arith.index_cast %add3A_1345 : i32 to index
      %get3A_1347 = tpu.vector_load %arg5[%get3A_1346] {strides = array<i32>} : memref<16384xf32, #tpu.memory_space<vmem>>, vector<16xf32>,
      %get3A_1348 = vector.shape_cast %get3A_1347 : vector<16xf32> to vector<16xf32>
      %mul3A_1349 = arith.constant 64 : i32
      %mul3A_1350 = arith.muli %add3A_1327, %mul3A_1349 : i32
      %add3A_1351 = arith.constant 48 : i32
      %add3A_1352 = arith.addi %mul3A_1350, %add3A_1351 : i32
      %get3A_1353 = arith.index_cast %add3A_1352 : i32 to index
      %get3A_1354 = tpu.vector_load %arg5[%get3A_1353] {strides = array<i32>} : memref<16384xf32, #tpu.memory_space<vmem>>, vector<16xf32>,
      %get3A_1355 = vector.shape_cast %get3A_1354 : vector<16xf32> to vector<16xf32>
      %xor3A_1356 = arith.constant 1 : i32
      %xor3A_1357 = vector.broadcast %xor3A_1356 : i32 to vector<16xi32>
      %xor3A_1358 = arith.xori %iota3A, %xor3A_1357 : vector<16xi32>
      %broadcast_in_dim3A_1359 = vector.shape_cast %xor3A_1358 : vector<16xi32> to vector<16x1xi32>
      %gather3A_1360 = vector.shape_cast %broadcast_in_dim3A_1359 : vector<16x1xi32> to vector<16xi32>
      %gather3A_1361 = tpu.dynamic_gather %get3A_1334[%gather3A_1360] in [0] : vector<16xf32>, vector<16xi32> -> vector<16xf32>
      %max3A_1362 = arith.maximumf %get3A_1334, %gather3A_1361 : vector<16xf32>
      %xor3A_1363 = arith.constant 2 : i32
      %xor3A_1364 = vector.broadcast %xor3A_1363 : i32 to vector<16xi32>
      %xor3A_1365 = arith.xori %iota3A, %xor3A_1364 : vector<16xi32>
      %broadcast_in_dim3A_1366 = vector.shape_cast %xor3A_1365 : vector<16xi32> to vector<16x1xi32>
      %gather3A_1367 = vector.shape_cast %broadcast_in_dim3A_1366 : vector<16x1xi32> to vector<16xi32>
      %gather3A_1368 = tpu.dynamic_gather %max3A_1362[%gather3A_1367] in [0] : vector<16xf32>, vector<16xi32> -> vector<16xf32>
      %max3A_1369 = arith.maximumf %max3A_1362, %gather3A_1368 : vector<16xf32>
      %xor3A_1370 = arith.constant 4 : i32
      %xor3A_1371 = vector.broadcast %xor3A_1370 : i32 to vector<16xi32>
      %xor3A_1372 = arith.xori %iota3A, %xor3A_1371 : vector<16xi32>
      %broadcast_in_dim3A_1373 = vector.shape_cast %xor3A_1372 : vector<16xi32> to vector<16x1xi32>
      %gather3A_1374 = vector.shape_cast %broadcast_in_dim3A_1373 : vector<16x1xi32> to vector<16xi32>
      %gather3A_1375 = tpu.dynamic_gather %max3A_1369[%gather3A_1374] in [0] : vector<16xf32>, vector<16xi32> -> vector<16xf32>
      %max3A_1376 = arith.maximumf %max3A_1369, %gather3A_1375 : vector<16xf32>
      %eq3A_1377 = arith.cmpf oeq, %get3A_1334, %max3A_1376 : vector<16xf32>
      %jit3A_1378 = arith.constant 0xFF800000 : f32
      %broadcast_in_dim3A_1379 = vector.broadcast %jit3A_1378 : f32 to vector<16xf32>
      %select_n3A_1380 = arith.select %eq3A_1377, %broadcast_in_dim3A_1379, %get3A_1334 : vector<16xi1>, vector<16xf32>
      %xor3A_1381 = arith.constant 1 : i32
      %xor3A_1382 = vector.broadcast %xor3A_1381 : i32 to vector<16xi32>
      %xor3A_1383 = arith.xori %iota3A, %xor3A_1382 : vector<16xi32>
      %broadcast_in_dim3A_1384 = vector.shape_cast %xor3A_1383 : vector<16xi32> to vector<16x1xi32>
      %gather3A_1385 = vector.shape_cast %broadcast_in_dim3A_1384 : vector<16x1xi32> to vector<16xi32>
      %gather3A_1386 = tpu.dynamic_gather %select_n3A_1380[%gather3A_1385] in [0] : vector<16xf32>, vector<16xi32> -> vector<16xf32>
      %max3A_1387 = arith.maximumf %select_n3A_1380, %gather3A_1386 : vector<16xf32>
      %xor3A_1388 = arith.constant 2 : i32
      %xor3A_1389 = vector.broadcast %xor3A_1388 : i32 to vector<16xi32>
      %xor3A_1390 = arith.xori %iota3A, %xor3A_1389 : vector<16xi32>
      %broadcast_in_dim3A_1391 = vector.shape_cast %xor3A_1390 : vector<16xi32> to vector<16x1xi32>
      %gather3A_1392 = vector.shape_cast %broadcast_in_dim3A_1391 : vector<16x1xi32> to vector<16xi32>
      %gather3A_1393 = tpu.dynamic_gather %max3A_1387[%gather3A_1392] in [0] : vector<16xf32>, vector<16xi32> -> vector<16xf32>
      %max3A_1394 = arith.maximumf %max3A_1387, %gather3A_1393 : vector<16xf32>
      %xor3A_1395 = arith.constant 4 : i32
      %xor3A_1396 = vector.broadcast %xor3A_1395 : i32 to vector<16xi32>
      %xor3A_1397 = arith.xori %iota3A, %xor3A_1396 : vector<16xi32>
      %broadcast_in_dim3A_1398 = vector.shape_cast %xor3A_1397 : vector<16xi32> to vector<16x1xi32>
      %gather3A_1399 = vector.shape_cast %broadcast_in_dim3A_1398 : vector<16x1xi32> to vector<16xi32>
      %gather3A_1400 = tpu.dynamic_gather %max3A_1394[%gather3A_1399] in [0] : vector<16xf32>, vector<16xi32> -> vector<16xf32>
      %max3A_1401 = arith.maximumf %max3A_1394, %gather3A_1400 : vector<16xf32>
      %add3A_1402 = arith.addf %max3A_1376, %max3A_1401 : vector<16xf32>
      %xor3A_1403 = arith.constant 1 : i32
      %xor3A_1404 = vector.broadcast %xor3A_1403 : i32 to vector<16xi32>
      %xor3A_1405 = arith.xori %iota3A, %xor3A_1404 : vector<16xi32>
      %broadcast_in_dim3A_1406 = vector.shape_cast %xor3A_1405 : vector<16xi32> to vector<16x1xi32>
      %gather3A_1407 = vector.shape_cast %broadcast_in_dim3A_1406 : vector<16x1xi32> to vector<16xi32>
      %gather3A_1408 = tpu.dynamic_gather %get3A_1341[%gather3A_1407] in [0] : vector<16xf32>, vector<16xi32> -> vector<16xf32>
      %max3A_1409 = arith.maximumf %get3A_1341, %gather3A_1408 : vector<16xf32>
      %xor3A_1410 = arith.constant 2 : i32
      %xor3A_1411 = vector.broadcast %xor3A_1410 : i32 to vector<16xi32>
      %xor3A_1412 = arith.xori %iota3A, %xor3A_1411 : vector<16xi32>
      %broadcast_in_dim3A_1413 = vector.shape_cast %xor3A_1412 : vector<16xi32> to vector<16x1xi32>
      %gather3A_1414 = vector.shape_cast %broadcast_in_dim3A_1413 : vector<16x1xi32> to vector<16xi32>
      %gather3A_1415 = tpu.dynamic_gather %max3A_1409[%gather3A_1414] in [0] : vector<16xf32>, vector<16xi32> -> vector<16xf32>
      %max3A_1416 = arith.maximumf %max3A_1409, %gather3A_1415 : vector<16xf32>
      %xor3A_1417 = arith.constant 4 : i32
      %xor3A_1418 = vector.broadcast %xor3A_1417 : i32 to vector<16xi32>
      %xor3A_1419 = arith.xori %iota3A, %xor3A_1418 : vector<16xi32>
      %broadcast_in_dim3A_1420 = vector.shape_cast %xor3A_1419 : vector<16xi32> to vector<16x1xi32>
      %gather3A_1421 = vector.shape_cast %broadcast_in_dim3A_1420 : vector<16x1xi32> to vector<16xi32>
      %gather3A_1422 = tpu.dynamic_gather %max3A_1416[%gather3A_1421] in [0] : vector<16xf32>, vector<16xi32> -> vector<16xf32>
      %max3A_1423 = arith.maximumf %max3A_1416, %gather3A_1422 : vector<16xf32>
      %eq3A_1424 = arith.cmpf oeq, %get3A_1341, %max3A_1423 : vector<16xf32>
      %jit3A_1425 = arith.constant 0xFF800000 : f32
      %broadcast_in_dim3A_1426 = vector.broadcast %jit3A_1425 : f32 to vector<16xf32>
      %select_n3A_1427 = arith.select %eq3A_1424, %broadcast_in_dim3A_1426, %get3A_1341 : vector<16xi1>, vector<16xf32>
      %xor3A_1428 = arith.constant 1 : i32
      %xor3A_1429 = vector.broadcast %xor3A_1428 : i32 to vector<16xi32>
      %xor3A_1430 = arith.xori %iota3A, %xor3A_1429 : vector<16xi32>
      %broadcast_in_dim3A_1431 = vector.shape_cast %xor3A_1430 : vector<16xi32> to vector<16x1xi32>
      %gather3A_1432 = vector.shape_cast %broadcast_in_dim3A_1431 : vector<16x1xi32> to vector<16xi32>
      %gather3A_1433 = tpu.dynamic_gather %select_n3A_1427[%gather3A_1432] in [0] : vector<16xf32>, vector<16xi32> -> vector<16xf32>
      %max3A_1434 = arith.maximumf %select_n3A_1427, %gather3A_1433 : vector<16xf32>
      %xor3A_1435 = arith.constant 2 : i32
      %xor3A_1436 = vector.broadcast %xor3A_1435 : i32 to vector<16xi32>
      %xor3A_1437 = arith.xori %iota3A, %xor3A_1436 : vector<16xi32>
      %broadcast_in_dim3A_1438 = vector.shape_cast %xor3A_1437 : vector<16xi32> to vector<16x1xi32>
      %gather3A_1439 = vector.shape_cast %broadcast_in_dim3A_1438 : vector<16x1xi32> to vector<16xi32>
      %gather3A_1440 = tpu.dynamic_gather %max3A_1434[%gather3A_1439] in [0] : vector<16xf32>, vector<16xi32> -> vector<16xf32>
      %max3A_1441 = arith.maximumf %max3A_1434, %gather3A_1440 : vector<16xf32>
      %xor3A_1442 = arith.constant 4 : i32
      %xor3A_1443 = vector.broadcast %xor3A_1442 : i32 to vector<16xi32>
      %xor3A_1444 = arith.xori %iota3A, %xor3A_1443 : vector<16xi32>
      %broadcast_in_dim3A_1445 = vector.shape_cast %xor3A_1444 : vector<16xi32> to vector<16x1xi32>
      %gather3A_1446 = vector.shape_cast %broadcast_in_dim3A_1445 : vector<16x1xi32> to vector<16xi32>
      %gather3A_1447 = tpu.dynamic_gather %max3A_1441[%gather3A_1446] in [0] : vector<16xf32>, vector<16xi32> -> vector<16xf32>
      %max3A_1448 = arith.maximumf %max3A_1441, %gather3A_1447 : vector<16xf32>
      %add3A_1449 = arith.addf %max3A_1423, %max3A_1448 : vector<16xf32>
      %xor3A_1450 = arith.constant 1 : i32
      %xor3A_1451 = vector.broadcast %xor3A_1450 : i32 to vector<16xi32>
      %xor3A_1452 = arith.xori %iota3A, %xor3A_1451 : vector<16xi32>
      %broadcast_in_dim3A_1453 = vector.shape_cast %xor3A_1452 : vector<16xi32> to vector<16x1xi32>
      %gather3A_1454 = vector.shape_cast %broadcast_in_dim3A_1453 : vector<16x1xi32> to vector<16xi32>
      %gather3A_1455 = tpu.dynamic_gather %get3A_1348[%gather3A_1454] in [0] : vector<16xf32>, vector<16xi32> -> vector<16xf32>
      %max3A_1456 = arith.maximumf %get3A_1348, %gather3A_1455 : vector<16xf32>
      %xor3A_1457 = arith.constant 2 : i32
      %xor3A_1458 = vector.broadcast %xor3A_1457 : i32 to vector<16xi32>
      %xor3A_1459 = arith.xori %iota3A, %xor3A_1458 : vector<16xi32>
      %broadcast_in_dim3A_1460 = vector.shape_cast %xor3A_1459 : vector<16xi32> to vector<16x1xi32>
      %gather3A_1461 = vector.shape_cast %broadcast_in_dim3A_1460 : vector<16x1xi32> to vector<16xi32>
      %gather3A_1462 = tpu.dynamic_gather %max3A_1456[%gather3A_1461] in [0] : vector<16xf32>, vector<16xi32> -> vector<16xf32>
      %max3A_1463 = arith.maximumf %max3A_1456, %gather3A_1462 : vector<16xf32>
      %xor3A_1464 = arith.constant 4 : i32
      %xor3A_1465 = vector.broadcast %xor3A_1464 : i32 to vector<16xi32>
      %xor3A_1466 = arith.xori %iota3A, %xor3A_1465 : vector<16xi32>
      %broadcast_in_dim3A_1467 = vector.shape_cast %xor3A_1466 : vector<16xi32> to vector<16x1xi32>
      %gather3A_1468 = vector.shape_cast %broadcast_in_dim3A_1467 : vector<16x1xi32> to vector<16xi32>
      %gather3A_1469 = tpu.dynamic_gather %max3A_1463[%gather3A_1468] in [0] : vector<16xf32>, vector<16xi32> -> vector<16xf32>
      %max3A_1470 = arith.maximumf %max3A_1463, %gather3A_1469 : vector<16xf32>
      %eq3A_1471 = arith.cmpf oeq, %get3A_1348, %max3A_1470 : vector<16xf32>
      %jit3A_1472 = arith.constant 0xFF800000 : f32
      %broadcast_in_dim3A_1473 = vector.broadcast %jit3A_1472 : f32 to vector<16xf32>
      %select_n3A_1474 = arith.select %eq3A_1471, %broadcast_in_dim3A_1473, %get3A_1348 : vector<16xi1>, vector<16xf32>
      %xor3A_1475 = arith.constant 1 : i32
      %xor3A_1476 = vector.broadcast %xor3A_1475 : i32 to vector<16xi32>
      %xor3A_1477 = arith.xori %iota3A, %xor3A_1476 : vector<16xi32>
      %broadcast_in_dim3A_1478 = vector.shape_cast %xor3A_1477 : vector<16xi32> to vector<16x1xi32>
      %gather3A_1479 = vector.shape_cast %broadcast_in_dim3A_1478 : vector<16x1xi32> to vector<16xi32>
      %gather3A_1480 = tpu.dynamic_gather %select_n3A_1474[%gather3A_1479] in [0] : vector<16xf32>, vector<16xi32> -> vector<16xf32>
      %max3A_1481 = arith.maximumf %select_n3A_1474, %gather3A_1480 : vector<16xf32>
      %xor3A_1482 = arith.constant 2 : i32
      %xor3A_1483 = vector.broadcast %xor3A_1482 : i32 to vector<16xi32>
      %xor3A_1484 = arith.xori %iota3A, %xor3A_1483 : vector<16xi32>
      %broadcast_in_dim3A_1485 = vector.shape_cast %xor3A_1484 : vector<16xi32> to vector<16x1xi32>
      %gather3A_1486 = vector.shape_cast %broadcast_in_dim3A_1485 : vector<16x1xi32> to vector<16xi32>
      %gather3A_1487 = tpu.dynamic_gather %max3A_1481[%gather3A_1486] in [0] : vector<16xf32>, vector<16xi32> -> vector<16xf32>
      %max3A_1488 = arith.maximumf %max3A_1481, %gather3A_1487 : vector<16xf32>
      %xor3A_1489 = arith.constant 4 : i32
      %xor3A_1490 = vector.broadcast %xor3A_1489 : i32 to vector<16xi32>
      %xor3A_1491 = arith.xori %iota3A, %xor3A_1490 : vector<16xi32>
      %broadcast_in_dim3A_1492 = vector.shape_cast %xor3A_1491 : vector<16xi32> to vector<16x1xi32>
      %gather3A_1493 = vector.shape_cast %broadcast_in_dim3A_1492 : vector<16x1xi32> to vector<16xi32>
      %gather3A_1494 = tpu.dynamic_gather %max3A_1488[%gather3A_1493] in [0] : vector<16xf32>, vector<16xi32> -> vector<16xf32>
      %max3A_1495 = arith.maximumf %max3A_1488, %gather3A_1494 : vector<16xf32>
      %add3A_1496 = arith.addf %max3A_1470, %max3A_1495 : vector<16xf32>
      %xor3A_1497 = arith.constant 1 : i32
      %xor3A_1498 = vector.broadcast %xor3A_1497 : i32 to vector<16xi32>
      %xor3A_1499 = arith.xori %iota3A, %xor3A_1498 : vector<16xi32>
      %broadcast_in_dim3A_1500 = vector.shape_cast %xor3A_1499 : vector<16xi32> to vector<16x1xi32>
      %gather3A_1501 = vector.shape_cast %broadcast_in_dim3A_1500 : vector<16x1xi32> to vector<16xi32>
      %gather3A_1502 = tpu.dynamic_gather %get3A_1355[%gather3A_1501] in [0] : vector<16xf32>, vector<16xi32> -> vector<16xf32>
      %max3A_1503 = arith.maximumf %get3A_1355, %gather3A_1502 : vector<16xf32>
      %xor3A_1504 = arith.constant 2 : i32
      %xor3A_1505 = vector.broadcast %xor3A_1504 : i32 to vector<16xi32>
      %xor3A_1506 = arith.xori %iota3A, %xor3A_1505 : vector<16xi32>
      %broadcast_in_dim3A_1507 = vector.shape_cast %xor3A_1506 : vector<16xi32> to vector<16x1xi32>
      %gather3A_1508 = vector.shape_cast %broadcast_in_dim3A_1507 : vector<16x1xi32> to vector<16xi32>
      %gather3A_1509 = tpu.dynamic_gather %max3A_1503[%gather3A_1508] in [0] : vector<16xf32>, vector<16xi32> -> vector<16xf32>
      %max3A_1510 = arith.maximumf %max3A_1503, %gather3A_1509 : vector<16xf32>
      %xor3A_1511 = arith.constant 4 : i32
      %xor3A_1512 = vector.broadcast %xor3A_1511 : i32 to vector<16xi32>
      %xor3A_1513 = arith.xori %iota3A, %xor3A_1512 : vector<16xi32>
      %broadcast_in_dim3A_1514 = vector.shape_cast %xor3A_1513 : vector<16xi32> to vector<16x1xi32>
      %gather3A_1515 = vector.shape_cast %broadcast_in_dim3A_1514 : vector<16x1xi32> to vector<16xi32>
      %gather3A_1516 = tpu.dynamic_gather %max3A_1510[%gather3A_1515] in [0] : vector<16xf32>, vector<16xi32> -> vector<16xf32>
      %max3A_1517 = arith.maximumf %max3A_1510, %gather3A_1516 : vector<16xf32>
      %eq3A_1518 = arith.cmpf oeq, %get3A_1355, %max3A_1517 : vector<16xf32>
      %jit3A_1519 = arith.constant 0xFF800000 : f32
      %broadcast_in_dim3A_1520 = vector.broadcast %jit3A_1519 : f32 to vector<16xf32>
      %select_n3A_1521 = arith.select %eq3A_1518, %broadcast_in_dim3A_1520, %get3A_1355 : vector<16xi1>, vector<16xf32>
      %xor3A_1522 = arith.constant 1 : i32
      %xor3A_1523 = vector.broadcast %xor3A_1522 : i32 to vector<16xi32>
      %xor3A_1524 = arith.xori %iota3A, %xor3A_1523 : vector<16xi32>
      %broadcast_in_dim3A_1525 = vector.shape_cast %xor3A_1524 : vector<16xi32> to vector<16x1xi32>
      %gather3A_1526 = vector.shape_cast %broadcast_in_dim3A_1525 : vector<16x1xi32> to vector<16xi32>
      %gather3A_1527 = tpu.dynamic_gather %select_n3A_1521[%gather3A_1526] in [0] : vector<16xf32>, vector<16xi32> -> vector<16xf32>
      %max3A_1528 = arith.maximumf %select_n3A_1521, %gather3A_1527 : vector<16xf32>
      %xor3A_1529 = arith.constant 2 : i32
      %xor3A_1530 = vector.broadcast %xor3A_1529 : i32 to vector<16xi32>
      %xor3A_1531 = arith.xori %iota3A, %xor3A_1530 : vector<16xi32>
      %broadcast_in_dim3A_1532 = vector.shape_cast %xor3A_1531 : vector<16xi32> to vector<16x1xi32>
      %gather3A_1533 = vector.shape_cast %broadcast_in_dim3A_1532 : vector<16x1xi32> to vector<16xi32>
      %gather3A_1534 = tpu.dynamic_gather %max3A_1528[%gather3A_1533] in [0] : vector<16xf32>, vector<16xi32> -> vector<16xf32>
      %max3A_1535 = arith.maximumf %max3A_1528, %gather3A_1534 : vector<16xf32>
      %xor3A_1536 = arith.constant 4 : i32
      %xor3A_1537 = vector.broadcast %xor3A_1536 : i32 to vector<16xi32>
      %xor3A_1538 = arith.xori %iota3A, %xor3A_1537 : vector<16xi32>
      %broadcast_in_dim3A_1539 = vector.shape_cast %xor3A_1538 : vector<16xi32> to vector<16x1xi32>
      %gather3A_1540 = vector.shape_cast %broadcast_in_dim3A_1539 : vector<16x1xi32> to vector<16xi32>
      %gather3A_1541 = tpu.dynamic_gather %max3A_1535[%gather3A_1540] in [0] : vector<16xf32>, vector<16xi32> -> vector<16xf32>
      %max3A_1542 = arith.maximumf %max3A_1535, %gather3A_1541 : vector<16xf32>
      %add3A_1543 = arith.addf %max3A_1517, %max3A_1542 : vector<16xf32>
      %and3A_1544 = arith.constant 1 : i32
      %and3A_1545 = vector.broadcast %and3A_1544 : i32 to vector<16xi32>
      %and3A_1546 = arith.andi %iota3A, %and3A_1545 : vector<16xi32>
      %mul3A_1547 = arith.constant 8 : i32
      %mul3A_1548 = vector.broadcast %mul3A_1547 : i32 to vector<16xi32>
      %mul3A_1549 = arith.muli %and3A_1546, %mul3A_1548 : vector<16xi32>
      %lt3A_1550 = arith.constant 2 : i32
      %lt3A_1551 = vector.broadcast %lt3A_1550 : i32 to vector<16xi32>
      %lt3A_1552 = arith.cmpi slt, %iota3A, %lt3A_1551 : vector<16xi32>
      %broadcast_in_dim3A_1553 = vector.shape_cast %mul3A_1549 : vector<16xi32> to vector<16x1xi32>
      %gather3A_1554 = vector.shape_cast %broadcast_in_dim3A_1553 : vector<16x1xi32> to vector<16xi32>
      %gather3A_1555 = tpu.dynamic_gather %add3A_1402[%gather3A_1554] in [0] : vector<16xf32>, vector<16xi32> -> vector<16xf32>
      %lt3A_1556 = arith.constant 4 : i32
      %lt3A_1557 = vector.broadcast %lt3A_1556 : i32 to vector<16xi32>
      %lt3A_1558 = arith.cmpi slt, %iota3A, %lt3A_1557 : vector<16xi32>
      %broadcast_in_dim3A_1559 = vector.shape_cast %mul3A_1549 : vector<16xi32> to vector<16x1xi32>
      %gather3A_1560 = vector.shape_cast %broadcast_in_dim3A_1559 : vector<16x1xi32> to vector<16xi32>
      %gather3A_1561 = tpu.dynamic_gather %add3A_1449[%gather3A_1560] in [0] : vector<16xf32>, vector<16xi32> -> vector<16xf32>
      %lt3A_1562 = arith.constant 6 : i32
      %lt3A_1563 = vector.broadcast %lt3A_1562 : i32 to vector<16xi32>
      %lt3A_1564 = arith.cmpi slt, %iota3A, %lt3A_1563 : vector<16xi32>
      %broadcast_in_dim3A_1565 = vector.shape_cast %mul3A_1549 : vector<16xi32> to vector<16x1xi32>
      %gather3A_1566 = vector.shape_cast %broadcast_in_dim3A_1565 : vector<16x1xi32> to vector<16xi32>
      %gather3A_1567 = tpu.dynamic_gather %add3A_1496[%gather3A_1566] in [0] : vector<16xf32>, vector<16xi32> -> vector<16xf32>
      %broadcast_in_dim3A_1568 = vector.shape_cast %mul3A_1549 : vector<16xi32> to vector<16x1xi32>
      %gather3A_1569 = vector.shape_cast %broadcast_in_dim3A_1568 : vector<16x1xi32> to vector<16xi32>
      %gather3A_1570 = tpu.dynamic_gather %add3A_1543[%gather3A_1569] in [0] : vector<16xf32>, vector<16xi32> -> vector<16xf32>
      %select_n3A_1571 = arith.select %lt3A_1564, %gather3A_1567, %gather3A_1570 : vector<16xi1>, vector<16xf32>
      %select_n3A_1572 = arith.select %lt3A_1558, %gather3A_1561, %select_n3A_1571 : vector<16xi1>, vector<16xf32>
      %select_n3A_1573 = arith.select %lt3A_1552, %gather3A_1555, %select_n3A_1572 : vector<16xi1>, vector<16xf32>
      %jit3A_1574 = arith.constant 0xFF800000 : f32
      %broadcast_in_dim3A_1575 = vector.broadcast %jit3A_1574 : f32 to vector<16xf32>
      %select_n3A_1576 = arith.select %lt3A_16, %select_n3A_1573, %broadcast_in_dim3A_1575 : vector<16xi1>, vector<16xf32>
      %broadcast_in_dim3A_1577 = arith.constant 0.000000e+00 : f32
      %broadcast_in_dim3A_1578 = vector.broadcast %broadcast_in_dim3A_1577 : f32 to vector<16xf32>
      %add3A_1579 = arith.constant 1 : i32
      %add3A_1580 = vector.broadcast %add3A_1579 : i32 to vector<16xi32>
      %add3A_1581 = arith.addi %iota3A, %add3A_1580 : vector<16xi32>
      %and3A_1582 = arith.constant 7 : i32
      %and3A_1583 = vector.broadcast %and3A_1582 : i32 to vector<16xi32>
      %and3A_1584 = arith.andi %add3A_1581, %and3A_1583 : vector<16xi32>
      %broadcast_in_dim3A_1585 = vector.shape_cast %and3A_1584 : vector<16xi32> to vector<16x1xi32>
      %gather3A_1586 = vector.shape_cast %broadcast_in_dim3A_1585 : vector<16x1xi32> to vector<16xi32>
      %gather3A_1587 = tpu.dynamic_gather %select_n3A_1576[%gather3A_1586] in [0] : vector<16xf32>, vector<16xi32> -> vector<16xf32>
      %gt3A_1588 = arith.cmpf ogt, %gather3A_1587, %select_n3A_1576 : vector<16xf32>
      %eq3A_1589 = arith.cmpf oeq, %gather3A_1587, %select_n3A_1576 : vector<16xf32>
      %lt3A_1590 = arith.constant 7 : i32
      %lt3A_1591 = vector.broadcast %lt3A_1590 : i32 to vector<16xi32>
      %lt3A_1592 = arith.cmpi slt, %iota3A, %lt3A_1591 : vector<16xi32>
      %and3A_1593 = arith.andi %eq3A_1589, %lt3A_1592 : vector<16xi1>
      %or3A_1594 = arith.ori %gt3A_1588, %and3A_1593 : vector<16xi1>
      %jit3A_1595 = arith.constant 1.000000e+00 : f32
      %jit3A_1596 = arith.constant 0.000000e+00 : f32
      %broadcast_in_dim3A_1597 = vector.broadcast %jit3A_1595 : f32 to vector<16xf32>
      %broadcast_in_dim3A_1598 = vector.broadcast %jit3A_1596 : f32 to vector<16xf32>
      %select_n3A_1599 = arith.select %or3A_1594, %broadcast_in_dim3A_1597, %broadcast_in_dim3A_1598 : vector<16xi1>, vector<16xf32>
      %add3A_1600 = arith.addf %broadcast_in_dim3A_1578, %select_n3A_1599 : vector<16xf32>
      %add3A_1601 = arith.constant 2 : i32
      %add3A_1602 = vector.broadcast %add3A_1601 : i32 to vector<16xi32>
      %add3A_1603 = arith.addi %iota3A, %add3A_1602 : vector<16xi32>
      %and3A_1604 = arith.constant 7 : i32
      %and3A_1605 = vector.broadcast %and3A_1604 : i32 to vector<16xi32>
      %and3A_1606 = arith.andi %add3A_1603, %and3A_1605 : vector<16xi32>
      %broadcast_in_dim3A_1607 = vector.shape_cast %and3A_1606 : vector<16xi32> to vector<16x1xi32>
      %gather3A_1608 = vector.shape_cast %broadcast_in_dim3A_1607 : vector<16x1xi32> to vector<16xi32>
      %gather3A_1609 = tpu.dynamic_gather %select_n3A_1576[%gather3A_1608] in [0] : vector<16xf32>, vector<16xi32> -> vector<16xf32>
      %gt3A_1610 = arith.cmpf ogt, %gather3A_1609, %select_n3A_1576 : vector<16xf32>
      %eq3A_1611 = arith.cmpf oeq, %gather3A_1609, %select_n3A_1576 : vector<16xf32>
      %lt3A_1612 = arith.constant 6 : i32
      %lt3A_1613 = vector.broadcast %lt3A_1612 : i32 to vector<16xi32>
      %lt3A_1614 = arith.cmpi slt, %iota3A, %lt3A_1613 : vector<16xi32>
      %and3A_1615 = arith.andi %eq3A_1611, %lt3A_1614 : vector<16xi1>
      %or3A_1616 = arith.ori %gt3A_1610, %and3A_1615 : vector<16xi1>
      %jit3A_1617 = arith.constant 1.000000e+00 : f32
      %jit3A_1618 = arith.constant 0.000000e+00 : f32
      %broadcast_in_dim3A_1619 = vector.broadcast %jit3A_1617 : f32 to vector<16xf32>
      %broadcast_in_dim3A_1620 = vector.broadcast %jit3A_1618 : f32 to vector<16xf32>
      %select_n3A_1621 = arith.select %or3A_1616, %broadcast_in_dim3A_1619, %broadcast_in_dim3A_1620 : vector<16xi1>, vector<16xf32>
      %add3A_1622 = arith.addf %add3A_1600, %select_n3A_1621 : vector<16xf32>
      %add3A_1623 = arith.constant 3 : i32
      %add3A_1624 = vector.broadcast %add3A_1623 : i32 to vector<16xi32>
      %add3A_1625 = arith.addi %iota3A, %add3A_1624 : vector<16xi32>
      %and3A_1626 = arith.constant 7 : i32
      %and3A_1627 = vector.broadcast %and3A_1626 : i32 to vector<16xi32>
      %and3A_1628 = arith.andi %add3A_1625, %and3A_1627 : vector<16xi32>
      %broadcast_in_dim3A_1629 = vector.shape_cast %and3A_1628 : vector<16xi32> to vector<16x1xi32>
      %gather3A_1630 = vector.shape_cast %broadcast_in_dim3A_1629 : vector<16x1xi32> to vector<16xi32>
      %gather3A_1631 = tpu.dynamic_gather %select_n3A_1576[%gather3A_1630] in [0] : vector<16xf32>, vector<16xi32> -> vector<16xf32>
      %gt3A_1632 = arith.cmpf ogt, %gather3A_1631, %select_n3A_1576 : vector<16xf32>
      %eq3A_1633 = arith.cmpf oeq, %gather3A_1631, %select_n3A_1576 : vector<16xf32>
      %lt3A_1634 = arith.constant 5 : i32
      %lt3A_1635 = vector.broadcast %lt3A_1634 : i32 to vector<16xi32>
      %lt3A_1636 = arith.cmpi slt, %iota3A, %lt3A_1635 : vector<16xi32>
      %and3A_1637 = arith.andi %eq3A_1633, %lt3A_1636 : vector<16xi1>
      %or3A_1638 = arith.ori %gt3A_1632, %and3A_1637 : vector<16xi1>
      %jit3A_1639 = arith.constant 1.000000e+00 : f32
      %jit3A_1640 = arith.constant 0.000000e+00 : f32
      %broadcast_in_dim3A_1641 = vector.broadcast %jit3A_1639 : f32 to vector<16xf32>
      %broadcast_in_dim3A_1642 = vector.broadcast %jit3A_1640 : f32 to vector<16xf32>
      %select_n3A_1643 = arith.select %or3A_1638, %broadcast_in_dim3A_1641, %broadcast_in_dim3A_1642 : vector<16xi1>, vector<16xf32>
      %add3A_1644 = arith.addf %add3A_1622, %select_n3A_1643 : vector<16xf32>
      %add3A_1645 = arith.constant 4 : i32
      %add3A_1646 = vector.broadcast %add3A_1645 : i32 to vector<16xi32>
      %add3A_1647 = arith.addi %iota3A, %add3A_1646 : vector<16xi32>
      %and3A_1648 = arith.constant 7 : i32
      %and3A_1649 = vector.broadcast %and3A_1648 : i32 to vector<16xi32>
      %and3A_1650 = arith.andi %add3A_1647, %and3A_1649 : vector<16xi32>
      %broadcast_in_dim3A_1651 = vector.shape_cast %and3A_1650 : vector<16xi32> to vector<16x1xi32>
      %gather3A_1652 = vector.shape_cast %broadcast_in_dim3A_1651 : vector<16x1xi32> to vector<16xi32>
      %gather3A_1653 = tpu.dynamic_gather %select_n3A_1576[%gather3A_1652] in [0] : vector<16xf32>, vector<16xi32> -> vector<16xf32>
      %gt3A_1654 = arith.cmpf ogt, %gather3A_1653, %select_n3A_1576 : vector<16xf32>
      %eq3A_1655 = arith.cmpf oeq, %gather3A_1653, %select_n3A_1576 : vector<16xf32>
      %lt3A_1656 = arith.constant 4 : i32
      %lt3A_1657 = vector.broadcast %lt3A_1656 : i32 to vector<16xi32>
      %lt3A_1658 = arith.cmpi slt, %iota3A, %lt3A_1657 : vector<16xi32>
      %and3A_1659 = arith.andi %eq3A_1655, %lt3A_1658 : vector<16xi1>
      %or3A_1660 = arith.ori %gt3A_1654, %and3A_1659 : vector<16xi1>
      %jit3A_1661 = arith.constant 1.000000e+00 : f32
      %jit3A_1662 = arith.constant 0.000000e+00 : f32
      %broadcast_in_dim3A_1663 = vector.broadcast %jit3A_1661 : f32 to vector<16xf32>
      %broadcast_in_dim3A_1664 = vector.broadcast %jit3A_1662 : f32 to vector<16xf32>
      %select_n3A_1665 = arith.select %or3A_1660, %broadcast_in_dim3A_1663, %broadcast_in_dim3A_1664 : vector<16xi1>, vector<16xf32>
      %add3A_1666 = arith.addf %add3A_1644, %select_n3A_1665 : vector<16xf32>
      %add3A_1667 = arith.constant 5 : i32
      %add3A_1668 = vector.broadcast %add3A_1667 : i32 to vector<16xi32>
      %add3A_1669 = arith.addi %iota3A, %add3A_1668 : vector<16xi32>
      %and3A_1670 = arith.constant 7 : i32
      %and3A_1671 = vector.broadcast %and3A_1670 : i32 to vector<16xi32>
      %and3A_1672 = arith.andi %add3A_1669, %and3A_1671 : vector<16xi32>
      %broadcast_in_dim3A_1673 = vector.shape_cast %and3A_1672 : vector<16xi32> to vector<16x1xi32>
      %gather3A_1674 = vector.shape_cast %broadcast_in_dim3A_1673 : vector<16x1xi32> to vector<16xi32>
      %gather3A_1675 = tpu.dynamic_gather %select_n3A_1576[%gather3A_1674] in [0] : vector<16xf32>, vector<16xi32> -> vector<16xf32>
      %gt3A_1676 = arith.cmpf ogt, %gather3A_1675, %select_n3A_1576 : vector<16xf32>
      %eq3A_1677 = arith.cmpf oeq, %gather3A_1675, %select_n3A_1576 : vector<16xf32>
      %lt3A_1678 = arith.constant 3 : i32
      %lt3A_1679 = vector.broadcast %lt3A_1678 : i32 to vector<16xi32>
      %lt3A_1680 = arith.cmpi slt, %iota3A, %lt3A_1679 : vector<16xi32>
      %and3A_1681 = arith.andi %eq3A_1677, %lt3A_1680 : vector<16xi1>
      %or3A_1682 = arith.ori %gt3A_1676, %and3A_1681 : vector<16xi1>
      %jit3A_1683 = arith.constant 1.000000e+00 : f32
      %jit3A_1684 = arith.constant 0.000000e+00 : f32
      %broadcast_in_dim3A_1685 = vector.broadcast %jit3A_1683 : f32 to vector<16xf32>
      %broadcast_in_dim3A_1686 = vector.broadcast %jit3A_1684 : f32 to vector<16xf32>
      %select_n3A_1687 = arith.select %or3A_1682, %broadcast_in_dim3A_1685, %broadcast_in_dim3A_1686 : vector<16xi1>, vector<16xf32>
      %add3A_1688 = arith.addf %add3A_1666, %select_n3A_1687 : vector<16xf32>
      %add3A_1689 = arith.constant 6 : i32
      %add3A_1690 = vector.broadcast %add3A_1689 : i32 to vector<16xi32>
      %add3A_1691 = arith.addi %iota3A, %add3A_1690 : vector<16xi32>
      %and3A_1692 = arith.constant 7 : i32
      %and3A_1693 = vector.broadcast %and3A_1692 : i32 to vector<16xi32>
      %and3A_1694 = arith.andi %add3A_1691, %and3A_1693 : vector<16xi32>
      %broadcast_in_dim3A_1695 = vector.shape_cast %and3A_1694 : vector<16xi32> to vector<16x1xi32>
      %gather3A_1696 = vector.shape_cast %broadcast_in_dim3A_1695 : vector<16x1xi32> to vector<16xi32>
      %gather3A_1697 = tpu.dynamic_gather %select_n3A_1576[%gather3A_1696] in [0] : vector<16xf32>, vector<16xi32> -> vector<16xf32>
      %gt3A_1698 = arith.cmpf ogt, %gather3A_1697, %select_n3A_1576 : vector<16xf32>
      %eq3A_1699 = arith.cmpf oeq, %gather3A_1697, %select_n3A_1576 : vector<16xf32>
      %lt3A_1700 = arith.constant 2 : i32
      %lt3A_1701 = vector.broadcast %lt3A_1700 : i32 to vector<16xi32>
      %lt3A_1702 = arith.cmpi slt, %iota3A, %lt3A_1701 : vector<16xi32>
      %and3A_1703 = arith.andi %eq3A_1699, %lt3A_1702 : vector<16xi1>
      %or3A_1704 = arith.ori %gt3A_1698, %and3A_1703 : vector<16xi1>
      %jit3A_1705 = arith.constant 1.000000e+00 : f32
      %jit3A_1706 = arith.constant 0.000000e+00 : f32
      %broadcast_in_dim3A_1707 = vector.broadcast %jit3A_1705 : f32 to vector<16xf32>
      %broadcast_in_dim3A_1708 = vector.broadcast %jit3A_1706 : f32 to vector<16xf32>
      %select_n3A_1709 = arith.select %or3A_1704, %broadcast_in_dim3A_1707, %broadcast_in_dim3A_1708 : vector<16xi1>, vector<16xf32>
      %add3A_1710 = arith.addf %add3A_1688, %select_n3A_1709 : vector<16xf32>
      %add3A_1711 = arith.constant 7 : i32
      %add3A_1712 = vector.broadcast %add3A_1711 : i32 to vector<16xi32>
      %add3A_1713 = arith.addi %iota3A, %add3A_1712 : vector<16xi32>
      %and3A_1714 = arith.constant 7 : i32
      %and3A_1715 = vector.broadcast %and3A_1714 : i32 to vector<16xi32>
      %and3A_1716 = arith.andi %add3A_1713, %and3A_1715 : vector<16xi32>
      %broadcast_in_dim3A_1717 = vector.shape_cast %and3A_1716 : vector<16xi32> to vector<16x1xi32>
      %gather3A_1718 = vector.shape_cast %broadcast_in_dim3A_1717 : vector<16x1xi32> to vector<16xi32>
      %gather3A_1719 = tpu.dynamic_gather %select_n3A_1576[%gather3A_1718] in [0] : vector<16xf32>, vector<16xi32> -> vector<16xf32>
      %gt3A_1720 = arith.cmpf ogt, %gather3A_1719, %select_n3A_1576 : vector<16xf32>
      %eq3A_1721 = arith.cmpf oeq, %gather3A_1719, %select_n3A_1576 : vector<16xf32>
      %lt3A_1722 = arith.constant 1 : i32
      %lt3A_1723 = vector.broadcast %lt3A_1722 : i32 to vector<16xi32>
      %lt3A_1724 = arith.cmpi slt, %iota3A, %lt3A_1723 : vector<16xi32>
      %and3A_1725 = arith.andi %eq3A_1721, %lt3A_1724 : vector<16xi1>
      %or3A_1726 = arith.ori %gt3A_1720, %and3A_1725 : vector<16xi1>
      %jit3A_1727 = arith.constant 1.000000e+00 : f32
      %jit3A_1728 = arith.constant 0.000000e+00 : f32
      %broadcast_in_dim3A_1729 = vector.broadcast %jit3A_1727 : f32 to vector<16xf32>
      %broadcast_in_dim3A_1730 = vector.broadcast %jit3A_1728 : f32 to vector<16xf32>
      %select_n3A_1731 = arith.select %or3A_1726, %broadcast_in_dim3A_1729, %broadcast_in_dim3A_1730 : vector<16xi1>, vector<16xf32>
      %add3A_1732 = arith.addf %add3A_1710, %select_n3A_1731 : vector<16xf32>
      %lt3A_1733 = arith.constant 4.000000e+00 : f32
      %lt3A_1734 = vector.broadcast %lt3A_1733 : f32 to vector<16xf32>
      %lt3A_1735 = arith.cmpf olt, %add3A_1732, %lt3A_1734 : vector<16xf32>
      %jit3A_1736 = arith.constant 1.000000e+00 : f32
      %jit3A_1737 = arith.constant 0.000000e+00 : f32
      %broadcast_in_dim3A_1738 = vector.broadcast %jit3A_1736 : f32 to vector<16xf32>
      %broadcast_in_dim3A_1739 = vector.broadcast %jit3A_1737 : f32 to vector<16xf32>
      %select_n3A_1740 = arith.select %lt3A_1735, %broadcast_in_dim3A_1738, %broadcast_in_dim3A_1739 : vector<16xi1>, vector<16xf32>
      %jit3A_1741 = arith.constant 0 : i32
      %jit3A_1742 = arith.constant 1 : i32
      %broadcast_in_dim3A_1743 = vector.broadcast %jit3A_1741 : i32 to vector<16xi32>
      %broadcast_in_dim3A_1744 = vector.broadcast %jit3A_1742 : i32 to vector<16xi32>
      %select_n3A_1745 = arith.select %lt3A_16, %broadcast_in_dim3A_1743, %broadcast_in_dim3A_1744 : vector<16xi1>, vector<16xi32>
      %broadcast_in_dim3A_1746 = vector.shape_cast %select_n3A_1745 : vector<16xi32> to vector<16x1xi32>
      %gather3A_1747 = vector.shape_cast %broadcast_in_dim3A_1746 : vector<16x1xi32> to vector<16xi32>
      %gather3A_1748 = tpu.dynamic_gather %select_n3A_1740[%gather3A_1747] in [0] : vector<16xf32>, vector<16xi32> -> vector<16xf32>
      %gt3A_1749 = arith.constant 5.000000e-01 : f32
      %gt3A_1750 = vector.broadcast %gt3A_1749 : f32 to vector<16xf32>
      %gt3A_1751 = arith.cmpf ogt, %gather3A_1748, %gt3A_1750 : vector<16xf32>
      %jit3A_1752 = arith.constant 0xFF800000 : f32
      %broadcast_in_dim3A_1753 = vector.broadcast %jit3A_1752 : f32 to vector<16xf32>
      %select_n3A_1754 = arith.select %gt3A_1751, %get3A_1334, %broadcast_in_dim3A_1753 : vector<16xi1>, vector<16xf32>
      %add3A_1755 = arith.constant 0 : i32
      %add3A_1756 = vector.broadcast %add3A_1755 : i32 to vector<16xi32>
      %add3A_1757 = arith.addi %iota3A, %add3A_1756 : vector<16xi32>
      %jit3A_1758 = arith.constant 2 : i32
      %jit3A_1759 = arith.constant 3 : i32
      %broadcast_in_dim3A_1760 = vector.broadcast %jit3A_1758 : i32 to vector<16xi32>
      %broadcast_in_dim3A_1761 = vector.broadcast %jit3A_1759 : i32 to vector<16xi32>
      %select_n3A_1762 = arith.select %lt3A_16, %broadcast_in_dim3A_1760, %broadcast_in_dim3A_1761 : vector<16xi1>, vector<16xi32>
      %broadcast_in_dim3A_1763 = vector.shape_cast %select_n3A_1762 : vector<16xi32> to vector<16x1xi32>
      %gather3A_1764 = vector.shape_cast %broadcast_in_dim3A_1763 : vector<16x1xi32> to vector<16xi32>
      %gather3A_1765 = tpu.dynamic_gather %select_n3A_1740[%gather3A_1764] in [0] : vector<16xf32>, vector<16xi32> -> vector<16xf32>
      %gt3A_1766 = arith.constant 5.000000e-01 : f32
      %gt3A_1767 = vector.broadcast %gt3A_1766 : f32 to vector<16xf32>
      %gt3A_1768 = arith.cmpf ogt, %gather3A_1765, %gt3A_1767 : vector<16xf32>
      %jit3A_1769 = arith.constant 0xFF800000 : f32
      %broadcast_in_dim3A_1770 = vector.broadcast %jit3A_1769 : f32 to vector<16xf32>
      %select_n3A_1771 = arith.select %gt3A_1768, %get3A_1341, %broadcast_in_dim3A_1770 : vector<16xi1>, vector<16xf32>
      %add3A_1772 = arith.constant 16 : i32
      %add3A_1773 = vector.broadcast %add3A_1772 : i32 to vector<16xi32>
      %add3A_1774 = arith.addi %iota3A, %add3A_1773 : vector<16xi32>
      %jit3A_1775 = arith.constant 4 : i32
      %jit3A_1776 = arith.constant 5 : i32
      %broadcast_in_dim3A_1777 = vector.broadcast %jit3A_1775 : i32 to vector<16xi32>
      %broadcast_in_dim3A_1778 = vector.broadcast %jit3A_1776 : i32 to vector<16xi32>
      %select_n3A_1779 = arith.select %lt3A_16, %broadcast_in_dim3A_1777, %broadcast_in_dim3A_1778 : vector<16xi1>, vector<16xi32>
      %broadcast_in_dim3A_1780 = vector.shape_cast %select_n3A_1779 : vector<16xi32> to vector<16x1xi32>
      %gather3A_1781 = vector.shape_cast %broadcast_in_dim3A_1780 : vector<16x1xi32> to vector<16xi32>
      %gather3A_1782 = tpu.dynamic_gather %select_n3A_1740[%gather3A_1781] in [0] : vector<16xf32>, vector<16xi32> -> vector<16xf32>
      %gt3A_1783 = arith.constant 5.000000e-01 : f32
      %gt3A_1784 = vector.broadcast %gt3A_1783 : f32 to vector<16xf32>
      %gt3A_1785 = arith.cmpf ogt, %gather3A_1782, %gt3A_1784 : vector<16xf32>
      %jit3A_1786 = arith.constant 0xFF800000 : f32
      %broadcast_in_dim3A_1787 = vector.broadcast %jit3A_1786 : f32 to vector<16xf32>
      %select_n3A_1788 = arith.select %gt3A_1785, %get3A_1348, %broadcast_in_dim3A_1787 : vector<16xi1>, vector<16xf32>
      %add3A_1789 = arith.constant 32 : i32
      %add3A_1790 = vector.broadcast %add3A_1789 : i32 to vector<16xi32>
      %add3A_1791 = arith.addi %iota3A, %add3A_1790 : vector<16xi32>
      %jit3A_1792 = arith.constant 6 : i32
      %jit3A_1793 = arith.constant 7 : i32
      %broadcast_in_dim3A_1794 = vector.broadcast %jit3A_1792 : i32 to vector<16xi32>
      %broadcast_in_dim3A_1795 = vector.broadcast %jit3A_1793 : i32 to vector<16xi32>
      %select_n3A_1796 = arith.select %lt3A_16, %broadcast_in_dim3A_1794, %broadcast_in_dim3A_1795 : vector<16xi1>, vector<16xi32>
      %broadcast_in_dim3A_1797 = vector.shape_cast %select_n3A_1796 : vector<16xi32> to vector<16x1xi32>
      %gather3A_1798 = vector.shape_cast %broadcast_in_dim3A_1797 : vector<16x1xi32> to vector<16xi32>
      %gather3A_1799 = tpu.dynamic_gather %select_n3A_1740[%gather3A_1798] in [0] : vector<16xf32>, vector<16xi32> -> vector<16xf32>
      %gt3A_1800 = arith.constant 5.000000e-01 : f32
      %gt3A_1801 = vector.broadcast %gt3A_1800 : f32 to vector<16xf32>
      %gt3A_1802 = arith.cmpf ogt, %gather3A_1799, %gt3A_1801 : vector<16xf32>
      %jit3A_1803 = arith.constant 0xFF800000 : f32
      %broadcast_in_dim3A_1804 = vector.broadcast %jit3A_1803 : f32 to vector<16xf32>
      %select_n3A_1805 = arith.select %gt3A_1802, %get3A_1355, %broadcast_in_dim3A_1804 : vector<16xi1>, vector<16xf32>
      %add3A_1806 = arith.constant 48 : i32
      %add3A_1807 = vector.broadcast %add3A_1806 : i32 to vector<16xi32>
      %add3A_1808 = arith.addi %iota3A, %add3A_1807 : vector<16xi32>
      %broadcast_in_dim3A_1809 = arith.constant 0.000000e+00 : f32
      %broadcast_in_dim3A_1810 = vector.broadcast %broadcast_in_dim3A_1809 : f32 to vector<16xf32>
      %broadcast_in_dim3A_1811 = arith.constant 0 : i32
      %broadcast_in_dim3A_1812 = vector.broadcast %broadcast_in_dim3A_1811 : i32 to vector<16xi32>
      %max3A_1813 = arith.maximumf %select_n3A_1754, %select_n3A_1771 : vector<16xf32>
      %max3A_1814 = arith.maximumf %select_n3A_1788, %select_n3A_1805 : vector<16xf32>
      %max3A_1815 = arith.maximumf %max3A_1813, %max3A_1814 : vector<16xf32>
      %xor3A_1816 = arith.constant 1 : i32
      %xor3A_1817 = vector.broadcast %xor3A_1816 : i32 to vector<16xi32>
      %xor3A_1818 = arith.xori %iota3A, %xor3A_1817 : vector<16xi32>
      %broadcast_in_dim3A_1819 = vector.shape_cast %xor3A_1818 : vector<16xi32> to vector<16x1xi32>
      %gather3A_1820 = vector.shape_cast %broadcast_in_dim3A_1819 : vector<16x1xi32> to vector<16xi32>
      %gather3A_1821 = tpu.dynamic_gather %max3A_1815[%gather3A_1820] in [0] : vector<16xf32>, vector<16xi32> -> vector<16xf32>
      %max3A_1822 = arith.maximumf %max3A_1815, %gather3A_1821 : vector<16xf32>
      %xor3A_1823 = arith.constant 2 : i32
      %xor3A_1824 = vector.broadcast %xor3A_1823 : i32 to vector<16xi32>
      %xor3A_1825 = arith.xori %iota3A, %xor3A_1824 : vector<16xi32>
      %broadcast_in_dim3A_1826 = vector.shape_cast %xor3A_1825 : vector<16xi32> to vector<16x1xi32>
      %gather3A_1827 = vector.shape_cast %broadcast_in_dim3A_1826 : vector<16x1xi32> to vector<16xi32>
      %gather3A_1828 = tpu.dynamic_gather %max3A_1822[%gather3A_1827] in [0] : vector<16xf32>, vector<16xi32> -> vector<16xf32>
      %max3A_1829 = arith.maximumf %max3A_1822, %gather3A_1828 : vector<16xf32>
      %xor3A_1830 = arith.constant 4 : i32
      %xor3A_1831 = vector.broadcast %xor3A_1830 : i32 to vector<16xi32>
      %xor3A_1832 = arith.xori %iota3A, %xor3A_1831 : vector<16xi32>
      %broadcast_in_dim3A_1833 = vector.shape_cast %xor3A_1832 : vector<16xi32> to vector<16x1xi32>
      %gather3A_1834 = vector.shape_cast %broadcast_in_dim3A_1833 : vector<16x1xi32> to vector<16xi32>
      %gather3A_1835 = tpu.dynamic_gather %max3A_1829[%gather3A_1834] in [0] : vector<16xf32>, vector<16xi32> -> vector<16xf32>
      %max3A_1836 = arith.maximumf %max3A_1829, %gather3A_1835 : vector<16xf32>
      %xor3A_1837 = arith.constant 8 : i32
      %xor3A_1838 = vector.broadcast %xor3A_1837 : i32 to vector<16xi32>
      %xor3A_1839 = arith.xori %iota3A, %xor3A_1838 : vector<16xi32>
      %broadcast_in_dim3A_1840 = vector.shape_cast %xor3A_1839 : vector<16xi32> to vector<16x1xi32>
      %gather3A_1841 = vector.shape_cast %broadcast_in_dim3A_1840 : vector<16x1xi32> to vector<16xi32>
      %gather3A_1842 = tpu.dynamic_gather %max3A_1836[%gather3A_1841] in [0] : vector<16xf32>, vector<16xi32> -> vector<16xf32>
      %max3A_1843 = arith.maximumf %max3A_1836, %gather3A_1842 : vector<16xf32>
      %eq3A_1844 = arith.cmpf oeq, %select_n3A_1754, %max3A_1843 : vector<16xf32>
      %jit3A_1845 = arith.constant -1 : i32
      %broadcast_in_dim3A_1846 = vector.broadcast %jit3A_1845 : i32 to vector<16xi32>
      %select_n3A_1847 = arith.select %eq3A_1844, %add3A_1757, %broadcast_in_dim3A_1846 : vector<16xi1>, vector<16xi32>
      %eq3A_1848 = arith.cmpf oeq, %select_n3A_1771, %max3A_1843 : vector<16xf32>
      %jit3A_1849 = arith.constant -1 : i32
      %broadcast_in_dim3A_1850 = vector.broadcast %jit3A_1849 : i32 to vector<16xi32>
      %select_n3A_1851 = arith.select %eq3A_1848, %add3A_1774, %broadcast_in_dim3A_1850 : vector<16xi1>, vector<16xi32>
      %eq3A_1852 = arith.cmpf oeq, %select_n3A_1788, %max3A_1843 : vector<16xf32>
      %jit3A_1853 = arith.constant -1 : i32
      %broadcast_in_dim3A_1854 = vector.broadcast %jit3A_1853 : i32 to vector<16xi32>
      %select_n3A_1855 = arith.select %eq3A_1852, %add3A_1791, %broadcast_in_dim3A_1854 : vector<16xi1>, vector<16xi32>
      %eq3A_1856 = arith.cmpf oeq, %select_n3A_1805, %max3A_1843 : vector<16xf32>
      %jit3A_1857 = arith.constant -1 : i32
      %broadcast_in_dim3A_1858 = vector.broadcast %jit3A_1857 : i32 to vector<16xi32>
      %select_n3A_1859 = arith.select %eq3A_1856, %add3A_1808, %broadcast_in_dim3A_1858 : vector<16xi1>, vector<16xi32>
      %max3A_1860 = arith.maxsi %select_n3A_1847, %select_n3A_1851 : vector<16xi32>
      %max3A_1861 = arith.maxsi %select_n3A_1855, %select_n3A_1859 : vector<16xi32>
      %max3A_1862 = arith.maxsi %max3A_1860, %max3A_1861 : vector<16xi32>
      %xor3A_1863 = arith.constant 1 : i32
      %xor3A_1864 = vector.broadcast %xor3A_1863 : i32 to vector<16xi32>
      %xor3A_1865 = arith.xori %iota3A, %xor3A_1864 : vector<16xi32>
      %broadcast_in_dim3A_1866 = vector.shape_cast %xor3A_1865 : vector<16xi32> to vector<16x1xi32>
      %gather3A_1867 = vector.shape_cast %broadcast_in_dim3A_1866 : vector<16x1xi32> to vector<16xi32>
      %gather3A_1868 = tpu.dynamic_gather %max3A_1862[%gather3A_1867] in [0] : vector<16xi32>, vector<16xi32> -> vector<16xi32>
      %max3A_1869 = arith.maxsi %max3A_1862, %gather3A_1868 : vector<16xi32>
      %xor3A_1870 = arith.constant 2 : i32
      %xor3A_1871 = vector.broadcast %xor3A_1870 : i32 to vector<16xi32>
      %xor3A_1872 = arith.xori %iota3A, %xor3A_1871 : vector<16xi32>
      %broadcast_in_dim3A_1873 = vector.shape_cast %xor3A_1872 : vector<16xi32> to vector<16x1xi32>
      %gather3A_1874 = vector.shape_cast %broadcast_in_dim3A_1873 : vector<16x1xi32> to vector<16xi32>
      %gather3A_1875 = tpu.dynamic_gather %max3A_1869[%gather3A_1874] in [0] : vector<16xi32>, vector<16xi32> -> vector<16xi32>
      %max3A_1876 = arith.maxsi %max3A_1869, %gather3A_1875 : vector<16xi32>
      %xor3A_1877 = arith.constant 4 : i32
      %xor3A_1878 = vector.broadcast %xor3A_1877 : i32 to vector<16xi32>
      %xor3A_1879 = arith.xori %iota3A, %xor3A_1878 : vector<16xi32>
      %broadcast_in_dim3A_1880 = vector.shape_cast %xor3A_1879 : vector<16xi32> to vector<16x1xi32>
      %gather3A_1881 = vector.shape_cast %broadcast_in_dim3A_1880 : vector<16x1xi32> to vector<16xi32>
      %gather3A_1882 = tpu.dynamic_gather %max3A_1876[%gather3A_1881] in [0] : vector<16xi32>, vector<16xi32> -> vector<16xi32>
      %max3A_1883 = arith.maxsi %max3A_1876, %gather3A_1882 : vector<16xi32>
      %xor3A_1884 = arith.constant 8 : i32
      %xor3A_1885 = vector.broadcast %xor3A_1884 : i32 to vector<16xi32>
      %xor3A_1886 = arith.xori %iota3A, %xor3A_1885 : vector<16xi32>
      %broadcast_in_dim3A_1887 = vector.shape_cast %xor3A_1886 : vector<16xi32> to vector<16x1xi32>
      %gather3A_1888 = vector.shape_cast %broadcast_in_dim3A_1887 : vector<16x1xi32> to vector<16xi32>
      %gather3A_1889 = tpu.dynamic_gather %max3A_1883[%gather3A_1888] in [0] : vector<16xi32>, vector<16xi32> -> vector<16xi32>
      %max3A_1890 = arith.maxsi %max3A_1883, %gather3A_1889 : vector<16xi32>
      %eq3A_1891 = arith.constant 7 : i32
      %eq3A_1892 = vector.broadcast %eq3A_1891 : i32 to vector<16xi32>
      %eq3A_1893 = arith.cmpi eq, %iota3A, %eq3A_1892 : vector<16xi32>
      %select_n3A_1894 = arith.select %eq3A_1893, %max3A_1843, %broadcast_in_dim3A_1810 : vector<16xi1>, vector<16xf32>
      %select_n3A_1895 = arith.select %eq3A_1893, %max3A_1890, %broadcast_in_dim3A_1812 : vector<16xi1>, vector<16xi32>
      %eq3A_1896 = arith.cmpi eq, %add3A_1757, %max3A_1890 : vector<16xi32>
      %jit3A_1897 = arith.constant 0xFF800000 : f32
      %broadcast_in_dim3A_1898 = vector.broadcast %jit3A_1897 : f32 to vector<16xf32>
      %select_n3A_1899 = arith.select %eq3A_1896, %broadcast_in_dim3A_1898, %select_n3A_1754 : vector<16xi1>, vector<16xf32>
      %eq3A_1900 = arith.cmpi eq, %add3A_1774, %max3A_1890 : vector<16xi32>
      %jit3A_1901 = arith.constant 0xFF800000 : f32
      %broadcast_in_dim3A_1902 = vector.broadcast %jit3A_1901 : f32 to vector<16xf32>
      %select_n3A_1903 = arith.select %eq3A_1900, %broadcast_in_dim3A_1902, %select_n3A_1771 : vector<16xi1>, vector<16xf32>
      %eq3A_1904 = arith.cmpi eq, %add3A_1791, %max3A_1890 : vector<16xi32>
      %jit3A_1905 = arith.constant 0xFF800000 : f32
      %broadcast_in_dim3A_1906 = vector.broadcast %jit3A_1905 : f32 to vector<16xf32>
      %select_n3A_1907 = arith.select %eq3A_1904, %broadcast_in_dim3A_1906, %select_n3A_1788 : vector<16xi1>, vector<16xf32>
      %eq3A_1908 = arith.cmpi eq, %add3A_1808, %max3A_1890 : vector<16xi32>
      %jit3A_1909 = arith.constant 0xFF800000 : f32
      %broadcast_in_dim3A_1910 = vector.broadcast %jit3A_1909 : f32 to vector<16xf32>
      %select_n3A_1911 = arith.select %eq3A_1908, %broadcast_in_dim3A_1910, %select_n3A_1805 : vector<16xi1>, vector<16xf32>
      %max3A_1912 = arith.maximumf %select_n3A_1899, %select_n3A_1903 : vector<16xf32>
      %max3A_1913 = arith.maximumf %select_n3A_1907, %select_n3A_1911 : vector<16xf32>
      %max3A_1914 = arith.maximumf %max3A_1912, %max3A_1913 : vector<16xf32>
      %xor3A_1915 = arith.constant 1 : i32
      %xor3A_1916 = vector.broadcast %xor3A_1915 : i32 to vector<16xi32>
      %xor3A_1917 = arith.xori %iota3A, %xor3A_1916 : vector<16xi32>
      %broadcast_in_dim3A_1918 = vector.shape_cast %xor3A_1917 : vector<16xi32> to vector<16x1xi32>
      %gather3A_1919 = vector.shape_cast %broadcast_in_dim3A_1918 : vector<16x1xi32> to vector<16xi32>
      %gather3A_1920 = tpu.dynamic_gather %max3A_1914[%gather3A_1919] in [0] : vector<16xf32>, vector<16xi32> -> vector<16xf32>
      %max3A_1921 = arith.maximumf %max3A_1914, %gather3A_1920 : vector<16xf32>
      %xor3A_1922 = arith.constant 2 : i32
      %xor3A_1923 = vector.broadcast %xor3A_1922 : i32 to vector<16xi32>
      %xor3A_1924 = arith.xori %iota3A, %xor3A_1923 : vector<16xi32>
      %broadcast_in_dim3A_1925 = vector.shape_cast %xor3A_1924 : vector<16xi32> to vector<16x1xi32>
      %gather3A_1926 = vector.shape_cast %broadcast_in_dim3A_1925 : vector<16x1xi32> to vector<16xi32>
      %gather3A_1927 = tpu.dynamic_gather %max3A_1921[%gather3A_1926] in [0] : vector<16xf32>, vector<16xi32> -> vector<16xf32>
      %max3A_1928 = arith.maximumf %max3A_1921, %gather3A_1927 : vector<16xf32>
      %xor3A_1929 = arith.constant 4 : i32
      %xor3A_1930 = vector.broadcast %xor3A_1929 : i32 to vector<16xi32>
      %xor3A_1931 = arith.xori %iota3A, %xor3A_1930 : vector<16xi32>
      %broadcast_in_dim3A_1932 = vector.shape_cast %xor3A_1931 : vector<16xi32> to vector<16x1xi32>
      %gather3A_1933 = vector.shape_cast %broadcast_in_dim3A_1932 : vector<16x1xi32> to vector<16xi32>
      %gather3A_1934 = tpu.dynamic_gather %max3A_1928[%gather3A_1933] in [0] : vector<16xf32>, vector<16xi32> -> vector<16xf32>
      %max3A_1935 = arith.maximumf %max3A_1928, %gather3A_1934 : vector<16xf32>
      %xor3A_1936 = arith.constant 8 : i32
      %xor3A_1937 = vector.broadcast %xor3A_1936 : i32 to vector<16xi32>
      %xor3A_1938 = arith.xori %iota3A, %xor3A_1937 : vector<16xi32>
      %broadcast_in_dim3A_1939 = vector.shape_cast %xor3A_1938 : vector<16xi32> to vector<16x1xi32>
      %gather3A_1940 = vector.shape_cast %broadcast_in_dim3A_1939 : vector<16x1xi32> to vector<16xi32>
      %gather3A_1941 = tpu.dynamic_gather %max3A_1935[%gather3A_1940] in [0] : vector<16xf32>, vector<16xi32> -> vector<16xf32>
      %max3A_1942 = arith.maximumf %max3A_1935, %gather3A_1941 : vector<16xf32>
      %eq3A_1943 = arith.cmpf oeq, %select_n3A_1899, %max3A_1942 : vector<16xf32>
      %jit3A_1944 = arith.constant -1 : i32
      %broadcast_in_dim3A_1945 = vector.broadcast %jit3A_1944 : i32 to vector<16xi32>
      %select_n3A_1946 = arith.select %eq3A_1943, %add3A_1757, %broadcast_in_dim3A_1945 : vector<16xi1>, vector<16xi32>
      %eq3A_1947 = arith.cmpf oeq, %select_n3A_1903, %max3A_1942 : vector<16xf32>
      %jit3A_1948 = arith.constant -1 : i32
      %broadcast_in_dim3A_1949 = vector.broadcast %jit3A_1948 : i32 to vector<16xi32>
      %select_n3A_1950 = arith.select %eq3A_1947, %add3A_1774, %broadcast_in_dim3A_1949 : vector<16xi1>, vector<16xi32>
      %eq3A_1951 = arith.cmpf oeq, %select_n3A_1907, %max3A_1942 : vector<16xf32>
      %jit3A_1952 = arith.constant -1 : i32
      %broadcast_in_dim3A_1953 = vector.broadcast %jit3A_1952 : i32 to vector<16xi32>
      %select_n3A_1954 = arith.select %eq3A_1951, %add3A_1791, %broadcast_in_dim3A_1953 : vector<16xi1>, vector<16xi32>
      %eq3A_1955 = arith.cmpf oeq, %select_n3A_1911, %max3A_1942 : vector<16xf32>
      %jit3A_1956 = arith.constant -1 : i32
      %broadcast_in_dim3A_1957 = vector.broadcast %jit3A_1956 : i32 to vector<16xi32>
      %select_n3A_1958 = arith.select %eq3A_1955, %add3A_1808, %broadcast_in_dim3A_1957 : vector<16xi1>, vector<16xi32>
      %max3A_1959 = arith.maxsi %select_n3A_1946, %select_n3A_1950 : vector<16xi32>
      %max3A_1960 = arith.maxsi %select_n3A_1954, %select_n3A_1958 : vector<16xi32>
      %max3A_1961 = arith.maxsi %max3A_1959, %max3A_1960 : vector<16xi32>
      %xor3A_1962 = arith.constant 1 : i32
      %xor3A_1963 = vector.broadcast %xor3A_1962 : i32 to vector<16xi32>
      %xor3A_1964 = arith.xori %iota3A, %xor3A_1963 : vector<16xi32>
      %broadcast_in_dim3A_1965 = vector.shape_cast %xor3A_1964 : vector<16xi32> to vector<16x1xi32>
      %gather3A_1966 = vector.shape_cast %broadcast_in_dim3A_1965 : vector<16x1xi32> to vector<16xi32>
      %gather3A_1967 = tpu.dynamic_gather %max3A_1961[%gather3A_1966] in [0] : vector<16xi32>, vector<16xi32> -> vector<16xi32>
      %max3A_1968 = arith.maxsi %max3A_1961, %gather3A_1967 : vector<16xi32>
      %xor3A_1969 = arith.constant 2 : i32
      %xor3A_1970 = vector.broadcast %xor3A_1969 : i32 to vector<16xi32>
      %xor3A_1971 = arith.xori %iota3A, %xor3A_1970 : vector<16xi32>
      %broadcast_in_dim3A_1972 = vector.shape_cast %xor3A_1971 : vector<16xi32> to vector<16x1xi32>
      %gather3A_1973 = vector.shape_cast %broadcast_in_dim3A_1972 : vector<16x1xi32> to vector<16xi32>
      %gather3A_1974 = tpu.dynamic_gather %max3A_1968[%gather3A_1973] in [0] : vector<16xi32>, vector<16xi32> -> vector<16xi32>
      %max3A_1975 = arith.maxsi %max3A_1968, %gather3A_1974 : vector<16xi32>
      %xor3A_1976 = arith.constant 4 : i32
      %xor3A_1977 = vector.broadcast %xor3A_1976 : i32 to vector<16xi32>
      %xor3A_1978 = arith.xori %iota3A, %xor3A_1977 : vector<16xi32>
      %broadcast_in_dim3A_1979 = vector.shape_cast %xor3A_1978 : vector<16xi32> to vector<16x1xi32>
      %gather3A_1980 = vector.shape_cast %broadcast_in_dim3A_1979 : vector<16x1xi32> to vector<16xi32>
      %gather3A_1981 = tpu.dynamic_gather %max3A_1975[%gather3A_1980] in [0] : vector<16xi32>, vector<16xi32> -> vector<16xi32>
      %max3A_1982 = arith.maxsi %max3A_1975, %gather3A_1981 : vector<16xi32>
      %xor3A_1983 = arith.constant 8 : i32
      %xor3A_1984 = vector.broadcast %xor3A_1983 : i32 to vector<16xi32>
      %xor3A_1985 = arith.xori %iota3A, %xor3A_1984 : vector<16xi32>
      %broadcast_in_dim3A_1986 = vector.shape_cast %xor3A_1985 : vector<16xi32> to vector<16x1xi32>
      %gather3A_1987 = vector.shape_cast %broadcast_in_dim3A_1986 : vector<16x1xi32> to vector<16xi32>
      %gather3A_1988 = tpu.dynamic_gather %max3A_1982[%gather3A_1987] in [0] : vector<16xi32>, vector<16xi32> -> vector<16xi32>
      %max3A_1989 = arith.maxsi %max3A_1982, %gather3A_1988 : vector<16xi32>
      %eq3A_1990 = arith.constant 6 : i32
      %eq3A_1991 = vector.broadcast %eq3A_1990 : i32 to vector<16xi32>
      %eq3A_1992 = arith.cmpi eq, %iota3A, %eq3A_1991 : vector<16xi32>
      %select_n3A_1993 = arith.select %eq3A_1992, %max3A_1942, %select_n3A_1894 : vector<16xi1>, vector<16xf32>
      %select_n3A_1994 = arith.select %eq3A_1992, %max3A_1989, %select_n3A_1895 : vector<16xi1>, vector<16xi32>
      %eq3A_1995 = arith.cmpi eq, %add3A_1757, %max3A_1989 : vector<16xi32>
      %jit3A_1996 = arith.constant 0xFF800000 : f32
      %broadcast_in_dim3A_1997 = vector.broadcast %jit3A_1996 : f32 to vector<16xf32>
      %select_n3A_1998 = arith.select %eq3A_1995, %broadcast_in_dim3A_1997, %select_n3A_1899 : vector<16xi1>, vector<16xf32>
      %eq3A_1999 = arith.cmpi eq, %add3A_1774, %max3A_1989 : vector<16xi32>
      %jit3A_2000 = arith.constant 0xFF800000 : f32
      %broadcast_in_dim3A_2001 = vector.broadcast %jit3A_2000 : f32 to vector<16xf32>
      %select_n3A_2002 = arith.select %eq3A_1999, %broadcast_in_dim3A_2001, %select_n3A_1903 : vector<16xi1>, vector<16xf32>
      %eq3A_2003 = arith.cmpi eq, %add3A_1791, %max3A_1989 : vector<16xi32>
      %jit3A_2004 = arith.constant 0xFF800000 : f32
      %broadcast_in_dim3A_2005 = vector.broadcast %jit3A_2004 : f32 to vector<16xf32>
      %select_n3A_2006 = arith.select %eq3A_2003, %broadcast_in_dim3A_2005, %select_n3A_1907 : vector<16xi1>, vector<16xf32>
      %eq3A_2007 = arith.cmpi eq, %add3A_1808, %max3A_1989 : vector<16xi32>
      %jit3A_2008 = arith.constant 0xFF800000 : f32
      %broadcast_in_dim3A_2009 = vector.broadcast %jit3A_2008 : f32 to vector<16xf32>
      %select_n3A_2010 = arith.select %eq3A_2007, %broadcast_in_dim3A_2009, %select_n3A_1911 : vector<16xi1>, vector<16xf32>
      %max3A_2011 = arith.maximumf %select_n3A_1998, %select_n3A_2002 : vector<16xf32>
      %max3A_2012 = arith.maximumf %select_n3A_2006, %select_n3A_2010 : vector<16xf32>
      %max3A_2013 = arith.maximumf %max3A_2011, %max3A_2012 : vector<16xf32>
      %xor3A_2014 = arith.constant 1 : i32
      %xor3A_2015 = vector.broadcast %xor3A_2014 : i32 to vector<16xi32>
      %xor3A_2016 = arith.xori %iota3A, %xor3A_2015 : vector<16xi32>
      %broadcast_in_dim3A_2017 = vector.shape_cast %xor3A_2016 : vector<16xi32> to vector<16x1xi32>
      %gather3A_2018 = vector.shape_cast %broadcast_in_dim3A_2017 : vector<16x1xi32> to vector<16xi32>
      %gather3A_2019 = tpu.dynamic_gather %max3A_2013[%gather3A_2018] in [0] : vector<16xf32>, vector<16xi32> -> vector<16xf32>
      %max3A_2020 = arith.maximumf %max3A_2013, %gather3A_2019 : vector<16xf32>
      %xor3A_2021 = arith.constant 2 : i32
      %xor3A_2022 = vector.broadcast %xor3A_2021 : i32 to vector<16xi32>
      %xor3A_2023 = arith.xori %iota3A, %xor3A_2022 : vector<16xi32>
      %broadcast_in_dim3A_2024 = vector.shape_cast %xor3A_2023 : vector<16xi32> to vector<16x1xi32>
      %gather3A_2025 = vector.shape_cast %broadcast_in_dim3A_2024 : vector<16x1xi32> to vector<16xi32>
      %gather3A_2026 = tpu.dynamic_gather %max3A_2020[%gather3A_2025] in [0] : vector<16xf32>, vector<16xi32> -> vector<16xf32>
      %max3A_2027 = arith.maximumf %max3A_2020, %gather3A_2026 : vector<16xf32>
      %xor3A_2028 = arith.constant 4 : i32
      %xor3A_2029 = vector.broadcast %xor3A_2028 : i32 to vector<16xi32>
      %xor3A_2030 = arith.xori %iota3A, %xor3A_2029 : vector<16xi32>
      %broadcast_in_dim3A_2031 = vector.shape_cast %xor3A_2030 : vector<16xi32> to vector<16x1xi32>
      %gather3A_2032 = vector.shape_cast %broadcast_in_dim3A_2031 : vector<16x1xi32> to vector<16xi32>
      %gather3A_2033 = tpu.dynamic_gather %max3A_2027[%gather3A_2032] in [0] : vector<16xf32>, vector<16xi32> -> vector<16xf32>
      %max3A_2034 = arith.maximumf %max3A_2027, %gather3A_2033 : vector<16xf32>
      %xor3A_2035 = arith.constant 8 : i32
      %xor3A_2036 = vector.broadcast %xor3A_2035 : i32 to vector<16xi32>
      %xor3A_2037 = arith.xori %iota3A, %xor3A_2036 : vector<16xi32>
      %broadcast_in_dim3A_2038 = vector.shape_cast %xor3A_2037 : vector<16xi32> to vector<16x1xi32>
      %gather3A_2039 = vector.shape_cast %broadcast_in_dim3A_2038 : vector<16x1xi32> to vector<16xi32>
      %gather3A_2040 = tpu.dynamic_gather %max3A_2034[%gather3A_2039] in [0] : vector<16xf32>, vector<16xi32> -> vector<16xf32>
      %max3A_2041 = arith.maximumf %max3A_2034, %gather3A_2040 : vector<16xf32>
      %eq3A_2042 = arith.cmpf oeq, %select_n3A_1998, %max3A_2041 : vector<16xf32>
      %jit3A_2043 = arith.constant -1 : i32
      %broadcast_in_dim3A_2044 = vector.broadcast %jit3A_2043 : i32 to vector<16xi32>
      %select_n3A_2045 = arith.select %eq3A_2042, %add3A_1757, %broadcast_in_dim3A_2044 : vector<16xi1>, vector<16xi32>
      %eq3A_2046 = arith.cmpf oeq, %select_n3A_2002, %max3A_2041 : vector<16xf32>
      %jit3A_2047 = arith.constant -1 : i32
      %broadcast_in_dim3A_2048 = vector.broadcast %jit3A_2047 : i32 to vector<16xi32>
      %select_n3A_2049 = arith.select %eq3A_2046, %add3A_1774, %broadcast_in_dim3A_2048 : vector<16xi1>, vector<16xi32>
      %eq3A_2050 = arith.cmpf oeq, %select_n3A_2006, %max3A_2041 : vector<16xf32>
      %jit3A_2051 = arith.constant -1 : i32
      %broadcast_in_dim3A_2052 = vector.broadcast %jit3A_2051 : i32 to vector<16xi32>
      %select_n3A_2053 = arith.select %eq3A_2050, %add3A_1791, %broadcast_in_dim3A_2052 : vector<16xi1>, vector<16xi32>
      %eq3A_2054 = arith.cmpf oeq, %select_n3A_2010, %max3A_2041 : vector<16xf32>
      %jit3A_2055 = arith.constant -1 : i32
      %broadcast_in_dim3A_2056 = vector.broadcast %jit3A_2055 : i32 to vector<16xi32>
      %select_n3A_2057 = arith.select %eq3A_2054, %add3A_1808, %broadcast_in_dim3A_2056 : vector<16xi1>, vector<16xi32>
      %max3A_2058 = arith.maxsi %select_n3A_2045, %select_n3A_2049 : vector<16xi32>
      %max3A_2059 = arith.maxsi %select_n3A_2053, %select_n3A_2057 : vector<16xi32>
      %max3A_2060 = arith.maxsi %max3A_2058, %max3A_2059 : vector<16xi32>
      %xor3A_2061 = arith.constant 1 : i32
      %xor3A_2062 = vector.broadcast %xor3A_2061 : i32 to vector<16xi32>
      %xor3A_2063 = arith.xori %iota3A, %xor3A_2062 : vector<16xi32>
      %broadcast_in_dim3A_2064 = vector.shape_cast %xor3A_2063 : vector<16xi32> to vector<16x1xi32>
      %gather3A_2065 = vector.shape_cast %broadcast_in_dim3A_2064 : vector<16x1xi32> to vector<16xi32>
      %gather3A_2066 = tpu.dynamic_gather %max3A_2060[%gather3A_2065] in [0] : vector<16xi32>, vector<16xi32> -> vector<16xi32>
      %max3A_2067 = arith.maxsi %max3A_2060, %gather3A_2066 : vector<16xi32>
      %xor3A_2068 = arith.constant 2 : i32
      %xor3A_2069 = vector.broadcast %xor3A_2068 : i32 to vector<16xi32>
      %xor3A_2070 = arith.xori %iota3A, %xor3A_2069 : vector<16xi32>
      %broadcast_in_dim3A_2071 = vector.shape_cast %xor3A_2070 : vector<16xi32> to vector<16x1xi32>
      %gather3A_2072 = vector.shape_cast %broadcast_in_dim3A_2071 : vector<16x1xi32> to vector<16xi32>
      %gather3A_2073 = tpu.dynamic_gather %max3A_2067[%gather3A_2072] in [0] : vector<16xi32>, vector<16xi32> -> vector<16xi32>
      %max3A_2074 = arith.maxsi %max3A_2067, %gather3A_2073 : vector<16xi32>
      %xor3A_2075 = arith.constant 4 : i32
      %xor3A_2076 = vector.broadcast %xor3A_2075 : i32 to vector<16xi32>
      %xor3A_2077 = arith.xori %iota3A, %xor3A_2076 : vector<16xi32>
      %broadcast_in_dim3A_2078 = vector.shape_cast %xor3A_2077 : vector<16xi32> to vector<16x1xi32>
      %gather3A_2079 = vector.shape_cast %broadcast_in_dim3A_2078 : vector<16x1xi32> to vector<16xi32>
      %gather3A_2080 = tpu.dynamic_gather %max3A_2074[%gather3A_2079] in [0] : vector<16xi32>, vector<16xi32> -> vector<16xi32>
      %max3A_2081 = arith.maxsi %max3A_2074, %gather3A_2080 : vector<16xi32>
      %xor3A_2082 = arith.constant 8 : i32
      %xor3A_2083 = vector.broadcast %xor3A_2082 : i32 to vector<16xi32>
      %xor3A_2084 = arith.xori %iota3A, %xor3A_2083 : vector<16xi32>
      %broadcast_in_dim3A_2085 = vector.shape_cast %xor3A_2084 : vector<16xi32> to vector<16x1xi32>
      %gather3A_2086 = vector.shape_cast %broadcast_in_dim3A_2085 : vector<16x1xi32> to vector<16xi32>
      %gather3A_2087 = tpu.dynamic_gather %max3A_2081[%gather3A_2086] in [0] : vector<16xi32>, vector<16xi32> -> vector<16xi32>
      %max3A_2088 = arith.maxsi %max3A_2081, %gather3A_2087 : vector<16xi32>
      %eq3A_2089 = arith.constant 5 : i32
      %eq3A_2090 = vector.broadcast %eq3A_2089 : i32 to vector<16xi32>
      %eq3A_2091 = arith.cmpi eq, %iota3A, %eq3A_2090 : vector<16xi32>
      %select_n3A_2092 = arith.select %eq3A_2091, %max3A_2041, %select_n3A_1993 : vector<16xi1>, vector<16xf32>
      %select_n3A_2093 = arith.select %eq3A_2091, %max3A_2088, %select_n3A_1994 : vector<16xi1>, vector<16xi32>
      %eq3A_2094 = arith.cmpi eq, %add3A_1757, %max3A_2088 : vector<16xi32>
      %jit3A_2095 = arith.constant 0xFF800000 : f32
      %broadcast_in_dim3A_2096 = vector.broadcast %jit3A_2095 : f32 to vector<16xf32>
      %select_n3A_2097 = arith.select %eq3A_2094, %broadcast_in_dim3A_2096, %select_n3A_1998 : vector<16xi1>, vector<16xf32>
      %eq3A_2098 = arith.cmpi eq, %add3A_1774, %max3A_2088 : vector<16xi32>
      %jit3A_2099 = arith.constant 0xFF800000 : f32
      %broadcast_in_dim3A_2100 = vector.broadcast %jit3A_2099 : f32 to vector<16xf32>
      %select_n3A_2101 = arith.select %eq3A_2098, %broadcast_in_dim3A_2100, %select_n3A_2002 : vector<16xi1>, vector<16xf32>
      %eq3A_2102 = arith.cmpi eq, %add3A_1791, %max3A_2088 : vector<16xi32>
      %jit3A_2103 = arith.constant 0xFF800000 : f32
      %broadcast_in_dim3A_2104 = vector.broadcast %jit3A_2103 : f32 to vector<16xf32>
      %select_n3A_2105 = arith.select %eq3A_2102, %broadcast_in_dim3A_2104, %select_n3A_2006 : vector<16xi1>, vector<16xf32>
      %eq3A_2106 = arith.cmpi eq, %add3A_1808, %max3A_2088 : vector<16xi32>
      %jit3A_2107 = arith.constant 0xFF800000 : f32
      %broadcast_in_dim3A_2108 = vector.broadcast %jit3A_2107 : f32 to vector<16xf32>
      %select_n3A_2109 = arith.select %eq3A_2106, %broadcast_in_dim3A_2108, %select_n3A_2010 : vector<16xi1>, vector<16xf32>
      %max3A_2110 = arith.maximumf %select_n3A_2097, %select_n3A_2101 : vector<16xf32>
      %max3A_2111 = arith.maximumf %select_n3A_2105, %select_n3A_2109 : vector<16xf32>
      %max3A_2112 = arith.maximumf %max3A_2110, %max3A_2111 : vector<16xf32>
      %xor3A_2113 = arith.constant 1 : i32
      %xor3A_2114 = vector.broadcast %xor3A_2113 : i32 to vector<16xi32>
      %xor3A_2115 = arith.xori %iota3A, %xor3A_2114 : vector<16xi32>
      %broadcast_in_dim3A_2116 = vector.shape_cast %xor3A_2115 : vector<16xi32> to vector<16x1xi32>
      %gather3A_2117 = vector.shape_cast %broadcast_in_dim3A_2116 : vector<16x1xi32> to vector<16xi32>
      %gather3A_2118 = tpu.dynamic_gather %max3A_2112[%gather3A_2117] in [0] : vector<16xf32>, vector<16xi32> -> vector<16xf32>
      %max3A_2119 = arith.maximumf %max3A_2112, %gather3A_2118 : vector<16xf32>
      %xor3A_2120 = arith.constant 2 : i32
      %xor3A_2121 = vector.broadcast %xor3A_2120 : i32 to vector<16xi32>
      %xor3A_2122 = arith.xori %iota3A, %xor3A_2121 : vector<16xi32>
      %broadcast_in_dim3A_2123 = vector.shape_cast %xor3A_2122 : vector<16xi32> to vector<16x1xi32>
      %gather3A_2124 = vector.shape_cast %broadcast_in_dim3A_2123 : vector<16x1xi32> to vector<16xi32>
      %gather3A_2125 = tpu.dynamic_gather %max3A_2119[%gather3A_2124] in [0] : vector<16xf32>, vector<16xi32> -> vector<16xf32>
      %max3A_2126 = arith.maximumf %max3A_2119, %gather3A_2125 : vector<16xf32>
      %xor3A_2127 = arith.constant 4 : i32
      %xor3A_2128 = vector.broadcast %xor3A_2127 : i32 to vector<16xi32>
      %xor3A_2129 = arith.xori %iota3A, %xor3A_2128 : vector<16xi32>
      %broadcast_in_dim3A_2130 = vector.shape_cast %xor3A_2129 : vector<16xi32> to vector<16x1xi32>
      %gather3A_2131 = vector.shape_cast %broadcast_in_dim3A_2130 : vector<16x1xi32> to vector<16xi32>
      %gather3A_2132 = tpu.dynamic_gather %max3A_2126[%gather3A_2131] in [0] : vector<16xf32>, vector<16xi32> -> vector<16xf32>
      %max3A_2133 = arith.maximumf %max3A_2126, %gather3A_2132 : vector<16xf32>
      %xor3A_2134 = arith.constant 8 : i32
      %xor3A_2135 = vector.broadcast %xor3A_2134 : i32 to vector<16xi32>
      %xor3A_2136 = arith.xori %iota3A, %xor3A_2135 : vector<16xi32>
      %broadcast_in_dim3A_2137 = vector.shape_cast %xor3A_2136 : vector<16xi32> to vector<16x1xi32>
      %gather3A_2138 = vector.shape_cast %broadcast_in_dim3A_2137 : vector<16x1xi32> to vector<16xi32>
      %gather3A_2139 = tpu.dynamic_gather %max3A_2133[%gather3A_2138] in [0] : vector<16xf32>, vector<16xi32> -> vector<16xf32>
      %max3A_2140 = arith.maximumf %max3A_2133, %gather3A_2139 : vector<16xf32>
      %eq3A_2141 = arith.cmpf oeq, %select_n3A_2097, %max3A_2140 : vector<16xf32>
      %jit3A_2142 = arith.constant -1 : i32
      %broadcast_in_dim3A_2143 = vector.broadcast %jit3A_2142 : i32 to vector<16xi32>
      %select_n3A_2144 = arith.select %eq3A_2141, %add3A_1757, %broadcast_in_dim3A_2143 : vector<16xi1>, vector<16xi32>
      %eq3A_2145 = arith.cmpf oeq, %select_n3A_2101, %max3A_2140 : vector<16xf32>
      %jit3A_2146 = arith.constant -1 : i32
      %broadcast_in_dim3A_2147 = vector.broadcast %jit3A_2146 : i32 to vector<16xi32>
      %select_n3A_2148 = arith.select %eq3A_2145, %add3A_1774, %broadcast_in_dim3A_2147 : vector<16xi1>, vector<16xi32>
      %eq3A_2149 = arith.cmpf oeq, %select_n3A_2105, %max3A_2140 : vector<16xf32>
      %jit3A_2150 = arith.constant -1 : i32
      %broadcast_in_dim3A_2151 = vector.broadcast %jit3A_2150 : i32 to vector<16xi32>
      %select_n3A_2152 = arith.select %eq3A_2149, %add3A_1791, %broadcast_in_dim3A_2151 : vector<16xi1>, vector<16xi32>
      %eq3A_2153 = arith.cmpf oeq, %select_n3A_2109, %max3A_2140 : vector<16xf32>
      %jit3A_2154 = arith.constant -1 : i32
      %broadcast_in_dim3A_2155 = vector.broadcast %jit3A_2154 : i32 to vector<16xi32>
      %select_n3A_2156 = arith.select %eq3A_2153, %add3A_1808, %broadcast_in_dim3A_2155 : vector<16xi1>, vector<16xi32>
      %max3A_2157 = arith.maxsi %select_n3A_2144, %select_n3A_2148 : vector<16xi32>
      %max3A_2158 = arith.maxsi %select_n3A_2152, %select_n3A_2156 : vector<16xi32>
      %max3A_2159 = arith.maxsi %max3A_2157, %max3A_2158 : vector<16xi32>
      %xor3A_2160 = arith.constant 1 : i32
      %xor3A_2161 = vector.broadcast %xor3A_2160 : i32 to vector<16xi32>
      %xor3A_2162 = arith.xori %iota3A, %xor3A_2161 : vector<16xi32>
      %broadcast_in_dim3A_2163 = vector.shape_cast %xor3A_2162 : vector<16xi32> to vector<16x1xi32>
      %gather3A_2164 = vector.shape_cast %broadcast_in_dim3A_2163 : vector<16x1xi32> to vector<16xi32>
      %gather3A_2165 = tpu.dynamic_gather %max3A_2159[%gather3A_2164] in [0] : vector<16xi32>, vector<16xi32> -> vector<16xi32>
      %max3A_2166 = arith.maxsi %max3A_2159, %gather3A_2165 : vector<16xi32>
      %xor3A_2167 = arith.constant 2 : i32
      %xor3A_2168 = vector.broadcast %xor3A_2167 : i32 to vector<16xi32>
      %xor3A_2169 = arith.xori %iota3A, %xor3A_2168 : vector<16xi32>
      %broadcast_in_dim3A_2170 = vector.shape_cast %xor3A_2169 : vector<16xi32> to vector<16x1xi32>
      %gather3A_2171 = vector.shape_cast %broadcast_in_dim3A_2170 : vector<16x1xi32> to vector<16xi32>
      %gather3A_2172 = tpu.dynamic_gather %max3A_2166[%gather3A_2171] in [0] : vector<16xi32>, vector<16xi32> -> vector<16xi32>
      %max3A_2173 = arith.maxsi %max3A_2166, %gather3A_2172 : vector<16xi32>
      %xor3A_2174 = arith.constant 4 : i32
      %xor3A_2175 = vector.broadcast %xor3A_2174 : i32 to vector<16xi32>
      %xor3A_2176 = arith.xori %iota3A, %xor3A_2175 : vector<16xi32>
      %broadcast_in_dim3A_2177 = vector.shape_cast %xor3A_2176 : vector<16xi32> to vector<16x1xi32>
      %gather3A_2178 = vector.shape_cast %broadcast_in_dim3A_2177 : vector<16x1xi32> to vector<16xi32>
      %gather3A_2179 = tpu.dynamic_gather %max3A_2173[%gather3A_2178] in [0] : vector<16xi32>, vector<16xi32> -> vector<16xi32>
      %max3A_2180 = arith.maxsi %max3A_2173, %gather3A_2179 : vector<16xi32>
      %xor3A_2181 = arith.constant 8 : i32
      %xor3A_2182 = vector.broadcast %xor3A_2181 : i32 to vector<16xi32>
      %xor3A_2183 = arith.xori %iota3A, %xor3A_2182 : vector<16xi32>
      %broadcast_in_dim3A_2184 = vector.shape_cast %xor3A_2183 : vector<16xi32> to vector<16x1xi32>
      %gather3A_2185 = vector.shape_cast %broadcast_in_dim3A_2184 : vector<16x1xi32> to vector<16xi32>
      %gather3A_2186 = tpu.dynamic_gather %max3A_2180[%gather3A_2185] in [0] : vector<16xi32>, vector<16xi32> -> vector<16xi32>
      %max3A_2187 = arith.maxsi %max3A_2180, %gather3A_2186 : vector<16xi32>
      %eq3A_2188 = arith.constant 4 : i32
      %eq3A_2189 = vector.broadcast %eq3A_2188 : i32 to vector<16xi32>
      %eq3A_2190 = arith.cmpi eq, %iota3A, %eq3A_2189 : vector<16xi32>
      %select_n3A_2191 = arith.select %eq3A_2190, %max3A_2140, %select_n3A_2092 : vector<16xi1>, vector<16xf32>
      %select_n3A_2192 = arith.select %eq3A_2190, %max3A_2187, %select_n3A_2093 : vector<16xi1>, vector<16xi32>
      %eq3A_2193 = arith.cmpi eq, %add3A_1757, %max3A_2187 : vector<16xi32>
      %jit3A_2194 = arith.constant 0xFF800000 : f32
      %broadcast_in_dim3A_2195 = vector.broadcast %jit3A_2194 : f32 to vector<16xf32>
      %select_n3A_2196 = arith.select %eq3A_2193, %broadcast_in_dim3A_2195, %select_n3A_2097 : vector<16xi1>, vector<16xf32>
      %eq3A_2197 = arith.cmpi eq, %add3A_1774, %max3A_2187 : vector<16xi32>
      %jit3A_2198 = arith.constant 0xFF800000 : f32
      %broadcast_in_dim3A_2199 = vector.broadcast %jit3A_2198 : f32 to vector<16xf32>
      %select_n3A_2200 = arith.select %eq3A_2197, %broadcast_in_dim3A_2199, %select_n3A_2101 : vector<16xi1>, vector<16xf32>
      %eq3A_2201 = arith.cmpi eq, %add3A_1791, %max3A_2187 : vector<16xi32>
      %jit3A_2202 = arith.constant 0xFF800000 : f32
      %broadcast_in_dim3A_2203 = vector.broadcast %jit3A_2202 : f32 to vector<16xf32>
      %select_n3A_2204 = arith.select %eq3A_2201, %broadcast_in_dim3A_2203, %select_n3A_2105 : vector<16xi1>, vector<16xf32>
      %eq3A_2205 = arith.cmpi eq, %add3A_1808, %max3A_2187 : vector<16xi32>
      %jit3A_2206 = arith.constant 0xFF800000 : f32
      %broadcast_in_dim3A_2207 = vector.broadcast %jit3A_2206 : f32 to vector<16xf32>
      %select_n3A_2208 = arith.select %eq3A_2205, %broadcast_in_dim3A_2207, %select_n3A_2109 : vector<16xi1>, vector<16xf32>
      %max3A_2209 = arith.maximumf %select_n3A_2196, %select_n3A_2200 : vector<16xf32>
      %max3A_2210 = arith.maximumf %select_n3A_2204, %select_n3A_2208 : vector<16xf32>
      %max3A_2211 = arith.maximumf %max3A_2209, %max3A_2210 : vector<16xf32>
      %xor3A_2212 = arith.constant 1 : i32
      %xor3A_2213 = vector.broadcast %xor3A_2212 : i32 to vector<16xi32>
      %xor3A_2214 = arith.xori %iota3A, %xor3A_2213 : vector<16xi32>
      %broadcast_in_dim3A_2215 = vector.shape_cast %xor3A_2214 : vector<16xi32> to vector<16x1xi32>
      %gather3A_2216 = vector.shape_cast %broadcast_in_dim3A_2215 : vector<16x1xi32> to vector<16xi32>
      %gather3A_2217 = tpu.dynamic_gather %max3A_2211[%gather3A_2216] in [0] : vector<16xf32>, vector<16xi32> -> vector<16xf32>
      %max3A_2218 = arith.maximumf %max3A_2211, %gather3A_2217 : vector<16xf32>
      %xor3A_2219 = arith.constant 2 : i32
      %xor3A_2220 = vector.broadcast %xor3A_2219 : i32 to vector<16xi32>
      %xor3A_2221 = arith.xori %iota3A, %xor3A_2220 : vector<16xi32>
      %broadcast_in_dim3A_2222 = vector.shape_cast %xor3A_2221 : vector<16xi32> to vector<16x1xi32>
      %gather3A_2223 = vector.shape_cast %broadcast_in_dim3A_2222 : vector<16x1xi32> to vector<16xi32>
      %gather3A_2224 = tpu.dynamic_gather %max3A_2218[%gather3A_2223] in [0] : vector<16xf32>, vector<16xi32> -> vector<16xf32>
      %max3A_2225 = arith.maximumf %max3A_2218, %gather3A_2224 : vector<16xf32>
      %xor3A_2226 = arith.constant 4 : i32
      %xor3A_2227 = vector.broadcast %xor3A_2226 : i32 to vector<16xi32>
      %xor3A_2228 = arith.xori %iota3A, %xor3A_2227 : vector<16xi32>
      %broadcast_in_dim3A_2229 = vector.shape_cast %xor3A_2228 : vector<16xi32> to vector<16x1xi32>
      %gather3A_2230 = vector.shape_cast %broadcast_in_dim3A_2229 : vector<16x1xi32> to vector<16xi32>
      %gather3A_2231 = tpu.dynamic_gather %max3A_2225[%gather3A_2230] in [0] : vector<16xf32>, vector<16xi32> -> vector<16xf32>
      %max3A_2232 = arith.maximumf %max3A_2225, %gather3A_2231 : vector<16xf32>
      %xor3A_2233 = arith.constant 8 : i32
      %xor3A_2234 = vector.broadcast %xor3A_2233 : i32 to vector<16xi32>
      %xor3A_2235 = arith.xori %iota3A, %xor3A_2234 : vector<16xi32>
      %broadcast_in_dim3A_2236 = vector.shape_cast %xor3A_2235 : vector<16xi32> to vector<16x1xi32>
      %gather3A_2237 = vector.shape_cast %broadcast_in_dim3A_2236 : vector<16x1xi32> to vector<16xi32>
      %gather3A_2238 = tpu.dynamic_gather %max3A_2232[%gather3A_2237] in [0] : vector<16xf32>, vector<16xi32> -> vector<16xf32>
      %max3A_2239 = arith.maximumf %max3A_2232, %gather3A_2238 : vector<16xf32>
      %eq3A_2240 = arith.cmpf oeq, %select_n3A_2196, %max3A_2239 : vector<16xf32>
      %jit3A_2241 = arith.constant -1 : i32
      %broadcast_in_dim3A_2242 = vector.broadcast %jit3A_2241 : i32 to vector<16xi32>
      %select_n3A_2243 = arith.select %eq3A_2240, %add3A_1757, %broadcast_in_dim3A_2242 : vector<16xi1>, vector<16xi32>
      %eq3A_2244 = arith.cmpf oeq, %select_n3A_2200, %max3A_2239 : vector<16xf32>
      %jit3A_2245 = arith.constant -1 : i32
      %broadcast_in_dim3A_2246 = vector.broadcast %jit3A_2245 : i32 to vector<16xi32>
      %select_n3A_2247 = arith.select %eq3A_2244, %add3A_1774, %broadcast_in_dim3A_2246 : vector<16xi1>, vector<16xi32>
      %eq3A_2248 = arith.cmpf oeq, %select_n3A_2204, %max3A_2239 : vector<16xf32>
      %jit3A_2249 = arith.constant -1 : i32
      %broadcast_in_dim3A_2250 = vector.broadcast %jit3A_2249 : i32 to vector<16xi32>
      %select_n3A_2251 = arith.select %eq3A_2248, %add3A_1791, %broadcast_in_dim3A_2250 : vector<16xi1>, vector<16xi32>
      %eq3A_2252 = arith.cmpf oeq, %select_n3A_2208, %max3A_2239 : vector<16xf32>
      %jit3A_2253 = arith.constant -1 : i32
      %broadcast_in_dim3A_2254 = vector.broadcast %jit3A_2253 : i32 to vector<16xi32>
      %select_n3A_2255 = arith.select %eq3A_2252, %add3A_1808, %broadcast_in_dim3A_2254 : vector<16xi1>, vector<16xi32>
      %max3A_2256 = arith.maxsi %select_n3A_2243, %select_n3A_2247 : vector<16xi32>
      %max3A_2257 = arith.maxsi %select_n3A_2251, %select_n3A_2255 : vector<16xi32>
      %max3A_2258 = arith.maxsi %max3A_2256, %max3A_2257 : vector<16xi32>
      %xor3A_2259 = arith.constant 1 : i32
      %xor3A_2260 = vector.broadcast %xor3A_2259 : i32 to vector<16xi32>
      %xor3A_2261 = arith.xori %iota3A, %xor3A_2260 : vector<16xi32>
      %broadcast_in_dim3A_2262 = vector.shape_cast %xor3A_2261 : vector<16xi32> to vector<16x1xi32>
      %gather3A_2263 = vector.shape_cast %broadcast_in_dim3A_2262 : vector<16x1xi32> to vector<16xi32>
      %gather3A_2264 = tpu.dynamic_gather %max3A_2258[%gather3A_2263] in [0] : vector<16xi32>, vector<16xi32> -> vector<16xi32>
      %max3A_2265 = arith.maxsi %max3A_2258, %gather3A_2264 : vector<16xi32>
      %xor3A_2266 = arith.constant 2 : i32
      %xor3A_2267 = vector.broadcast %xor3A_2266 : i32 to vector<16xi32>
      %xor3A_2268 = arith.xori %iota3A, %xor3A_2267 : vector<16xi32>
      %broadcast_in_dim3A_2269 = vector.shape_cast %xor3A_2268 : vector<16xi32> to vector<16x1xi32>
      %gather3A_2270 = vector.shape_cast %broadcast_in_dim3A_2269 : vector<16x1xi32> to vector<16xi32>
      %gather3A_2271 = tpu.dynamic_gather %max3A_2265[%gather3A_2270] in [0] : vector<16xi32>, vector<16xi32> -> vector<16xi32>
      %max3A_2272 = arith.maxsi %max3A_2265, %gather3A_2271 : vector<16xi32>
      %xor3A_2273 = arith.constant 4 : i32
      %xor3A_2274 = vector.broadcast %xor3A_2273 : i32 to vector<16xi32>
      %xor3A_2275 = arith.xori %iota3A, %xor3A_2274 : vector<16xi32>
      %broadcast_in_dim3A_2276 = vector.shape_cast %xor3A_2275 : vector<16xi32> to vector<16x1xi32>
      %gather3A_2277 = vector.shape_cast %broadcast_in_dim3A_2276 : vector<16x1xi32> to vector<16xi32>
      %gather3A_2278 = tpu.dynamic_gather %max3A_2272[%gather3A_2277] in [0] : vector<16xi32>, vector<16xi32> -> vector<16xi32>
      %max3A_2279 = arith.maxsi %max3A_2272, %gather3A_2278 : vector<16xi32>
      %xor3A_2280 = arith.constant 8 : i32
      %xor3A_2281 = vector.broadcast %xor3A_2280 : i32 to vector<16xi32>
      %xor3A_2282 = arith.xori %iota3A, %xor3A_2281 : vector<16xi32>
      %broadcast_in_dim3A_2283 = vector.shape_cast %xor3A_2282 : vector<16xi32> to vector<16x1xi32>
      %gather3A_2284 = vector.shape_cast %broadcast_in_dim3A_2283 : vector<16x1xi32> to vector<16xi32>
      %gather3A_2285 = tpu.dynamic_gather %max3A_2279[%gather3A_2284] in [0] : vector<16xi32>, vector<16xi32> -> vector<16xi32>
      %max3A_2286 = arith.maxsi %max3A_2279, %gather3A_2285 : vector<16xi32>
      %eq3A_2287 = arith.constant 3 : i32
      %eq3A_2288 = vector.broadcast %eq3A_2287 : i32 to vector<16xi32>
      %eq3A_2289 = arith.cmpi eq, %iota3A, %eq3A_2288 : vector<16xi32>
      %select_n3A_2290 = arith.select %eq3A_2289, %max3A_2239, %select_n3A_2191 : vector<16xi1>, vector<16xf32>
      %select_n3A_2291 = arith.select %eq3A_2289, %max3A_2286, %select_n3A_2192 : vector<16xi1>, vector<16xi32>
      %eq3A_2292 = arith.cmpi eq, %add3A_1757, %max3A_2286 : vector<16xi32>
      %jit3A_2293 = arith.constant 0xFF800000 : f32
      %broadcast_in_dim3A_2294 = vector.broadcast %jit3A_2293 : f32 to vector<16xf32>
      %select_n3A_2295 = arith.select %eq3A_2292, %broadcast_in_dim3A_2294, %select_n3A_2196 : vector<16xi1>, vector<16xf32>
      %eq3A_2296 = arith.cmpi eq, %add3A_1774, %max3A_2286 : vector<16xi32>
      %jit3A_2297 = arith.constant 0xFF800000 : f32
      %broadcast_in_dim3A_2298 = vector.broadcast %jit3A_2297 : f32 to vector<16xf32>
      %select_n3A_2299 = arith.select %eq3A_2296, %broadcast_in_dim3A_2298, %select_n3A_2200 : vector<16xi1>, vector<16xf32>
      %eq3A_2300 = arith.cmpi eq, %add3A_1791, %max3A_2286 : vector<16xi32>
      %jit3A_2301 = arith.constant 0xFF800000 : f32
      %broadcast_in_dim3A_2302 = vector.broadcast %jit3A_2301 : f32 to vector<16xf32>
      %select_n3A_2303 = arith.select %eq3A_2300, %broadcast_in_dim3A_2302, %select_n3A_2204 : vector<16xi1>, vector<16xf32>
      %eq3A_2304 = arith.cmpi eq, %add3A_1808, %max3A_2286 : vector<16xi32>
      %jit3A_2305 = arith.constant 0xFF800000 : f32
      %broadcast_in_dim3A_2306 = vector.broadcast %jit3A_2305 : f32 to vector<16xf32>
      %select_n3A_2307 = arith.select %eq3A_2304, %broadcast_in_dim3A_2306, %select_n3A_2208 : vector<16xi1>, vector<16xf32>
      %max3A_2308 = arith.maximumf %select_n3A_2295, %select_n3A_2299 : vector<16xf32>
      %max3A_2309 = arith.maximumf %select_n3A_2303, %select_n3A_2307 : vector<16xf32>
      %max3A_2310 = arith.maximumf %max3A_2308, %max3A_2309 : vector<16xf32>
      %xor3A_2311 = arith.constant 1 : i32
      %xor3A_2312 = vector.broadcast %xor3A_2311 : i32 to vector<16xi32>
      %xor3A_2313 = arith.xori %iota3A, %xor3A_2312 : vector<16xi32>
      %broadcast_in_dim3A_2314 = vector.shape_cast %xor3A_2313 : vector<16xi32> to vector<16x1xi32>
      %gather3A_2315 = vector.shape_cast %broadcast_in_dim3A_2314 : vector<16x1xi32> to vector<16xi32>
      %gather3A_2316 = tpu.dynamic_gather %max3A_2310[%gather3A_2315] in [0] : vector<16xf32>, vector<16xi32> -> vector<16xf32>
      %max3A_2317 = arith.maximumf %max3A_2310, %gather3A_2316 : vector<16xf32>
      %xor3A_2318 = arith.constant 2 : i32
      %xor3A_2319 = vector.broadcast %xor3A_2318 : i32 to vector<16xi32>
      %xor3A_2320 = arith.xori %iota3A, %xor3A_2319 : vector<16xi32>
      %broadcast_in_dim3A_2321 = vector.shape_cast %xor3A_2320 : vector<16xi32> to vector<16x1xi32>
      %gather3A_2322 = vector.shape_cast %broadcast_in_dim3A_2321 : vector<16x1xi32> to vector<16xi32>
      %gather3A_2323 = tpu.dynamic_gather %max3A_2317[%gather3A_2322] in [0] : vector<16xf32>, vector<16xi32> -> vector<16xf32>
      %max3A_2324 = arith.maximumf %max3A_2317, %gather3A_2323 : vector<16xf32>
      %xor3A_2325 = arith.constant 4 : i32
      %xor3A_2326 = vector.broadcast %xor3A_2325 : i32 to vector<16xi32>
      %xor3A_2327 = arith.xori %iota3A, %xor3A_2326 : vector<16xi32>
      %broadcast_in_dim3A_2328 = vector.shape_cast %xor3A_2327 : vector<16xi32> to vector<16x1xi32>
      %gather3A_2329 = vector.shape_cast %broadcast_in_dim3A_2328 : vector<16x1xi32> to vector<16xi32>
      %gather3A_2330 = tpu.dynamic_gather %max3A_2324[%gather3A_2329] in [0] : vector<16xf32>, vector<16xi32> -> vector<16xf32>
      %max3A_2331 = arith.maximumf %max3A_2324, %gather3A_2330 : vector<16xf32>
      %xor3A_2332 = arith.constant 8 : i32
      %xor3A_2333 = vector.broadcast %xor3A_2332 : i32 to vector<16xi32>
      %xor3A_2334 = arith.xori %iota3A, %xor3A_2333 : vector<16xi32>
      %broadcast_in_dim3A_2335 = vector.shape_cast %xor3A_2334 : vector<16xi32> to vector<16x1xi32>
      %gather3A_2336 = vector.shape_cast %broadcast_in_dim3A_2335 : vector<16x1xi32> to vector<16xi32>
      %gather3A_2337 = tpu.dynamic_gather %max3A_2331[%gather3A_2336] in [0] : vector<16xf32>, vector<16xi32> -> vector<16xf32>
      %max3A_2338 = arith.maximumf %max3A_2331, %gather3A_2337 : vector<16xf32>
      %eq3A_2339 = arith.cmpf oeq, %select_n3A_2295, %max3A_2338 : vector<16xf32>
      %jit3A_2340 = arith.constant -1 : i32
      %broadcast_in_dim3A_2341 = vector.broadcast %jit3A_2340 : i32 to vector<16xi32>
      %select_n3A_2342 = arith.select %eq3A_2339, %add3A_1757, %broadcast_in_dim3A_2341 : vector<16xi1>, vector<16xi32>
      %eq3A_2343 = arith.cmpf oeq, %select_n3A_2299, %max3A_2338 : vector<16xf32>
      %jit3A_2344 = arith.constant -1 : i32
      %broadcast_in_dim3A_2345 = vector.broadcast %jit3A_2344 : i32 to vector<16xi32>
      %select_n3A_2346 = arith.select %eq3A_2343, %add3A_1774, %broadcast_in_dim3A_2345 : vector<16xi1>, vector<16xi32>
      %eq3A_2347 = arith.cmpf oeq, %select_n3A_2303, %max3A_2338 : vector<16xf32>
      %jit3A_2348 = arith.constant -1 : i32
      %broadcast_in_dim3A_2349 = vector.broadcast %jit3A_2348 : i32 to vector<16xi32>
      %select_n3A_2350 = arith.select %eq3A_2347, %add3A_1791, %broadcast_in_dim3A_2349 : vector<16xi1>, vector<16xi32>
      %eq3A_2351 = arith.cmpf oeq, %select_n3A_2307, %max3A_2338 : vector<16xf32>
      %jit3A_2352 = arith.constant -1 : i32
      %broadcast_in_dim3A_2353 = vector.broadcast %jit3A_2352 : i32 to vector<16xi32>
      %select_n3A_2354 = arith.select %eq3A_2351, %add3A_1808, %broadcast_in_dim3A_2353 : vector<16xi1>, vector<16xi32>
      %max3A_2355 = arith.maxsi %select_n3A_2342, %select_n3A_2346 : vector<16xi32>
      %max3A_2356 = arith.maxsi %select_n3A_2350, %select_n3A_2354 : vector<16xi32>
      %max3A_2357 = arith.maxsi %max3A_2355, %max3A_2356 : vector<16xi32>
      %xor3A_2358 = arith.constant 1 : i32
      %xor3A_2359 = vector.broadcast %xor3A_2358 : i32 to vector<16xi32>
      %xor3A_2360 = arith.xori %iota3A, %xor3A_2359 : vector<16xi32>
      %broadcast_in_dim3A_2361 = vector.shape_cast %xor3A_2360 : vector<16xi32> to vector<16x1xi32>
      %gather3A_2362 = vector.shape_cast %broadcast_in_dim3A_2361 : vector<16x1xi32> to vector<16xi32>
      %gather3A_2363 = tpu.dynamic_gather %max3A_2357[%gather3A_2362] in [0] : vector<16xi32>, vector<16xi32> -> vector<16xi32>
      %max3A_2364 = arith.maxsi %max3A_2357, %gather3A_2363 : vector<16xi32>
      %xor3A_2365 = arith.constant 2 : i32
      %xor3A_2366 = vector.broadcast %xor3A_2365 : i32 to vector<16xi32>
      %xor3A_2367 = arith.xori %iota3A, %xor3A_2366 : vector<16xi32>
      %broadcast_in_dim3A_2368 = vector.shape_cast %xor3A_2367 : vector<16xi32> to vector<16x1xi32>
      %gather3A_2369 = vector.shape_cast %broadcast_in_dim3A_2368 : vector<16x1xi32> to vector<16xi32>
      %gather3A_2370 = tpu.dynamic_gather %max3A_2364[%gather3A_2369] in [0] : vector<16xi32>, vector<16xi32> -> vector<16xi32>
      %max3A_2371 = arith.maxsi %max3A_2364, %gather3A_2370 : vector<16xi32>
      %xor3A_2372 = arith.constant 4 : i32
      %xor3A_2373 = vector.broadcast %xor3A_2372 : i32 to vector<16xi32>
      %xor3A_2374 = arith.xori %iota3A, %xor3A_2373 : vector<16xi32>
      %broadcast_in_dim3A_2375 = vector.shape_cast %xor3A_2374 : vector<16xi32> to vector<16x1xi32>
      %gather3A_2376 = vector.shape_cast %broadcast_in_dim3A_2375 : vector<16x1xi32> to vector<16xi32>
      %gather3A_2377 = tpu.dynamic_gather %max3A_2371[%gather3A_2376] in [0] : vector<16xi32>, vector<16xi32> -> vector<16xi32>
      %max3A_2378 = arith.maxsi %max3A_2371, %gather3A_2377 : vector<16xi32>
      %xor3A_2379 = arith.constant 8 : i32
      %xor3A_2380 = vector.broadcast %xor3A_2379 : i32 to vector<16xi32>
      %xor3A_2381 = arith.xori %iota3A, %xor3A_2380 : vector<16xi32>
      %broadcast_in_dim3A_2382 = vector.shape_cast %xor3A_2381 : vector<16xi32> to vector<16x1xi32>
      %gather3A_2383 = vector.shape_cast %broadcast_in_dim3A_2382 : vector<16x1xi32> to vector<16xi32>
      %gather3A_2384 = tpu.dynamic_gather %max3A_2378[%gather3A_2383] in [0] : vector<16xi32>, vector<16xi32> -> vector<16xi32>
      %max3A_2385 = arith.maxsi %max3A_2378, %gather3A_2384 : vector<16xi32>
      %eq3A_2386 = arith.constant 2 : i32
      %eq3A_2387 = vector.broadcast %eq3A_2386 : i32 to vector<16xi32>
      %eq3A_2388 = arith.cmpi eq, %iota3A, %eq3A_2387 : vector<16xi32>
      %select_n3A_2389 = arith.select %eq3A_2388, %max3A_2338, %select_n3A_2290 : vector<16xi1>, vector<16xf32>
      %select_n3A_2390 = arith.select %eq3A_2388, %max3A_2385, %select_n3A_2291 : vector<16xi1>, vector<16xi32>
      %eq3A_2391 = arith.cmpi eq, %add3A_1757, %max3A_2385 : vector<16xi32>
      %jit3A_2392 = arith.constant 0xFF800000 : f32
      %broadcast_in_dim3A_2393 = vector.broadcast %jit3A_2392 : f32 to vector<16xf32>
      %select_n3A_2394 = arith.select %eq3A_2391, %broadcast_in_dim3A_2393, %select_n3A_2295 : vector<16xi1>, vector<16xf32>
      %eq3A_2395 = arith.cmpi eq, %add3A_1774, %max3A_2385 : vector<16xi32>
      %jit3A_2396 = arith.constant 0xFF800000 : f32
      %broadcast_in_dim3A_2397 = vector.broadcast %jit3A_2396 : f32 to vector<16xf32>
      %select_n3A_2398 = arith.select %eq3A_2395, %broadcast_in_dim3A_2397, %select_n3A_2299 : vector<16xi1>, vector<16xf32>
      %eq3A_2399 = arith.cmpi eq, %add3A_1791, %max3A_2385 : vector<16xi32>
      %jit3A_2400 = arith.constant 0xFF800000 : f32
      %broadcast_in_dim3A_2401 = vector.broadcast %jit3A_2400 : f32 to vector<16xf32>
      %select_n3A_2402 = arith.select %eq3A_2399, %broadcast_in_dim3A_2401, %select_n3A_2303 : vector<16xi1>, vector<16xf32>
      %eq3A_2403 = arith.cmpi eq, %add3A_1808, %max3A_2385 : vector<16xi32>
      %jit3A_2404 = arith.constant 0xFF800000 : f32
      %broadcast_in_dim3A_2405 = vector.broadcast %jit3A_2404 : f32 to vector<16xf32>
      %select_n3A_2406 = arith.select %eq3A_2403, %broadcast_in_dim3A_2405, %select_n3A_2307 : vector<16xi1>, vector<16xf32>
      %max3A_2407 = arith.maximumf %select_n3A_2394, %select_n3A_2398 : vector<16xf32>
      %max3A_2408 = arith.maximumf %select_n3A_2402, %select_n3A_2406 : vector<16xf32>
      %max3A_2409 = arith.maximumf %max3A_2407, %max3A_2408 : vector<16xf32>
      %xor3A_2410 = arith.constant 1 : i32
      %xor3A_2411 = vector.broadcast %xor3A_2410 : i32 to vector<16xi32>
      %xor3A_2412 = arith.xori %iota3A, %xor3A_2411 : vector<16xi32>
      %broadcast_in_dim3A_2413 = vector.shape_cast %xor3A_2412 : vector<16xi32> to vector<16x1xi32>
      %gather3A_2414 = vector.shape_cast %broadcast_in_dim3A_2413 : vector<16x1xi32> to vector<16xi32>
      %gather3A_2415 = tpu.dynamic_gather %max3A_2409[%gather3A_2414] in [0] : vector<16xf32>, vector<16xi32> -> vector<16xf32>
      %max3A_2416 = arith.maximumf %max3A_2409, %gather3A_2415 : vector<16xf32>
      %xor3A_2417 = arith.constant 2 : i32
      %xor3A_2418 = vector.broadcast %xor3A_2417 : i32 to vector<16xi32>
      %xor3A_2419 = arith.xori %iota3A, %xor3A_2418 : vector<16xi32>
      %broadcast_in_dim3A_2420 = vector.shape_cast %xor3A_2419 : vector<16xi32> to vector<16x1xi32>
      %gather3A_2421 = vector.shape_cast %broadcast_in_dim3A_2420 : vector<16x1xi32> to vector<16xi32>
      %gather3A_2422 = tpu.dynamic_gather %max3A_2416[%gather3A_2421] in [0] : vector<16xf32>, vector<16xi32> -> vector<16xf32>
      %max3A_2423 = arith.maximumf %max3A_2416, %gather3A_2422 : vector<16xf32>
      %xor3A_2424 = arith.constant 4 : i32
      %xor3A_2425 = vector.broadcast %xor3A_2424 : i32 to vector<16xi32>
      %xor3A_2426 = arith.xori %iota3A, %xor3A_2425 : vector<16xi32>
      %broadcast_in_dim3A_2427 = vector.shape_cast %xor3A_2426 : vector<16xi32> to vector<16x1xi32>
      %gather3A_2428 = vector.shape_cast %broadcast_in_dim3A_2427 : vector<16x1xi32> to vector<16xi32>
      %gather3A_2429 = tpu.dynamic_gather %max3A_2423[%gather3A_2428] in [0] : vector<16xf32>, vector<16xi32> -> vector<16xf32>
      %max3A_2430 = arith.maximumf %max3A_2423, %gather3A_2429 : vector<16xf32>
      %xor3A_2431 = arith.constant 8 : i32
      %xor3A_2432 = vector.broadcast %xor3A_2431 : i32 to vector<16xi32>
      %xor3A_2433 = arith.xori %iota3A, %xor3A_2432 : vector<16xi32>
      %broadcast_in_dim3A_2434 = vector.shape_cast %xor3A_2433 : vector<16xi32> to vector<16x1xi32>
      %gather3A_2435 = vector.shape_cast %broadcast_in_dim3A_2434 : vector<16x1xi32> to vector<16xi32>
      %gather3A_2436 = tpu.dynamic_gather %max3A_2430[%gather3A_2435] in [0] : vector<16xf32>, vector<16xi32> -> vector<16xf32>
      %max3A_2437 = arith.maximumf %max3A_2430, %gather3A_2436 : vector<16xf32>
      %eq3A_2438 = arith.cmpf oeq, %select_n3A_2394, %max3A_2437 : vector<16xf32>
      %jit3A_2439 = arith.constant -1 : i32
      %broadcast_in_dim3A_2440 = vector.broadcast %jit3A_2439 : i32 to vector<16xi32>
      %select_n3A_2441 = arith.select %eq3A_2438, %add3A_1757, %broadcast_in_dim3A_2440 : vector<16xi1>, vector<16xi32>
      %eq3A_2442 = arith.cmpf oeq, %select_n3A_2398, %max3A_2437 : vector<16xf32>
      %jit3A_2443 = arith.constant -1 : i32
      %broadcast_in_dim3A_2444 = vector.broadcast %jit3A_2443 : i32 to vector<16xi32>
      %select_n3A_2445 = arith.select %eq3A_2442, %add3A_1774, %broadcast_in_dim3A_2444 : vector<16xi1>, vector<16xi32>
      %eq3A_2446 = arith.cmpf oeq, %select_n3A_2402, %max3A_2437 : vector<16xf32>
      %jit3A_2447 = arith.constant -1 : i32
      %broadcast_in_dim3A_2448 = vector.broadcast %jit3A_2447 : i32 to vector<16xi32>
      %select_n3A_2449 = arith.select %eq3A_2446, %add3A_1791, %broadcast_in_dim3A_2448 : vector<16xi1>, vector<16xi32>
      %eq3A_2450 = arith.cmpf oeq, %select_n3A_2406, %max3A_2437 : vector<16xf32>
      %jit3A_2451 = arith.constant -1 : i32
      %broadcast_in_dim3A_2452 = vector.broadcast %jit3A_2451 : i32 to vector<16xi32>
      %select_n3A_2453 = arith.select %eq3A_2450, %add3A_1808, %broadcast_in_dim3A_2452 : vector<16xi1>, vector<16xi32>
      %max3A_2454 = arith.maxsi %select_n3A_2441, %select_n3A_2445 : vector<16xi32>
      %max3A_2455 = arith.maxsi %select_n3A_2449, %select_n3A_2453 : vector<16xi32>
      %max3A_2456 = arith.maxsi %max3A_2454, %max3A_2455 : vector<16xi32>
      %xor3A_2457 = arith.constant 1 : i32
      %xor3A_2458 = vector.broadcast %xor3A_2457 : i32 to vector<16xi32>
      %xor3A_2459 = arith.xori %iota3A, %xor3A_2458 : vector<16xi32>
      %broadcast_in_dim3A_2460 = vector.shape_cast %xor3A_2459 : vector<16xi32> to vector<16x1xi32>
      %gather3A_2461 = vector.shape_cast %broadcast_in_dim3A_2460 : vector<16x1xi32> to vector<16xi32>
      %gather3A_2462 = tpu.dynamic_gather %max3A_2456[%gather3A_2461] in [0] : vector<16xi32>, vector<16xi32> -> vector<16xi32>
      %max3A_2463 = arith.maxsi %max3A_2456, %gather3A_2462 : vector<16xi32>
      %xor3A_2464 = arith.constant 2 : i32
      %xor3A_2465 = vector.broadcast %xor3A_2464 : i32 to vector<16xi32>
      %xor3A_2466 = arith.xori %iota3A, %xor3A_2465 : vector<16xi32>
      %broadcast_in_dim3A_2467 = vector.shape_cast %xor3A_2466 : vector<16xi32> to vector<16x1xi32>
      %gather3A_2468 = vector.shape_cast %broadcast_in_dim3A_2467 : vector<16x1xi32> to vector<16xi32>
      %gather3A_2469 = tpu.dynamic_gather %max3A_2463[%gather3A_2468] in [0] : vector<16xi32>, vector<16xi32> -> vector<16xi32>
      %max3A_2470 = arith.maxsi %max3A_2463, %gather3A_2469 : vector<16xi32>
      %xor3A_2471 = arith.constant 4 : i32
      %xor3A_2472 = vector.broadcast %xor3A_2471 : i32 to vector<16xi32>
      %xor3A_2473 = arith.xori %iota3A, %xor3A_2472 : vector<16xi32>
      %broadcast_in_dim3A_2474 = vector.shape_cast %xor3A_2473 : vector<16xi32> to vector<16x1xi32>
      %gather3A_2475 = vector.shape_cast %broadcast_in_dim3A_2474 : vector<16x1xi32> to vector<16xi32>
      %gather3A_2476 = tpu.dynamic_gather %max3A_2470[%gather3A_2475] in [0] : vector<16xi32>, vector<16xi32> -> vector<16xi32>
      %max3A_2477 = arith.maxsi %max3A_2470, %gather3A_2476 : vector<16xi32>
      %xor3A_2478 = arith.constant 8 : i32
      %xor3A_2479 = vector.broadcast %xor3A_2478 : i32 to vector<16xi32>
      %xor3A_2480 = arith.xori %iota3A, %xor3A_2479 : vector<16xi32>
      %broadcast_in_dim3A_2481 = vector.shape_cast %xor3A_2480 : vector<16xi32> to vector<16x1xi32>
      %gather3A_2482 = vector.shape_cast %broadcast_in_dim3A_2481 : vector<16x1xi32> to vector<16xi32>
      %gather3A_2483 = tpu.dynamic_gather %max3A_2477[%gather3A_2482] in [0] : vector<16xi32>, vector<16xi32> -> vector<16xi32>
      %max3A_2484 = arith.maxsi %max3A_2477, %gather3A_2483 : vector<16xi32>
      %eq3A_2485 = arith.constant 1 : i32
      %eq3A_2486 = vector.broadcast %eq3A_2485 : i32 to vector<16xi32>
      %eq3A_2487 = arith.cmpi eq, %iota3A, %eq3A_2486 : vector<16xi32>
      %select_n3A_2488 = arith.select %eq3A_2487, %max3A_2437, %select_n3A_2389 : vector<16xi1>, vector<16xf32>
      %select_n3A_2489 = arith.select %eq3A_2487, %max3A_2484, %select_n3A_2390 : vector<16xi1>, vector<16xi32>
      %eq3A_2490 = arith.cmpi eq, %add3A_1757, %max3A_2484 : vector<16xi32>
      %jit3A_2491 = arith.constant 0xFF800000 : f32
      %broadcast_in_dim3A_2492 = vector.broadcast %jit3A_2491 : f32 to vector<16xf32>
      %select_n3A_2493 = arith.select %eq3A_2490, %broadcast_in_dim3A_2492, %select_n3A_2394 : vector<16xi1>, vector<16xf32>
      %eq3A_2494 = arith.cmpi eq, %add3A_1774, %max3A_2484 : vector<16xi32>
      %jit3A_2495 = arith.constant 0xFF800000 : f32
      %broadcast_in_dim3A_2496 = vector.broadcast %jit3A_2495 : f32 to vector<16xf32>
      %select_n3A_2497 = arith.select %eq3A_2494, %broadcast_in_dim3A_2496, %select_n3A_2398 : vector<16xi1>, vector<16xf32>
      %eq3A_2498 = arith.cmpi eq, %add3A_1791, %max3A_2484 : vector<16xi32>
      %jit3A_2499 = arith.constant 0xFF800000 : f32
      %broadcast_in_dim3A_2500 = vector.broadcast %jit3A_2499 : f32 to vector<16xf32>
      %select_n3A_2501 = arith.select %eq3A_2498, %broadcast_in_dim3A_2500, %select_n3A_2402 : vector<16xi1>, vector<16xf32>
      %eq3A_2502 = arith.cmpi eq, %add3A_1808, %max3A_2484 : vector<16xi32>
      %jit3A_2503 = arith.constant 0xFF800000 : f32
      %broadcast_in_dim3A_2504 = vector.broadcast %jit3A_2503 : f32 to vector<16xf32>
      %select_n3A_2505 = arith.select %eq3A_2502, %broadcast_in_dim3A_2504, %select_n3A_2406 : vector<16xi1>, vector<16xf32>
      %max3A_2506 = arith.maximumf %select_n3A_2493, %select_n3A_2497 : vector<16xf32>
      %max3A_2507 = arith.maximumf %select_n3A_2501, %select_n3A_2505 : vector<16xf32>
      %max3A_2508 = arith.maximumf %max3A_2506, %max3A_2507 : vector<16xf32>
      %xor3A_2509 = arith.constant 1 : i32
      %xor3A_2510 = vector.broadcast %xor3A_2509 : i32 to vector<16xi32>
      %xor3A_2511 = arith.xori %iota3A, %xor3A_2510 : vector<16xi32>
      %broadcast_in_dim3A_2512 = vector.shape_cast %xor3A_2511 : vector<16xi32> to vector<16x1xi32>
      %gather3A_2513 = vector.shape_cast %broadcast_in_dim3A_2512 : vector<16x1xi32> to vector<16xi32>
      %gather3A_2514 = tpu.dynamic_gather %max3A_2508[%gather3A_2513] in [0] : vector<16xf32>, vector<16xi32> -> vector<16xf32>
      %max3A_2515 = arith.maximumf %max3A_2508, %gather3A_2514 : vector<16xf32>
      %xor3A_2516 = arith.constant 2 : i32
      %xor3A_2517 = vector.broadcast %xor3A_2516 : i32 to vector<16xi32>
      %xor3A_2518 = arith.xori %iota3A, %xor3A_2517 : vector<16xi32>
      %broadcast_in_dim3A_2519 = vector.shape_cast %xor3A_2518 : vector<16xi32> to vector<16x1xi32>
      %gather3A_2520 = vector.shape_cast %broadcast_in_dim3A_2519 : vector<16x1xi32> to vector<16xi32>
      %gather3A_2521 = tpu.dynamic_gather %max3A_2515[%gather3A_2520] in [0] : vector<16xf32>, vector<16xi32> -> vector<16xf32>
      %max3A_2522 = arith.maximumf %max3A_2515, %gather3A_2521 : vector<16xf32>
      %xor3A_2523 = arith.constant 4 : i32
      %xor3A_2524 = vector.broadcast %xor3A_2523 : i32 to vector<16xi32>
      %xor3A_2525 = arith.xori %iota3A, %xor3A_2524 : vector<16xi32>
      %broadcast_in_dim3A_2526 = vector.shape_cast %xor3A_2525 : vector<16xi32> to vector<16x1xi32>
      %gather3A_2527 = vector.shape_cast %broadcast_in_dim3A_2526 : vector<16x1xi32> to vector<16xi32>
      %gather3A_2528 = tpu.dynamic_gather %max3A_2522[%gather3A_2527] in [0] : vector<16xf32>, vector<16xi32> -> vector<16xf32>
      %max3A_2529 = arith.maximumf %max3A_2522, %gather3A_2528 : vector<16xf32>
      %xor3A_2530 = arith.constant 8 : i32
      %xor3A_2531 = vector.broadcast %xor3A_2530 : i32 to vector<16xi32>
      %xor3A_2532 = arith.xori %iota3A, %xor3A_2531 : vector<16xi32>
      %broadcast_in_dim3A_2533 = vector.shape_cast %xor3A_2532 : vector<16xi32> to vector<16x1xi32>
      %gather3A_2534 = vector.shape_cast %broadcast_in_dim3A_2533 : vector<16x1xi32> to vector<16xi32>
      %gather3A_2535 = tpu.dynamic_gather %max3A_2529[%gather3A_2534] in [0] : vector<16xf32>, vector<16xi32> -> vector<16xf32>
      %max3A_2536 = arith.maximumf %max3A_2529, %gather3A_2535 : vector<16xf32>
      %eq3A_2537 = arith.cmpf oeq, %select_n3A_2493, %max3A_2536 : vector<16xf32>
      %jit3A_2538 = arith.constant -1 : i32
      %broadcast_in_dim3A_2539 = vector.broadcast %jit3A_2538 : i32 to vector<16xi32>
      %select_n3A_2540 = arith.select %eq3A_2537, %add3A_1757, %broadcast_in_dim3A_2539 : vector<16xi1>, vector<16xi32>
      %eq3A_2541 = arith.cmpf oeq, %select_n3A_2497, %max3A_2536 : vector<16xf32>
      %jit3A_2542 = arith.constant -1 : i32
      %broadcast_in_dim3A_2543 = vector.broadcast %jit3A_2542 : i32 to vector<16xi32>
      %select_n3A_2544 = arith.select %eq3A_2541, %add3A_1774, %broadcast_in_dim3A_2543 : vector<16xi1>, vector<16xi32>
      %eq3A_2545 = arith.cmpf oeq, %select_n3A_2501, %max3A_2536 : vector<16xf32>
      %jit3A_2546 = arith.constant -1 : i32
      %broadcast_in_dim3A_2547 = vector.broadcast %jit3A_2546 : i32 to vector<16xi32>
      %select_n3A_2548 = arith.select %eq3A_2545, %add3A_1791, %broadcast_in_dim3A_2547 : vector<16xi1>, vector<16xi32>
      %eq3A_2549 = arith.cmpf oeq, %select_n3A_2505, %max3A_2536 : vector<16xf32>
      %jit3A_2550 = arith.constant -1 : i32
      %broadcast_in_dim3A_2551 = vector.broadcast %jit3A_2550 : i32 to vector<16xi32>
      %select_n3A_2552 = arith.select %eq3A_2549, %add3A_1808, %broadcast_in_dim3A_2551 : vector<16xi1>, vector<16xi32>
      %max3A_2553 = arith.maxsi %select_n3A_2540, %select_n3A_2544 : vector<16xi32>
      %max3A_2554 = arith.maxsi %select_n3A_2548, %select_n3A_2552 : vector<16xi32>
      %max3A_2555 = arith.maxsi %max3A_2553, %max3A_2554 : vector<16xi32>
      %xor3A_2556 = arith.constant 1 : i32
      %xor3A_2557 = vector.broadcast %xor3A_2556 : i32 to vector<16xi32>
      %xor3A_2558 = arith.xori %iota3A, %xor3A_2557 : vector<16xi32>
      %broadcast_in_dim3A_2559 = vector.shape_cast %xor3A_2558 : vector<16xi32> to vector<16x1xi32>
      %gather3A_2560 = vector.shape_cast %broadcast_in_dim3A_2559 : vector<16x1xi32> to vector<16xi32>
      %gather3A_2561 = tpu.dynamic_gather %max3A_2555[%gather3A_2560] in [0] : vector<16xi32>, vector<16xi32> -> vector<16xi32>
      %max3A_2562 = arith.maxsi %max3A_2555, %gather3A_2561 : vector<16xi32>
      %xor3A_2563 = arith.constant 2 : i32
      %xor3A_2564 = vector.broadcast %xor3A_2563 : i32 to vector<16xi32>
      %xor3A_2565 = arith.xori %iota3A, %xor3A_2564 : vector<16xi32>
      %broadcast_in_dim3A_2566 = vector.shape_cast %xor3A_2565 : vector<16xi32> to vector<16x1xi32>
      %gather3A_2567 = vector.shape_cast %broadcast_in_dim3A_2566 : vector<16x1xi32> to vector<16xi32>
      %gather3A_2568 = tpu.dynamic_gather %max3A_2562[%gather3A_2567] in [0] : vector<16xi32>, vector<16xi32> -> vector<16xi32>
      %max3A_2569 = arith.maxsi %max3A_2562, %gather3A_2568 : vector<16xi32>
      %xor3A_2570 = arith.constant 4 : i32
      %xor3A_2571 = vector.broadcast %xor3A_2570 : i32 to vector<16xi32>
      %xor3A_2572 = arith.xori %iota3A, %xor3A_2571 : vector<16xi32>
      %broadcast_in_dim3A_2573 = vector.shape_cast %xor3A_2572 : vector<16xi32> to vector<16x1xi32>
      %gather3A_2574 = vector.shape_cast %broadcast_in_dim3A_2573 : vector<16x1xi32> to vector<16xi32>
      %gather3A_2575 = tpu.dynamic_gather %max3A_2569[%gather3A_2574] in [0] : vector<16xi32>, vector<16xi32> -> vector<16xi32>
      %max3A_2576 = arith.maxsi %max3A_2569, %gather3A_2575 : vector<16xi32>
      %xor3A_2577 = arith.constant 8 : i32
      %xor3A_2578 = vector.broadcast %xor3A_2577 : i32 to vector<16xi32>
      %xor3A_2579 = arith.xori %iota3A, %xor3A_2578 : vector<16xi32>
      %broadcast_in_dim3A_2580 = vector.shape_cast %xor3A_2579 : vector<16xi32> to vector<16x1xi32>
      %gather3A_2581 = vector.shape_cast %broadcast_in_dim3A_2580 : vector<16x1xi32> to vector<16xi32>
      %gather3A_2582 = tpu.dynamic_gather %max3A_2576[%gather3A_2581] in [0] : vector<16xi32>, vector<16xi32> -> vector<16xi32>
      %max3A_2583 = arith.maxsi %max3A_2576, %gather3A_2582 : vector<16xi32>
      %eq3A_2584 = arith.constant 0 : i32
      %eq3A_2585 = vector.broadcast %eq3A_2584 : i32 to vector<16xi32>
      %eq3A_2586 = arith.cmpi eq, %iota3A, %eq3A_2585 : vector<16xi32>
      %select_n3A_2587 = arith.select %eq3A_2586, %max3A_2536, %select_n3A_2488 : vector<16xi1>, vector<16xf32>
      %select_n3A_2588 = arith.select %eq3A_2586, %max3A_2583, %select_n3A_2489 : vector<16xi1>, vector<16xi32>
      %eq3A_2589 = arith.cmpi eq, %add3A_1757, %max3A_2583 : vector<16xi32>
      %jit3A_2590 = arith.constant 0xFF800000 : f32
      %broadcast_in_dim3A_2591 = vector.broadcast %jit3A_2590 : f32 to vector<16xf32>
      %select_n3A_2592 = arith.select %eq3A_2589, %broadcast_in_dim3A_2591, %select_n3A_2493 : vector<16xi1>, vector<16xf32>
      %eq3A_2593 = arith.cmpi eq, %add3A_1774, %max3A_2583 : vector<16xi32>
      %jit3A_2594 = arith.constant 0xFF800000 : f32
      %broadcast_in_dim3A_2595 = vector.broadcast %jit3A_2594 : f32 to vector<16xf32>
      %select_n3A_2596 = arith.select %eq3A_2593, %broadcast_in_dim3A_2595, %select_n3A_2497 : vector<16xi1>, vector<16xf32>
      %eq3A_2597 = arith.cmpi eq, %add3A_1791, %max3A_2583 : vector<16xi32>
      %jit3A_2598 = arith.constant 0xFF800000 : f32
      %broadcast_in_dim3A_2599 = vector.broadcast %jit3A_2598 : f32 to vector<16xf32>
      %select_n3A_2600 = arith.select %eq3A_2597, %broadcast_in_dim3A_2599, %select_n3A_2501 : vector<16xi1>, vector<16xf32>
      %eq3A_2601 = arith.cmpi eq, %add3A_1808, %max3A_2583 : vector<16xi32>
      %jit3A_2602 = arith.constant 0xFF800000 : f32
      %broadcast_in_dim3A_2603 = vector.broadcast %jit3A_2602 : f32 to vector<16xf32>
      %select_n3A_2604 = arith.select %eq3A_2601, %broadcast_in_dim3A_2603, %select_n3A_2505 : vector<16xi1>, vector<16xf32>
      %xor3A_2605 = arith.constant 1 : i32
      %xor3A_2606 = vector.broadcast %xor3A_2605 : i32 to vector<16xi32>
      %xor3A_2607 = arith.xori %iota3A, %xor3A_2606 : vector<16xi32>
      %broadcast_in_dim3A_2608 = vector.shape_cast %xor3A_2607 : vector<16xi32> to vector<16x1xi32>
      %gather3A_2609 = vector.shape_cast %broadcast_in_dim3A_2608 : vector<16x1xi32> to vector<16xi32>
      %gather3A_2610 = tpu.dynamic_gather %select_n3A_2587[%gather3A_2609] in [0] : vector<16xf32>, vector<16xi32> -> vector<16xf32>
      %add3A_2611 = arith.addf %select_n3A_2587, %gather3A_2610 : vector<16xf32>
      %xor3A_2612 = arith.constant 2 : i32
      %xor3A_2613 = vector.broadcast %xor3A_2612 : i32 to vector<16xi32>
      %xor3A_2614 = arith.xori %iota3A, %xor3A_2613 : vector<16xi32>
      %broadcast_in_dim3A_2615 = vector.shape_cast %xor3A_2614 : vector<16xi32> to vector<16x1xi32>
      %gather3A_2616 = vector.shape_cast %broadcast_in_dim3A_2615 : vector<16x1xi32> to vector<16xi32>
      %gather3A_2617 = tpu.dynamic_gather %add3A_2611[%gather3A_2616] in [0] : vector<16xf32>, vector<16xi32> -> vector<16xf32>
      %add3A_2618 = arith.addf %add3A_2611, %gather3A_2617 : vector<16xf32>
      %xor3A_2619 = arith.constant 4 : i32
      %xor3A_2620 = vector.broadcast %xor3A_2619 : i32 to vector<16xi32>
      %xor3A_2621 = arith.xori %iota3A, %xor3A_2620 : vector<16xi32>
      %broadcast_in_dim3A_2622 = vector.shape_cast %xor3A_2621 : vector<16xi32> to vector<16x1xi32>
      %gather3A_2623 = vector.shape_cast %broadcast_in_dim3A_2622 : vector<16x1xi32> to vector<16xi32>
      %gather3A_2624 = tpu.dynamic_gather %add3A_2618[%gather3A_2623] in [0] : vector<16xf32>, vector<16xi32> -> vector<16xf32>
      %add3A_2625 = arith.addf %add3A_2618, %gather3A_2624 : vector<16xf32>
      %add3A_2626 = arith.constant 9.99999968E-21 : f32
      %add3A_2627 = vector.broadcast %add3A_2626 : f32 to vector<16xf32>
      %add3A_2628 = arith.addf %add3A_2625, %add3A_2627 : vector<16xf32>
      %div3A_2629 = arith.constant 2.500000e+00 : f32
      %div3A_2630 = vector.broadcast %div3A_2629 : f32 to vector<16xf32>
      %div3A_2631 = arith.divf %div3A_2630, %add3A_2628 : vector<16xf32>
      %mul3A_2632 = arith.mulf %select_n3A_2587, %div3A_2631 : vector<16xf32>
      %and3A_2633 = arith.constant 7 : i32
      %and3A_2634 = vector.broadcast %and3A_2633 : i32 to vector<16xi32>
      %and3A_2635 = arith.andi %iota3A, %and3A_2634 : vector<16xi32>
      %broadcast_in_dim3A_2636 = vector.shape_cast %and3A_2635 : vector<16xi32> to vector<16x1xi32>
      %gather3A_2637 = vector.shape_cast %broadcast_in_dim3A_2636 : vector<16x1xi32> to vector<16xi32>
      %gather3A_2638 = tpu.dynamic_gather %mul3A_2632[%gather3A_2637] in [0] : vector<16xf32>, vector<16xi32> -> vector<16xf32>
      %select_n3A_2639 = arith.select %lt3A_16, %mul3A_1323, %gather3A_2638 : vector<16xi1>, vector<16xf32>
      %broadcast_in_dim3A_2640 = vector.shape_cast %and3A_2635 : vector<16xi32> to vector<16x1xi32>
      %gather3A_2641 = vector.shape_cast %broadcast_in_dim3A_2640 : vector<16x1xi32> to vector<16xi32>
      %gather3A_2642 = tpu.dynamic_gather %select_n3A_2588[%gather3A_2641] in [0] : vector<16xi32>, vector<16xi32> -> vector<16xi32>
      %select_n3A_2643 = arith.select %lt3A_16, %select_n3A_1280, %gather3A_2642 : vector<16xi1>, vector<16xi32>
      %mul3A_2644 = arith.constant 16 : i32
      %mul3A_2645 = arith.muli %scan3A_27, %mul3A_2644 : i32
      %swap3A = arith.index_cast %mul3A_2645 : i32 to index
      %swap3A_2646 = tpu.vector_load %arg6[%swap3A] {strides = array<i32>} : memref<2064xf32, #tpu.memory_space<vmem>>, vector<16xf32>,
      %swap3A_2647 = vector.shape_cast %swap3A_2646 : vector<16xf32> to vector<16xf32>
      %swap3A_2648 = vector.shape_cast %select_n3A_2639 : vector<16xf32> to vector<16xf32>
      tpu.vector_store %arg6[%swap3A], %swap3A_2648 {strides = array<i32>} : memref<2064xf32, #tpu.memory_space<vmem>>, vector<16xf32>,
      %mul3A_2649 = arith.constant 16 : i32
      %mul3A_2650 = arith.muli %scan3A_27, %mul3A_2649 : i32
      %swap3A_2651 = arith.index_cast %mul3A_2650 : i32 to index
      %swap3A_2652 = tpu.vector_load %arg7[%swap3A_2651] {strides = array<i32>} : memref<2064xi32, #tpu.memory_space<vmem>>, vector<16xi32>,
      %swap3A_2653 = vector.shape_cast %swap3A_2652 : vector<16xi32> to vector<16xi32>
      %swap3A_2654 = vector.shape_cast %select_n3A_2643 : vector<16xi32> to vector<16xi32>
      tpu.vector_store %arg7[%swap3A_2651], %swap3A_2654 {strides = array<i32>} : memref<2064xi32, #tpu.memory_space<vmem>>, vector<16xi32>,
      %scan3A_2655 = arith.constant 0 : i32
      scf.yield %scan3A_2655 : i32
    }
    %scan3A_22 = arith.constant 128 : i32
    %mul3A_23 = arith.constant 8 : i32
    %mul3A_24 = arith.muli %mul3A_2, %mul3A_23 : i32
    "tpu.region"() ({
      %run_scoped3A = tpu.sem_alloc : memref<!tpu.dma_semaphore, #tpu.memory_space<semaphore_mem>>
      %dma_start3A_27 = arith.constant 0 : i32
      %dma_start3A_28 = tpu.memref_slice %arg6[%dma_start3A_27] : memref<2064xf32, #tpu.memory_space<vmem>> -> memref<2048xf32, #tpu.memory_space<vmem>>
      %dma_start3A_29 = tpu.memref_slice %arg3[%mul3A_24] : memref<65536xf32, #tpu.memory_space<hbm>> -> memref<2048xf32, #tpu.memory_space<hbm>>
      %dma_start3A_30 = tpu.memref_slice %arg3[%mul3A_24] : memref<65536xf32, #tpu.memory_space<hbm>> -> memref<2048xf32, #tpu.memory_space<hbm>>
      %dma_start3A_31 = arith.constant 0 : i32
      %dma_start3A_32 = tpu.memref_slice %arg6[%dma_start3A_31] : memref<2064xf32, #tpu.memory_space<vmem>> -> memref<2048xf32, #tpu.memory_space<vmem>>
      tpu.enqueue_dma source(%dma_start3A_32 : memref<2048xf32, #tpu.memory_space<vmem>>) target(%dma_start3A_30 : memref<2048xf32, #tpu.memory_space<hbm>>) target_semaphore(%run_scoped3A : memref<!tpu.dma_semaphore, #tpu.memory_space<semaphore_mem>>)
      %dma_wait3A_33 = arith.constant 0 : i32
      %dma_wait3A_34 = tpu.memref_slice %arg6[%dma_wait3A_33] : memref<2064xf32, #tpu.memory_space<vmem>> -> memref<2048xf32, #tpu.memory_space<vmem>>
      %dma_wait3A_35 = tpu.memref_slice %arg3[%mul3A_24] : memref<65536xf32, #tpu.memory_space<hbm>> -> memref<2048xf32, #tpu.memory_space<hbm>>
      %dma_wait3A_36 = tpu.memref_slice %arg3[%mul3A_24] : memref<65536xf32, #tpu.memory_space<hbm>> -> memref<2048xf32, #tpu.memory_space<hbm>>
      %dma_wait3A_37 = arith.constant 0 : i32
      %dma_wait3A_38 = tpu.memref_slice %arg6[%dma_wait3A_37] : memref<2064xf32, #tpu.memory_space<vmem>> -> memref<2048xf32, #tpu.memory_space<vmem>>
      tpu.wait_dma2 semaphore(%run_scoped3A : memref<!tpu.dma_semaphore, #tpu.memory_space<semaphore_mem>>) src(%dma_wait3A_38 : memref<2048xf32, #tpu.memory_space<vmem>>) dst(%dma_wait3A_36 : memref<2048xf32, #tpu.memory_space<hbm>>)
      tpu.yield
    }) : () -> ()
    %mul3A_25 = arith.constant 8 : i32
    %mul3A_26 = arith.muli %mul3A_2, %mul3A_25 : i32
    "tpu.region"() ({
      %run_scoped3A = tpu.sem_alloc : memref<!tpu.dma_semaphore, #tpu.memory_space<semaphore_mem>>
      %dma_start3A_27 = arith.constant 0 : i32
      %dma_start3A_28 = tpu.memref_slice %arg7[%dma_start3A_27] : memref<2064xi32, #tpu.memory_space<vmem>> -> memref<2048xi32, #tpu.memory_space<vmem>>
      %dma_start3A_29 = tpu.memref_slice %arg4[%mul3A_26] : memref<65536xi32, #tpu.memory_space<hbm>> -> memref<2048xi32, #tpu.memory_space<hbm>>
      %dma_start3A_30 = tpu.memref_slice %arg4[%mul3A_26] : memref<65536xi32, #tpu.memory_space<hbm>> -> memref<2048xi32, #tpu.memory_space<hbm>>
      %dma_start3A_31 = arith.constant 0 : i32
      %dma_start3A_32 = tpu.memref_slice %arg7[%dma_start3A_31] : memref<2064xi32, #tpu.memory_space<vmem>> -> memref<2048xi32, #tpu.memory_space<vmem>>
      tpu.enqueue_dma source(%dma_start3A_32 : memref<2048xi32, #tpu.memory_space<vmem>>) target(%dma_start3A_30 : memref<2048xi32, #tpu.memory_space<hbm>>) target_semaphore(%run_scoped3A : memref<!tpu.dma_semaphore, #tpu.memory_space<semaphore_mem>>)
      %dma_wait3A_33 = arith.constant 0 : i32
      %dma_wait3A_34 = tpu.memref_slice %arg7[%dma_wait3A_33] : memref<2064xi32, #tpu.memory_space<vmem>> -> memref<2048xi32, #tpu.memory_space<vmem>>
      %dma_wait3A_35 = tpu.memref_slice %arg4[%mul3A_26] : memref<65536xi32, #tpu.memory_space<hbm>> -> memref<2048xi32, #tpu.memory_space<hbm>>
      %dma_wait3A_36 = tpu.memref_slice %arg4[%mul3A_26] : memref<65536xi32, #tpu.memory_space<hbm>> -> memref<2048xi32, #tpu.memory_space<hbm>>
      %dma_wait3A_37 = arith.constant 0 : i32
      %dma_wait3A_38 = tpu.memref_slice %arg7[%dma_wait3A_37] : memref<2064xi32, #tpu.memory_space<vmem>> -> memref<2048xi32, #tpu.memory_space<vmem>>
      tpu.wait_dma2 semaphore(%run_scoped3A : memref<!tpu.dma_semaphore, #tpu.memory_space<semaphore_mem>>) src(%dma_wait3A_38 : memref<2048xi32, #tpu.memory_space<vmem>>) dst(%dma_wait3A_36 : memref<2048xi32, #tpu.memory_space<hbm>>)
      tpu.yield
    }) : () -> ()
    return
  }
}

module attributes {stable_mosaic.version = 14 : i64} {
  func.func @_matmul_kernel(%arg0: i32, %arg1: memref<1024x2048xf32, #tpu.memory_space<vmem>>, %arg2: memref<64x2048xf32, #tpu.memory_space<vmem>>, %arg3: memref<1x64xf32, #tpu.memory_space<vmem>>, %arg4: memref<1024x64xf32, #tpu.memory_space<vmem>>) attributes {dimension_semantics = [#tpu.dimension_semantics<arbitrary>], iteration_bounds = array<i64: 8>, scalar_prefetch = 0 : i64, scratch_operands = 0 : i64, tpu.core_type = #tpu.core_type<tc>, window_params = [{transform_indices = @transform_0, window_bounds = array<i64: 1024, 2048>}, {pipeline_mode = #tpu.pipeline_mode<synchronous>, transform_indices = @transform_1, window_bounds = array<i64: 64, 2048>}, {pipeline_mode = #tpu.pipeline_mode<synchronous>, transform_indices = @transform_2, window_bounds = array<i64: 1, 64>}, {transform_indices = @transform_3, window_bounds = array<i64: 1024, 64>}]} {
    %get3A = arith.constant 0 : index
    %get3A_0 = arith.constant 0 : index
    %get3A_1 = vector.load %arg1[%get3A, %get3A_0] : memref<1024x2048xf32, #tpu.memory_space<vmem>>, vector<1024x2048xf32>
    %get3A_2 = arith.constant 0 : index
    %get3A_3 = arith.constant 0 : index
    %get3A_4 = vector.load %arg2[%get3A_2, %get3A_3] : memref<64x2048xf32, #tpu.memory_space<vmem>>, vector<64x2048xf32>
    %dot_general3A = arith.constant dense<0.000000e+00> : vector<1024x64xf32>
    %dot_general3A_5 = tpu.matmul %get3A_1, %get3A_4, %dot_general3A {dimension_numbers = #tpu.dot_dimension_numbers<[1], [1], [0], [0], [0, 0, 1, 0], [], []>, transpose_lhs_hint = false} : vector<1024x2048xf32>, vector<64x2048xf32>, vector<1024x64xf32> -> vector<1024x64xf32>
    %logistic3A = arith.negf %dot_general3A_5 : vector<1024x64xf32>
    %logistic3A_6 = math.exp %logistic3A : vector<1024x64xf32>
    %logistic3A_7 = arith.constant 1.000000e+00 : f32
    %logistic3A_8 = vector.broadcast %logistic3A_7 : f32 to vector<1024x64xf32>
    %logistic3A_9 = arith.addf %logistic3A_8, %logistic3A_6 : vector<1024x64xf32>
    %logistic3A_10 = arith.divf %logistic3A_8, %logistic3A_9 : vector<1024x64xf32>
    %get3A_11 = arith.constant 0 : index
    %get3A_12 = arith.constant 0 : index
    %get3A_13 = vector.load %arg3[%get3A_11, %get3A_12] : memref<1x64xf32, #tpu.memory_space<vmem>>, vector<1x64xf32>
    %add3A = vector.broadcast %get3A_13 : vector<1x64xf32> to vector<1024x64xf32>
    %add3A_14 = arith.addf %logistic3A_10, %add3A : vector<1024x64xf32>
    %swap3A = arith.constant 0 : index
    %swap3A_15 = arith.constant 0 : index
    %swap3A_16 = vector.load %arg4[%swap3A, %swap3A_15] : memref<1024x64xf32, #tpu.memory_space<vmem>>, vector<1024x64xf32>
    tpu.vector_store %arg4[%swap3A, %swap3A_15], %add3A_14 {strides = array<i32>} : memref<1024x64xf32, #tpu.memory_space<vmem>>, vector<1024x64xf32>,
    return
  }
  func.func @transform_0(%arg0: i32) -> (i32, i32) {
    %c0_i32 = arith.constant 0 : i32
    %c0_i32_0 = arith.constant 0 : i32
    return %arg0, %c0_i32 : i32, i32
  }
  func.func @transform_1(%arg0: i32) -> (i32, i32) {
    %c0_i32 = arith.constant 0 : i32
    %c0_i32_0 = arith.constant 0 : i32
    %c0_i32_1 = arith.constant 0 : i32
    return %c0_i32, %c0_i32_0 : i32, i32
  }
  func.func @transform_2(%arg0: i32) -> (i32, i32) {
    %c0_i32 = arith.constant 0 : i32
    %c0_i32_0 = arith.constant 0 : i32
    %c0_i32_1 = arith.constant 0 : i32
    return %c0_i32, %c0_i32_0 : i32, i32
  }
  func.func @transform_3(%arg0: i32) -> (i32, i32) {
    %c0_i32 = arith.constant 0 : i32
    %c0_i32_0 = arith.constant 0 : i32
    return %arg0, %c0_i32 : i32, i32
  }
}

</mosaic_0001>

<sc_bundles>
// kernel: kernel.4.cloned.1.call-start
scs
__scs_entry_jumppad:
0x0: {  	(pc) =	sbr.rel $0x88, $3  }
0x1: {  	(tag) =	ssettag $0x0;
	lr =	simm.s32 $0x1  }
0x2: {  	[smem:$0x3F9E] =	sst lr;
	_ =	strace $0xD0000000  }
0x3: {  	_ = 	snop  }
0x4: {  	_ = 	snop  }
0x5: {  	_ = 	snop  }
0x6: {  	_ = 	snop  }
0x7: {  	_ = 	snop  }
__scs_overlays_trampoline_lowered:
0x8: {  	[smem:$0x3FAD] =	sst s0  }
0x9: {  	[smem:$0x3FAE] =	sst s1  }
0xa: {  	[smem:$0x3FAF] =	sst s2  }
0xb: {  	[smem:$0x3FB0] =	sst s3  }
0xc: {  	[smem:$0x3FB1] =	sst s4  }
0xd: {  	[smem:$0x3FB2] =	sst s5  }
0xe: {  	[smem:$0x3FB3] =	sst s6  }
0xf: {  	[smem:$0x3FB4] =	sst s7  }
0x10: {  	[smem:$0x3FB5] =	sst s8  }
0x11: {  	[smem:$0x3FB6] =	sst s9;
	s0 =	simm.s32 @!p0 $0x0  }
0x12: {  	s1 =	sld [smem:$0x3F9C];
	s0 =	simm.s32 @p0 $0x1  }
0x13: {  	[smem:$0x3FB7] =	sst s0;
	s0 =	simm.s32 @!p1 $0x0  }
0x14: {  	s2 =	sld [smem:$0x3F9B];
	s0 =	simm.s32 @p1 $0x1  }
0x15: {  	[smem:$0x3FB8] =	sst s0;
	s0 =	simm.s32 @!p2 $0x0  }
0x16: {  	s3 =	sld [smem:$0x3FDB];
	s0 =	simm.s32 @p2 $0x1  }
0x17: {  	s4 =	simm.s32 $0x1BF5;
	[smem:$0x3FBA] =	sst s0  }
0x18: {  	s0 =	sld [smem:$0x3F9D];
	_ =	swait.ge [sflag:s4], $0x0  }
0x19: {  	s7 =	sld [smem:$0x3F9E]  }
0x1a: {  	s8 =	sadd.s32 $0xFFFFE003, lr  }
0x1b: {  	s9 =	sadd.s32 $0xFFFFFEF7, lr;
	s5 =	simm.s32 $0xFFFFFFFF;
	p2 =	slt.u32 s8, $0xFFFFF086  }
0x1c: {  	p1 =	slt.u32 s9, $0xF7A;
	s5 =	simm.s32 @!p2 $0x0  }
0x1d: {  	s5 =	simm.s32 @p1 $0x1;
	p0 =	seq.s32 s7, s2  }
0x1e: {  	s7 =	smul.u32 @!p0 $0xF7A, s2;
	p2 =	seq.s32 @!p0 s5, $0x0  }
0x1f: {  	s9 =	smul.u32 $0xF7A, s1;
	s8 =	simm.s32 @!p0 $0x1BF5;
	p2 =	por !p2, p0  }
0x20: {  	[sflag:s8] =	ssyncset.s32 @!p0 $0xFFFFF086;
	s6 =	sadd.s32 @!p0 s3, s7;
	s7 =	simm.s32 @!p0 $0x108  }
0x21: {  	s3 =	sadd.s32 s3, s9;
	s6 =	sadd.s32 @!p0 $0x88, s6;
	s7 =	simm.s32 @p2 $0x1082  }
0x22: {  	[simem:s7], [sflag:s8] =	dma.local @!p0 [hbm:s6], $0xF7A  }
0x23: {  	s9 =	sor.u32 $0xD0000000, s2;
	s6 =	simm.s32 $0x108;
	_ =	swait.ge @!p0 [sflag:s8], $0x0  }
0x24: {  	s3 =	sadd.s32 $0x88, s3;
	s6 =	simm.s32 @!p1 $0x1082;
	[sflag:s4] =	ssyncset.s32 $0xFFFFF086  }
0x25: {  	[simem:s6], [sflag:s4] =	dma.local [hbm:s3], $0xF7A  }
0x26: {  	[smem:$0x3F9E] =	sst s1;
	(tag) =	ssettag s2;
	_ =	strace s9  }
0x27: {  	s1 =	sld [smem:$0x3FAE]  }
0x28: {  	s2 =	sld [smem:$0x3FAF]  }
0x29: {  	s4 =	sld [smem:$0x3FB1]  }
0x2a: {  	p0 =	seq.s32 s5, $0x0;
	s5 =	sld [smem:$0x3FB2]  }
0x2b: {  	s6 =	sld [smem:$0x3FB3]  }
0x2c: {  	s7 =	sld [smem:$0x3FB4]  }
0x2d: {  	s3 =	simm.s32 $0x108;
	s8 =	sld [smem:$0x3FB5]  }
0x2e: {  	s3 =	simm.s32 @!p0 $0x1082;
	s9 =	sld [smem:$0x3FB6]  }
0x2f: {  	lr =	sadd.s32 s0, s3;
	s0 =	sld [smem:$0x3FAD]  }
0x30: {  	s3 =	sld [smem:$0x3FB0]  }
0x31: {  	[smem:$0x3FB9] =	sst s10  }
0x32: {  	s10 =	sld [smem:$0x3FB7];
	_ =	sdelay $0x3  }
0x33: {  	p0 =	seq.s32 s10, $0x1;
	s10 =	sld [smem:$0x3FB9];
	_ =	sdelay $0x3  }
0x34: {  	[smem:$0x3FB9] =	sst s10  }
0x35: {  	s10 =	sld [smem:$0x3FB8];
	_ =	sdelay $0x3  }
0x36: {  	p1 =	seq.s32 s10, $0x1;
	s10 =	sld [smem:$0x3FB9];
	_ =	sdelay $0x3  }
0x37: {  	[smem:$0x3FB9] =	sst s10  }
0x38: {  	s10 =	sld [smem:$0x3FBA]  }
0x39: {  	_ = 	snop;
	(pc) =	sbr.ind lr, $3  }
0x3a: {  	_ = 	snop  }
0x3b: {  	_ = 	snop  }
0x3c: {  	p2 =	seq.s32 s10, $0x1;
	s10 =	sld [smem:$0x3FB9]  }
0x3d: {  	_ =	shalt  }
0x3e: {  	_ =	shalt  }
0x3f: {  	_ =	shalt  }
0x40: {  	_ =	shalt  }
0x41: {  	_ =	shalt  }
0x42: {  	_ =	shalt  }
0x43: {  	_ =	shalt  }
0x44: {  	_ =	shalt  }
0x45: {  	_ =	shalt  }
0x46: {  	_ =	shalt  }
0x47: {  	_ =	shalt  }
0x48: {  	_ =	shalt  }
0x49: {  	_ =	shalt  }
0x4a: {  	_ =	shalt  }
0x4b: {  	_ =	shalt  }
0x4c: {  	_ =	shalt  }
0x4d: {  	_ =	shalt  }
0x4e: {  	_ =	shalt  }
0x4f: {  	_ =	shalt  }
0x50: {  	_ =	shalt  }
0x51: {  	_ =	shalt  }
0x52: {  	_ =	shalt  }
0x53: {  	_ =	shalt  }
0x54: {  	_ =	shalt  }
0x55: {  	_ =	shalt  }
0x56: {  	_ =	shalt  }
0x57: {  	_ =	shalt  }
0x58: {  	_ =	shalt  }
0x59: {  	_ =	shalt  }
0x5a: {  	_ =	shalt  }
0x5b: {  	_ =	shalt  }
0x5c: {  	_ =	shalt  }
0x5d: {  	_ =	shalt  }
0x5e: {  	_ =	shalt  }
0x5f: {  	_ =	shalt  }
0x60: {  	_ =	shalt  }
0x61: {  	_ =	shalt  }
0x62: {  	_ =	shalt  }
0x63: {  	_ =	shalt  }
0x64: {  	_ =	shalt  }
0x65: {  	_ =	shalt  }
0x66: {  	_ =	shalt  }
0x67: {  	_ =	shalt  }
0x68: {  	_ =	shalt  }
0x69: {  	_ =	shalt  }
0x6a: {  	_ =	shalt  }
0x6b: {  	_ =	shalt  }
0x6c: {  	_ =	shalt  }
0x6d: {  	_ =	shalt  }
0x6e: {  	_ =	shalt  }
0x6f: {  	_ =	shalt  }
0x70: {  	_ =	shalt  }
0x71: {  	_ =	shalt  }
0x72: {  	_ =	shalt  }
0x73: {  	_ =	shalt  }
0x74: {  	_ =	shalt  }
0x75: {  	_ =	shalt  }
0x76: {  	_ =	shalt  }
0x77: {  	_ =	shalt  }
0x78: {  	_ =	shalt  }
0x79: {  	_ =	shalt  }
0x7a: {  	_ =	shalt  }
0x7b: {  	_ =	shalt  }
0x7c: {  	_ =	shalt  }
0x7d: {  	_ =	shalt  }
0x7e: {  	_ =	shalt  }
0x7f: {  	_ =	shalt  }
0x80: {  	_ =	shalt  }
0x81: {  	_ =	shalt  }
0x82: {  	_ =	shalt  }
0x83: {  	_ =	shalt  }
0x84: {  	_ =	shalt  }
0x85: {  	_ =	shalt  }
0x86: {  	_ =	shalt  }
0x87: {  	_ =	shalt  }
.Lfunc_end0:
.L_simem_size_0:
called_computation_lowered:
.L_overlay_start_0:
0x88: {  	s2 =	sld [smem:$0x3FD9]  }
0x89: {  	s3 =	sld [smem:$0x3FFE];
	_ =	sdelay $0x1  }
0x8a: {  	s1 =	srdreg.scid  }
0x8b: {  	s0 =	sand.u32 $0x1, s1  }
0x8c: {  	s14 =	sshll.u32 s0, $0xA;
	s2 =	sadd.s32 s3, s2  }
0x8d: {  	s2 =	sadd.s32 s2, s14  }
0x8e: {  	[smem:$0x3FC5] =	sst s2  }
0x8f: {  	_ = 	snop  }
0x90: {  	s2 =	sld [smem:$0x3FD0];
	_ =	sdelay $0x2  }
0x91: {  	s15 =	simm.s32 $0xA;
	s4 =	simm.s32 $0x10  }
0x92: {  	[smem:s4], [sflag:s15] =	dma.local [hbm:s2], $0x1  }
0x93: {  	_ =	swait.eq [sflag:s15], $0x1  }
0x94: {  	[sflag:s15] =	ssyncset.done $0x0  }
0x95: {  	[sflag:s15] =	ssyncadd.s32 $0xFFFFFFFF  }
0x96: {  	s16 =	sld [smem:$0x11];
	(tm) =	ssettm $0x1  }
0x97: {  	s17 =	sld [smem:$0x3FFB];
	_ =	sdelay $0x3  }
0x98: {  	_ =	strace s17  }
0x99: {  	s3 =	sld [smem:$0x3FFC];
	_ =	sdelay $0x3  }
0x9a: {  	_ =	strace s3  }
0x9b: {  	s3 =	sld [smem:$0x3FFD];
	_ =	sdelay $0x3  }
0x9c: {  	_ =	strace s3  }
0x9d: {  	_ =	strace $0x8FFFFFFF  }
0x9e: {  	s18 =	sld [smem:$0x3FDB];
	_ =	sdelay $0x1  }
0x9f: {  	s19 =	simm.s32 $_scs_section_size  }
0xa0: {  	s5 =	simm.s32 $_size__tile_overlayer_lowered;
	s6 =	simm.s32 $_tile_overlayer_lowered  }
0xa1: {  	s22 =	simm.s32 $0x1BFF;
	s21 =	sshll.u32 s6, $0x1;
	s3 =	sadd.s32 s19, s18  }
0xa2: {  	s7 =	simm.s32 $0x0;
	s20 =	sshll.u32 s5, $0x1;
	s5 =	sadd.s32 s21, s3  }
0xa3: {  	[timem:s7], [sflag:s22] =	dma.local [hbm:s5], s20  }
0xa4: {  	_ =	swait.ge [sflag:s22], s20  }
0xa5: {  	s4 =	ssub.s32 $0x0, s20;
	[sflag:s22] =	ssyncset.done $0x0  }
0xa6: {  	[sflag:s22] =	ssyncadd.s32 s4;
	_ =	sdelay $0x1  }
0xa7: {  	s23 =	simm.s32 $0x1B8B  }
0xa8: {  	_ =	swait.ge [sflag:s23], $0x1  }
0xa9: {  	[sflag:s23] =	ssyncset.done $0x0  }
0xaa: {  	s25 =	simm.s32 $0x1B8E;
	s24 =	sld [smem:$0x3FFE];
	[sflag:s23] =	ssyncadd.s32 $0xFFFFFFFF  }
0xab: {  	s26 =	simm.s32 $execute0_lowered;
	[smem:$0x3FD2] =	sst s25  }
0xac: {  	s5 =	sshll.u32 s26, $0x1;
	_ =	strace $0x80000046;
	[dreg:$0x1] =	wrdreg $0xFFFFFFFF  }
0xad: {  	s28 =	simm.s32 $_size_execute0_lowered;
	s3 =	sadd.s32 s3, s5;
	[dreg:$0x0] =	wrdreg $0x0  }
0xae: {  	s5 =	sshll.u32 s28, $0x1;
	[dreg:$0x2] =	wrdreg s3  }
0xaf: {  	[dreg:$0x3] =	wrdreg s5  }
0xb0: {  	[dreg:$0x4] =	wrdreg $0xC0  }
0xb1: {  	_ =	task [dreg:s7], $0x5FFFF  }
0xb2: {  	[dreg:$0x1] =	wrdreg $0xFFFFFFFF  }
0xb3: {  	[dreg:$0x0] =	wrdreg $0x60  }
0xb4: {  	[dreg:$0x2] =	wrdreg s24  }
0xb5: {  	[dreg:$0x3] =	wrdreg s16  }
0xb6: {  	[dreg:$0x4] =	wrdreg $0x9  }
0xb7: {  	_ =	task.clear_ibuf [dreg:s7], $0x5FFFF;
	_ =	strace $0x90000046  }
0xb8: {  	s29 =	simm.s32 $0x9;
	_ =	strace $0x80000048  }
0xb9: {  	_ =	swait.ge [sflag:s29], $0x1  }
0xba: {  	[sflag:s29] =	ssyncadd.s32 $0xFFFFFFFF  }
0xbb: {  	_ =	strace $0x90000048  }
0xbc: {  	_ =	sfence  }
0xbd: {  	s30 =	sld [smem:$0x0];
	_ =	sdelay $0x2  }
0xbe: {  	s31 =	sshll.u32 s1, $0xD;
	s1 =	sshrl.u32 s1, $0x2  }
0xbf: {  	s3 =	sand.u32 $0x4000, s31;
	s1 =	sadd.s32 s1, s30  }
0xc0: {  	s0 =	sor.u32 s3, s0;
	s1 =	sshll.u32 s1, $0x11  }
0xc1: {  	s0 =	sor.u32 s1, s0  }
0xc2: {  	s0 =	sadd.s32 $0x8F2B, s0  }
0xc3: {  	[sflag:s0] =	ssyncadd.remote.s32 $0x1  }
0xc4: {  	_ =	sfence.sel $0xFFFF  }
0xc5: {  	[dreg:$0x0] =	wrdreg $0xFFFFFFFF;
	(pc) =	sbr.abs _section_cstart, $3  }
0xc6: {  	[dreg:$0x1] =	wrdreg $0xFFFFFFFF  }
0xc7: {  	_ =	task.clear_ibuf [dreg:s7], $0x2FFFF;
	_ =	strace $0x9FFFFFFF  }
0xc8: {  	(tm) =	ssettm $0x7FFFFFFF  }
0xc9: {  	_ =	shalt  }
tec
execute0_lowered:
.L_overlay_start_1:
0x0: {  	(tag) =	ssettag $0x1  }
0x1: {  	v0 =	vimm.s32 $0xEFCDAB89;
	v1 =	vimm.s32 $0x67452301;
	v2 =	vimm.s32 $0xDCFE98BA  }
0x2: {  	v3 =	vimm.s32 $0x54761032;
	v4 =	vimm.s32 $0xBA98FEDC;
	v5 =	vimm.s32 $0x32107654  }
0x3: {  	vm2 =	vmmov $0x3;
	vm1 =	vmmov $0xff;
	v7 =	vimm.s32 $0x10765432  }
0x4: {  	vm0 =	vmmov $0x7f;
	v9 =	vimm.s32 $0x0;
	v10 =	vimm.s32 $0x43210765  }
0x5: {  	v11 =	vimm.s32 $0x0;
	v12 =	vimm.s32 $0x65432107;
	v13 =	vimm.s32 $0xFEDCBA98  }
0x6: {  	v14 =	vimm.s32 $0x76543210;
	vm9 =	vmmov $0x1;
	vm7 =	vcmask $0x3F10  }
0x7: {  	vm14 =	vcmask $0x1F10;
	vm5 =	vcmask $0x3F0C;
	vm10 =	vcmask $0x1F0C  }
0x8: {  	v22 =	vimm.s32 $0x0;
	vm8 =	vcmask $0xF08;
	v0 =	vunpack.c.l.s4.s8 v0  }
0x9: {  	v1 =	vunpack.c.l.s4.s8 v1;
	v2 =	vunpack.c.l.s4.s8 v2;
	v3 =	vunpack.c.l.s4.s8 v3  }
0xa: {  	v8 =	vunpack.c.l.s4.s8 v7;
	v7 =	vimm.s32 $0x21076543;
	v9 =	vsel vm0, $0xFFFFFFFF, v9  }
0xb: {  	v10 =	vunpack.c.l.s4.s8 v10;
	vm0 =	vmmov $0x3f;
	v12 =	vunpack.c.l.s4.s8 v12  }
0xc: {  	v15 =	vunpack.c.l.s4.s8 v13;
	v13 =	vimm.s32 $0x0;
	v16 =	vunpack.c.l.s4.s8 v14  }
0xd: {  	v22 =	vsel vm1, $0xFFFFFFFF, v22;
	[tilespmem:$0x1FFA0] =	vst v9;
	v9 =	vunpack.c.l.s4.s8 v7;
	v7 =	vimm.f32 $0.0e+00  }
0xe: {  	v11 =	vsel vm0, $0xFFFFFFFF, v11;
	vm0 =	vmmov $0x1f;
	v6 =	vunpack.c.0.s8.s32 v0  }
0xf: {  	v0 =	vunpack.c.l.s4.s8 v4;
	v4 =	vunpack.c.l.s4.s8 v5;
	v1 =	vunpack.c.0.s8.s32 v1  }
0x10: {  	v2 =	vunpack.c.0.s8.s32 v2;
	v3 =	vunpack.c.0.s8.s32 v3;
	v8 =	vunpack.c.0.s8.s32 v8  }
0x11: {  	[tilespmem:$0x1FFB0] =	vst v11;
	v11 =	vimm.s32 $0x0;
	v10 =	vunpack.c.0.s8.s32 v10;
	v12 =	vunpack.c.0.s8.s32 v12  }
0x12: {  	v17 =	vunpack.c.0.s8.s32 v15;
	v18 =	vunpack.c.0.s8.s32 v16;
	v9 =	vunpack.c.0.s8.s32 v9  }
0x13: {  	s3 =	rddreg [dreg:$0x0];
	v11 =	vsel vm0, $0xFFFFFFFF, v11;
	vm0 =	vmmov $0xf;
	v5 =	vunpack.c.0.s8.s32 v0  }
0x14: {  	s4 =	rddreg [dreg:$0x1];
	v0 =	vunpack.c.0.s8.s32 v4;
	v4 =	vcombine.low v1, v6;
	v3 =	vcombine.low v3, v2  }
0x15: {  	s0 =	rddreg [dreg:$0x2];
	v1 =	vlaneseq.u32;
	[tilespmem:$0x1FFC0] =	vst v11;
	v11 =	vimm.s32 $0x0;
	v17 =	vand.u32 $0xF, v17  }
0x16: {  	s2 =	simm.s32 $0x0;
	s5 =	srdreg.scid;
	s1 =	stileid.u32;
	v6 =	vand.u32 $0x1, v1;
	v11 =	vsel vm0, $0xFFFFFFFF, v11;
	vm0 =	vmmov $0x7  }
0x17: {  	s10 =	simm.s32 $0x4880;
	s5 =	sand.u32 $0x1, s5;
	s6 =	sshll.u32 s1, $0x1;
	v17 =	vcombine.low v17, v18;
	v18 =	vor.u32 $0x10, v1;
	v19 =	vor.u32 $0x30, v1  }
0x18: {  	s11 =	simm.s32 $0x0;
	[smem:$0x7FF] =	sst s2;
	s6 =	sor.u32 s5, s6;
	v20 =	vor.u32 $0x20, v1;
	v21 =	vand.u32 $0x7, v1;
	v5 =	vcombine.low v0, v5  }
0x19: {  	s5 =	ssub.s32 $0x2, s5;
	s7 =	sshll.u32 s6, $0xB;
	s6 =	sshll.u32 s6, $0x8;
	v2 =	vand.u32 $0xF, v4;
	[tilespmem:$0x1FFD0] =	vst v11;
	v11 =	vimm.s32 $0x54321076;
	v13 =	vsel vm0, $0xFFFFFFFF, v13  }
0x1a: {  	s8 =	sshrl.u32 s5, $0x1;
	s7 =	sadd.s32 s7, s3;
	s9 =	sadd.s32 s6, s3;
	v4 =	vand.u32 $0xF, v5;
	v5 =	vmul.u32 $0x8, v6;
	v6 =	vimm.s32 $0x7654321  }
0x1b: {  	s8 =	ssub.s32 s5, s8;
	s4 =	sadd.s32 s4, s6;
	s3 =	sadd.s32 $0xE00, s7;
	v11 =	vunpack.c.l.s4.s8 v11;
	[tilespmem:$0x1FFE0] =	vst v13;
	v13 =	vshrl.u32 v1, $0x3;
	v6 =	vunpack.c.l.s4.s8 v6  }
0x1c: {  	s5 =	sadd.s32 $0x10E00, s9;
	s6 =	smax.u32 s8, $0x1;
	s7 =	simm.s32 $0x1;
	v3 =	vand.u32 $0xF, v3;
	v14 =	vor.u32 $0x2, v13;
	v15 =	vor.u32 $0x4, v13  }
0x1d: {  	s8 =	simm.s32 $0x4000;
	s9 =	simm.s32 $0x2;
	v16 =	vor.u32 $0x6, v13;
	_ =	strace $0x80000047;
	[tilespmem:$0x1FFF0] =	vst v22;
	v11 =	vunpack.c.0.s8.s32 v11;
	v6 =	vunpack.c.0.s8.s32 v6  }
.LBB2_1:
0x1e: {  	[tilespmem:s2], [sflag:$0x1] =	stream.linear.gather [hbm4b:s3+s2], $0x4000, $0x38;
	[tilespmem:$0x5100] =	vst v63  }
0x1f: {  	_ =	swait.ge [sflag:s7], $0x4000  }
0x20: {  	[sflag:s7] =	ssyncset.done $0x0  }
0x21: {  	s12 =	simm.s32 $0x40;
	s13 =	simm.s32 $0x0;
	[sflag:s7] =	ssyncadd.s32 $0xFFFFC000  }
.LBB2_2:
0x22: {  	v24 =	vld [tilespmem:s12+$0xFFFFFFC0]  }
0x23: {  	v22 =	vld [tilespmem:s12+$0xFFFFFFE0]  }
0x24: {  	v23 =	vld [tilespmem:s12+$0xFFFFFFF0]  }
0x25: {  	v25 =	vld [tilespmem:s12+$0xFFFFFFD0];
	_ =	sdelay $0x2  }
0x26: {  	v26 =	vperm.xlane v24, v2  }
0x27: {  	v27 =	vperm.xlane v22, v2;
	v28 =	vperm.xlane v23, v2  }
0x28: {  	v29 =	vperm.xlane v25, v2;
	v26 =	vmax.f32 v24, v26  }
0x29: {  	v27 =	vmax.f32 v22, v27;
	v28 =	vmax.f32 v23, v28;
	v30 =	vperm.xlane v26, v3  }
0x2a: {  	v29 =	vmax.f32 v25, v29;
	v31 =	vperm.xlane v27, v3;
	v32 =	vperm.xlane v28, v3  }
0x2b: {  	v56 =	vperm.xlane v29, v3  }
0x2c: {  	v26 =	vmax.f32 v26, v30;
	v27 =	vmax.f32 v27, v31;
	v28 =	vmax.f32 v28, v32  }
0x2d: {  	v29 =	vmax.f32 v29, v56;
	v33 =	vperm.xlane v26, v4;
	v57 =	vperm.xlane v27, v4  }
0x2e: {  	v58 =	vperm.xlane v28, v4;
	v59 =	vperm.xlane v29, v4  }
0x2f: {  	vm12 =	vmmov vm10;
	v26 =	vmax.f32 v26, v33  }
0x30: {  	v27 =	vmax.f32 v27, v57;
	v28 =	vmax.f32 v28, v58;
	v29 =	vmax.f32 v29, v59  }
0x31: {  	vm1 =	veq.f32 v24, v26;
	vm10 =	veq.f32 v22, v27;
	vm11 =	veq.f32 v23, v28  }
0x32: {  	v60 =	vsel vm10, $0xFF800000, v22;
	vm10 =	veq.f32 v25, v29;
	v61 =	vsel vm11, $0xFF800000, v23  }
0x33: {  	v62 =	vsel vm10, $0xFF800000, v25;
	v63 =	vperm.xlane v60, v2;
	v34 =	vperm.xlane v61, v2  }
0x34: {  	v35 =	vsel vm1, $0xFF800000, v24;
	v36 =	vperm.xlane v62, v2  }
0x35: {  	v37 =	vperm.xlane v35, v2;
	v30 =	vmax.f32 v60, v63;
	v31 =	vmax.f32 v61, v34  }
0x36: {  	v32 =	vmax.f32 v62, v36;
	v33 =	vperm.xlane v30, v3;
	v34 =	vperm.xlane v31, v3  }
0x37: {  	v35 =	vmax.f32 v35, v37;
	v36 =	vperm.xlane v32, v3  }
0x38: {  	v37 =	vperm.xlane v35, v3;
	v30 =	vmax.f32 v30, v33;
	v31 =	vmax.f32 v31, v34  }
0x39: {  	v32 =	vmax.f32 v32, v36;
	v33 =	vperm.xlane v30, v4;
	v34 =	vperm.xlane v31, v4  }
0x3a: {  	v35 =	vmax.f32 v35, v37;
	v36 =	vperm.xlane v32, v4  }
0x3b: {  	v37 =	vperm.xlane v35, v4;
	v30 =	vmax.f32 v30, v33;
	v31 =	vmax.f32 v31, v34  }
0x3c: {  	v32 =	vmax.f32 v32, v36;
	v27 =	vadd.f32 v30, v27;
	v28 =	vadd.f32 v31, v28  }
0x3d: {  	v34 =	vmax.f32 v35, v37;
	v35 =	vld [tilespmem:$0x1FFF0];
	v29 =	vadd.f32 v32, v29  }
0x3e: {  	v38 =	vld [tilespmem:$0x1FFB0];
	v26 =	vadd.f32 v34, v26;
	v27 =	vperm.xlane v27, v5;
	v28 =	vperm.xlane v28, v5  }
0x3f: {  	vm0 =	vcmask $0x1710;
	v47 =	vld [tilespmem:$0x1FFD0];
	v29 =	vperm.xlane v29, v5  }
0x40: {  	v49 =	vld [tilespmem:$0x1FFE0];
	v26 =	vperm.xlane v26, v5;
	v27 =	vsel vm0, v27, v28  }
0x41: {  	vm15 =	vmmov vm7;
	v37 =	vld [tilespmem:$0x1FFA0];
	v27 =	vsel vm8, v29, v27  }
0x42: {  	vm13 =	vmmov vm5;
	v44 =	vld [tilespmem:$0x1FFC0];
	vm1 =	vnez.u8 v35;
	v26 =	vsel vm2, v26, v27  }
0x43: {  	vm3 =	vmmov vm2;
	vm6 =	vmmov vm9;
	v28 =	vld [tilespmem:s12+$0x30];
	v30 =	vnsel vm1, $0xFF800000, v26  }
0x44: {  	vm7 =	vnez.u8 v38;
	vm4 =	vnez.u8 v47;
	v29 =	vld [tilespmem:s12+$0x0];
	v26 =	vperm.xlane v30, v6  }
0x45: {  	vm5 =	vnez.u8 v49;
	v27 =	vld [tilespmem:s12+$0x20];
	v36 =	vperm.xlane v30, v8;
	v39 =	vperm.xlane v30, v9  }
0x46: {  	vm9 =	vnez.u8 v37;
	v42 =	vperm.xlane v30, v0;
	v45 =	vperm.xlane v30, v10  }
0x47: {  	vm2 =	vnez.u8 v44;
	v38 =	vperm.xlane v30, v11;
	v47 =	vperm.xlane v30, v12  }
0x48: {  	v53 =	vperm.xlane v28, v2;
	vm1 =	veq.f32 v26, v30;
	vm10 =	vgt.f32 v26, v30  }
0x49: {  	vm11 =	vgt.f32 v36, v30;
	v26 =	vld [tilespmem:s12+$0x10];
	v54 =	vperm.xlane v29, v2;
	vm1 =	vmand vm1, vm9  }
0x4a: {  	v52 =	vperm.xlane v27, v2;
	vm1 =	vmor vm10, vm1;
	vm10 =	veq.f32 v36, v30  }
0x4b: {  	v32 =	vmax.f32 v28, v53;
	v35 =	vmax.f32 v29, v54;
	vm10 =	vmand vm10, vm7  }
0x4c: {  	v40 =	vsel vm1, $0x3F800000, v7;
	v34 =	vmax.f32 v27, v52;
	vm1 =	vmor vm11, vm10  }
0x4d: {  	vm10 =	vgt.f32 v39, v30;
	v56 =	vperm.xlane v34, v3;
	v41 =	vsel vm1, $0x3F800000, v7  }
0x4e: {  	vm1 =	veq.f32 v39, v30;
	v51 =	vperm.xlane v26, v2;
	v39 =	vperm.xlane v32, v3  }
0x4f: {  	v43 =	vadd.f32 v41, v40;
	vm1 =	vmand vm1, vm2;
	v40 =	vperm.xlane v35, v3  }
0x50: {  	v34 =	vmax.f32 v34, v56;
	vm1 =	vmor vm10, vm1;
	vm10 =	veq.f32 v42, v30  }
0x51: {  	v33 =	vmax.f32 v26, v51;
	v37 =	vperm.xlane v34, v4;
	v32 =	vmax.f32 v32, v39  }
0x52: {  	v46 =	vsel vm1, $0x3F800000, v7;
	vm1 =	vgt.f32 v42, v30;
	vm10 =	vmand vm10, vm4  }
0x53: {  	v55 =	vperm.xlane v33, v3;
	v35 =	vmax.f32 v35, v40;
	v39 =	vperm.xlane v32, v4  }
0x54: {  	v31 =	vadd.f32 v43, v46;
	vm1 =	vmor vm1, vm10;
	vm10 =	veq.f32 v45, v30  }
0x55: {  	v40 =	vperm.xlane v35, v4;
	v34 =	vmax.f32 v34, v37;
	v33 =	vmax.f32 v33, v55  }
0x56: {  	v48 =	vsel vm1, $0x3F800000, v7;
	vm1 =	vgt.f32 v45, v30;
	v36 =	vperm.xlane v33, v4  }
0x57: {  	vm10 =	vmand vm10, vm5;
	vm11 =	veq.f32 v27, v34;
	v32 =	vmax.f32 v32, v39  }
0x58: {  	v31 =	vadd.f32 v31, v48;
	vm1 =	vmor vm1, vm10;
	v33 =	vmax.f32 v33, v36  }
0x59: {  	v58 =	vsel vm11, $0xFF800000, v27;
	vm11 =	veq.f32 v38, v30;
	vm10 =	veq.f32 v26, v33  }
0x5a: {  	v35 =	vmax.f32 v35, v40;
	v57 =	vsel vm10, $0xFF800000, v26;
	vm10 =	veq.f32 v28, v32  }
0x5b: {  	v50 =	vsel vm1, $0x3F800000, v7;
	vm1 =	vgt.f32 v38, v30;
	v59 =	vsel vm10, $0xFF800000, v28  }
0x5c: {  	v60 =	vperm.xlane v58, v2;
	vm10 =	veq.f32 v29, v35;
	v61 =	vperm.xlane v59, v2  }
0x5d: {  	vm11 =	vmand vm11, vm3;
	v42 =	vperm.xlane v57, v2;
	v41 =	vsel vm10, $0xFF800000, v29  }
0x5e: {  	v37 =	vmax.f32 v58, v60;
	v43 =	vperm.xlane v41, v2;
	v38 =	vmax.f32 v59, v61  }
0x5f: {  	v39 =	vperm.xlane v37, v3;
	v36 =	vmax.f32 v57, v42;
	v40 =	vperm.xlane v38, v3  }
0x60: {  	v31 =	vadd.f32 v31, v50;
	v42 =	vperm.xlane v36, v3;
	v41 =	vmax.f32 v41, v43  }
0x61: {  	v37 =	vmax.f32 v37, v39;
	v43 =	vperm.xlane v41, v3;
	v38 =	vmax.f32 v38, v40  }
0x62: {  	v39 =	vperm.xlane v37, v4;
	v36 =	vmax.f32 v36, v42;
	v40 =	vperm.xlane v38, v4  }
0x63: {  	vm1 =	vmor vm1, vm11;
	v63 =	vperm.xlane v36, v4;
	v41 =	vmax.f32 v41, v43  }
0x64: {  	v37 =	vmax.f32 v37, v39;
	v44 =	vperm.xlane v41, v4;
	v38 =	vmax.f32 v38, v40  }
0x65: {  	v34 =	vadd.f32 v37, v34;
	v36 =	vmax.f32 v36, v63;
	v32 =	vadd.f32 v38, v32  }
0x66: {  	v52 =	vld [tilespmem:$0x1FFF0];
	v62 =	vsel vm1, $0x3F800000, v7;
	v33 =	vadd.f32 v36, v33;
	v48 =	vmax.f32 v41, v44  }
0x67: {  	v34 =	vperm.xlane v34, v5;
	v35 =	vadd.f32 v48, v35;
	v32 =	vperm.xlane v32, v5  }
0x68: {  	vm1 =	vgt.f32 v47, v30;
	vm10 =	veq.f32 v47, v30;
	v49 =	vperm.xlane v33, v5  }
0x69: {  	vm10 =	vmand vm10, vm6;
	v50 =	vperm.xlane v35, v5;
	v32 =	vsel vm0, v34, v32  }
0x6a: {  	v31 =	vadd.f32 v31, v62;
	vm1 =	vmor vm1, vm10;
	v30 =	vsel vm8, v49, v32  }
0x6b: {  	v51 =	vsel vm1, $0x3F800000, v7;
	vm0 =	vnez.u8 v52;
	v30 =	vsel vm3, v50, v30  }
0x6c: {  	v31 =	vadd.f32 v31, v51;
	v30 =	vnsel vm0, $0xFF800000, v30  }
0x6d: {  	v53 =	vperm.xlane v30, v6  }
0x6e: {  	vm1 =	vlt.f32 v31, $4.000000000e+00;
	v54 =	vperm.xlane v30, v8  }
0x6f: {  	v55 =	vsel vm1, $0x3F800000, v7;
	v56 =	vperm.xlane v30, v9;
	vm10 =	veq.f32 v53, v30  }
0x70: {  	vm1 =	vgt.f32 v53, v30;
	vm11 =	veq.f32 v54, v30;
	vm10 =	vmand vm10, vm9  }
0x71: {  	vm11 =	vmand vm11, vm7;
	vm1 =	vmor vm1, vm10;
	vm10 =	vgt.f32 v54, v30  }
0x72: {  	v57 =	vsel vm1, $0x3F800000, v7;
	vm1 =	vmor vm10, vm11;
	vm10 =	veq.f32 v56, v30  }
0x73: {  	v58 =	vperm.xlane v30, v0;
	vm11 =	vgt.f32 v56, v30;
	vm10 =	vmand vm10, vm2  }
0x74: {  	v60 =	vsel vm1, $0x3F800000, v7;
	vm1 =	vmor vm11, vm10  }
0x75: {  	v62 =	vperm.xlane v30, v10;
	v61 =	vsel vm1, $0x3F800000, v7;
	vm1 =	veq.f32 v58, v30  }
0x76: {  	v31 =	vadd.f32 v60, v57;
	vm10 =	vgt.f32 v58, v30;
	vm1 =	vmand vm1, vm4  }
0x77: {  	v59 =	vperm.xlane v55, v13;
	v41 =	vperm.xlane v30, v11;
	vm1 =	vmor vm10, vm1  }
0x78: {  	v31 =	vadd.f32 v31, v61;
	v40 =	vsel vm1, $0x3F800000, v7;
	vm1 =	veq.f32 v62, v30  }
0x79: {  	v42 =	vperm.xlane v30, v12;
	vm10 =	vgt.f32 v62, v30;
	vm1 =	vmand vm1, vm5  }
0x7a: {  	v31 =	vadd.f32 v31, v40;
	vm1 =	vmor vm10, vm1;
	vm10 =	veq.f32 v41, v30  }
0x7b: {  	v43 =	vsel vm1, $0x3F800000, v7;
	vm1 =	vgt.f32 v41, v30;
	vm10 =	vmand vm10, vm3  }
0x7c: {  	v31 =	vadd.f32 v31, v43;
	vm1 =	vmor vm1, vm10;
	vm10 =	veq.f32 v42, v30  }
0x7d: {  	v44 =	vsel vm1, $0x3F800000, v7;
	vm1 =	vgt.f32 v42, v30;
	vm10 =	vmand vm10, vm6  }
0x7e: {  	v63 =	vperm.xlane v55, v14;
	v45 =	vadd.f32 v31, v44;
	vm1 =	vmor vm1, vm10  }
0x7f: {  	v47 =	vperm.xlane v55, v15;
	v33 =	vperm.xlane v55, v16;
	v46 =	vsel vm1, $0x3F800000, v7  }
0x80: {  	vm11 =	vgt.f32 v63, $5.000000000e-01;
	vm10 =	vgt.f32 v59, $5.000000000e-01;
	v30 =	vadd.f32 v45, v46  }
0x81: {  	v49 =	vnsel vm11, $0xFF800000, v25;
	v48 =	vnsel vm10, $0xFF800000, v24  }
0x82: {  	vm1 =	vgt.f32 v47, $5.000000000e-01;
	vm10 =	vgt.f32 v33, $5.000000000e-01;
	vm11 =	vlt.f32 v30, $4.000000000e+00  }
0x83: {  	v50 =	vnsel vm1, $0xFF800000, v22;
	v23 =	vnsel vm10, $0xFF800000, v23;
	v22 =	vsel vm11, $0x3F800000, v7  }
0x84: {  	v24 =	vmax.f32 v48, v49;
	v51 =	vmax.f32 v50, v23;
	v52 =	vperm.xlane v22, v13  }
0x85: {  	v24 =	vmax.f32 v24, v51;
	v53 =	vperm.xlane v22, v14  }
0x86: {  	v54 =	vperm.xlane v22, v15;
	v22 =	vperm.xlane v22, v16;
	vm1 =	vgt.f32 v52, $5.000000000e-01  }
0x87: {  	v55 =	vperm.xlane v24, v2;
	v29 =	vnsel vm1, $0xFF800000, v29;
	vm1 =	vgt.f32 v53, $5.000000000e-01  }
0x88: {  	vm10 =	vgt.f32 v22, $5.000000000e-01;
	v26 =	vnsel vm1, $0xFF800000, v26;
	vm1 =	vgt.f32 v54, $5.000000000e-01  }
0x89: {  	v22 =	vmax.f32 v24, v55;
	v28 =	vnsel vm10, $0xFF800000, v28;
	v27 =	vnsel vm1, $0xFF800000, v27  }
0x8a: {  	v24 =	vperm.xlane v22, v3;
	v56 =	vmax.f32 v29, v26;
	v57 =	vmax.f32 v27, v28  }
0x8b: {  	v25 =	vmax.f32 v56, v57  }
0x8c: {  	v22 =	vmax.f32 v22, v24;
	v58 =	vperm.xlane v25, v2  }
0x8d: {  	v59 =	vperm.xlane v22, v4  }
0x8e: {  	v24 =	vmax.f32 v25, v58  }
0x8f: {  	v22 =	vmax.f32 v22, v59;
	v25 =	vperm.xlane v24, v3  }
0x90: {  	v32 =	vperm.xlane v22, v17  }
0x91: {  	v25 =	vmax.f32 v24, v25  }
0x92: {  	v24 =	vmax.f32 v22, v32;
	v22 =	vperm.xlane v25, v4  }
0x93: {  	vm1 =	veq.f32 v49, v24  }
0x94: {  	v60 =	vnsel vm1, $0xFFFFFFFF, v18;
	vm1 =	veq.f32 v23, v24;
	v22 =	vmax.f32 v25, v22  }
0x95: {  	v61 =	vnsel vm1, $0xFFFFFFFF, v19;
	vm1 =	vgt.s32 v60, v1;
	v25 =	vperm.xlane v22, v17  }
0x96: {  	vm10 =	veq.f32 v48, v24;
	v62 =	vsel vm1, v60, v1;
	vm1 =	vgt.s32 v61, v20  }
0x97: {  	v63 =	vsel vm1, v61, v20;
	vm1 =	veq.f32 v50, v24;
	v25 =	vmax.f32 v22, v25  }
0x98: {  	v22 =	vsel vm10, v62, v60;
	v39 =	vsel vm1, v63, v61;
	vm1 =	veq.f32 v26, v25  }
0x99: {  	vm10 =	vgt.s32 v22, v39;
	v40 =	vnsel vm1, $0xFFFFFFFF, v18;
	vm1 =	veq.f32 v28, v25  }
0x9a: {  	v22 =	vsel vm10, v22, v39;
	v41 =	vnsel vm1, $0xFFFFFFFF, v19;
	vm1 =	vgt.s32 v40, v1  }
0x9b: {  	v42 =	vperm.xlane v22, v2;
	v43 =	vsel vm1, v40, v1;
	vm1 =	vgt.s32 v41, v20  }
0x9c: {  	vm10 =	veq.f32 v29, v25;
	v44 =	vsel vm1, v41, v20;
	vm1 =	veq.f32 v27, v25  }
0x9d: {  	v33 =	vsel vm10, v43, v40;
	vm10 =	vgt.s32 v22, v42;
	v32 =	vsel vm1, v44, v41  }
0x9e: {  	v22 =	vsel vm10, v22, v42;
	vm1 =	vgt.s32 v33, v32  }
0x9f: {  	v35 =	vperm.xlane v22, v3;
	v32 =	vsel vm1, v33, v32  }
0xa0: {  	v33 =	vperm.xlane v32, v2  }
0xa1: {  	vm1 =	vgt.s32 v22, v35  }
0xa2: {  	v22 =	vsel vm1, v22, v35;
	vm1 =	vgt.s32 v32, v33  }
0xa3: {  	v35 =	vperm.xlane v22, v4;
	v32 =	vsel vm1, v32, v33  }
0xa4: {  	v33 =	vperm.xlane v32, v3  }
0xa5: {  	vm1 =	vgt.s32 v22, v35  }
0xa6: {  	v22 =	vsel vm1, v22, v35;
	vm1 =	vgt.s32 v32, v33  }
0xa7: {  	v35 =	vperm.xlane v22, v17;
	v32 =	vsel vm1, v32, v33  }
0xa8: {  	v33 =	vperm.xlane v32, v4  }
0xa9: {  	vm1 =	vgt.s32 v22, v35  }
0xaa: {  	v22 =	vsel vm1, v22, v35;
	vm1 =	vgt.s32 v32, v33  }
0xab: {  	vm10 =	veq.s32 v22, v1;
	v32 =	vsel vm1, v32, v33  }
0xac: {  	v31 =	vsel vm10, $0xFF800000, v48;
	vm1 =	veq.s32 v22, v18;
	v33 =	vperm.xlane v32, v17  }
0xad: {  	vm10 =	veq.s32 v22, v19;
	v34 =	vsel vm1, $0xFF800000, v49;
	vm1 =	veq.s32 v22, v20  }
0xae: {  	v35 =	vsel vm10, $0xFF800000, v23;
	v30 =	vsel vm1, $0xFF800000, v50;
	vm1 =	vgt.s32 v32, v33  }
0xaf: {  	v45 =	vmax.f32 v31, v34;
	v46 =	vmax.f32 v30, v35;
	v23 =	vsel vm1, v32, v33  }
0xb0: {  	v47 =	vmax.f32 v45, v46;
	vm1 =	veq.s32 v23, v1  }
0xb1: {  	v48 =	vperm.xlane v47, v2;
	v36 =	vsel vm1, $0xFF800000, v29;
	vm1 =	veq.s32 v23, v18  }
0xb2: {  	vm10 =	veq.s32 v23, v19;
	v37 =	vsel vm1, $0xFF800000, v26;
	vm1 =	veq.s32 v23, v20  }
0xb3: {  	v33 =	vsel vm10, $0xFF800000, v28;
	v49 =	vmax.f32 v47, v48;
	v32 =	vsel vm1, $0xFF800000, v27  }
0xb4: {  	v50 =	vperm.xlane v49, v3;
	v51 =	vmax.f32 v36, v37;
	v52 =	vmax.f32 v32, v33  }
0xb5: {  	v28 =	vmax.f32 v51, v52  }
0xb6: {  	v26 =	vmax.f32 v49, v50;
	v53 =	vperm.xlane v28, v2  }
0xb7: {  	v54 =	vperm.xlane v26, v4  }
0xb8: {  	v27 =	vmax.f32 v28, v53  }
0xb9: {  	v26 =	vmax.f32 v26, v54;
	v28 =	vperm.xlane v27, v3  }
0xba: {  	v29 =	vperm.xlane v26, v17  }
0xbb: {  	v27 =	vmax.f32 v27, v28  }
0xbc: {  	v28 =	vmax.f32 v26, v29;
	v55 =	vperm.xlane v27, v4  }
0xbd: {  	vm1 =	veq.f32 v34, v28  }
0xbe: {  	v56 =	vnsel vm1, $0xFFFFFFFF, v18;
	vm1 =	veq.f32 v35, v28;
	v26 =	vmax.f32 v27, v55  }
0xbf: {  	v57 =	vnsel vm1, $0xFFFFFFFF, v19;
	vm1 =	vgt.s32 v56, v1;
	v58 =	vperm.xlane v26, v17  }
0xc0: {  	vm10 =	veq.f32 v31, v28;
	v59 =	vsel vm1, v56, v1;
	vm1 =	vgt.s32 v57, v20  }
0xc1: {  	v60 =	vsel vm1, v57, v20;
	vm1 =	veq.f32 v30, v28;
	v29 =	vmax.f32 v26, v58  }
0xc2: {  	v61 =	vsel vm10, v59, v56;
	v27 =	vsel vm1, v60, v57;
	vm1 =	veq.f32 v37, v29  }
0xc3: {  	vm10 =	vgt.s32 v61, v27;
	v62 =	vnsel vm1, $0xFFFFFFFF, v18;
	vm1 =	veq.f32 v33, v29  }
0xc4: {  	v26 =	vsel vm10, v61, v27;
	v63 =	vnsel vm1, $0xFFFFFFFF, v19;
	vm1 =	vgt.s32 v62, v1  }
0xc5: {  	v44 =	vperm.xlane v26, v2;
	v45 =	vsel vm1, v62, v1;
	vm1 =	vgt.s32 v63, v20  }
0xc6: {  	vm10 =	veq.f32 v36, v29;
	v46 =	vsel vm1, v63, v20;
	vm1 =	veq.f32 v32, v29  }
0xc7: {  	v38 =	vsel vm10, v45, v62;
	vm10 =	vgt.s32 v26, v44;
	v27 =	vsel vm1, v46, v63  }
0xc8: {  	v26 =	vsel vm10, v26, v44;
	vm1 =	vgt.s32 v38, v27  }
0xc9: {  	v39 =	vperm.xlane v26, v3;
	v27 =	vsel vm1, v38, v27  }
0xca: {  	v38 =	vperm.xlane v27, v2  }
0xcb: {  	vm1 =	vgt.s32 v26, v39  }
0xcc: {  	v26 =	vsel vm1, v26, v39;
	vm1 =	vgt.s32 v27, v38  }
0xcd: {  	v39 =	vperm.xlane v26, v4;
	v27 =	vsel vm1, v27, v38  }
0xce: {  	v38 =	vperm.xlane v27, v3  }
0xcf: {  	vm1 =	vgt.s32 v26, v39  }
0xd0: {  	v26 =	vsel vm1, v26, v39;
	vm1 =	vgt.s32 v27, v38  }
0xd1: {  	v39 =	vperm.xlane v26, v17;
	v27 =	vsel vm1, v27, v38  }
0xd2: {  	v38 =	vperm.xlane v27, v4  }
0xd3: {  	vm1 =	vgt.s32 v26, v39  }
0xd4: {  	v26 =	vsel vm1, v26, v39;
	vm1 =	vgt.s32 v27, v38  }
0xd5: {  	vm10 =	veq.s32 v26, v1;
	v27 =	vsel vm1, v27, v38  }
0xd6: {  	v31 =	vsel vm10, $0xFF800000, v31;
	vm1 =	veq.s32 v26, v18;
	v38 =	vperm.xlane v27, v17  }
0xd7: {  	vm10 =	veq.s32 v26, v19;
	v34 =	vsel vm1, $0xFF800000, v34;
	vm1 =	veq.s32 v26, v20  }
0xd8: {  	v35 =	vsel vm10, $0xFF800000, v35;
	v39 =	vsel vm1, $0xFF800000, v30;
	vm1 =	vgt.s32 v27, v38  }
0xd9: {  	v47 =	vmax.f32 v31, v34;
	v48 =	vmax.f32 v39, v35;
	v27 =	vsel vm1, v27, v38  }
0xda: {  	v30 =	vmax.f32 v47, v48;
	vm1 =	veq.s32 v27, v1  }
0xdb: {  	v49 =	vperm.xlane v30, v2;
	v36 =	vsel vm1, $0xFF800000, v36;
	vm1 =	veq.s32 v27, v18  }
0xdc: {  	vm10 =	veq.s32 v27, v19;
	v37 =	vsel vm1, $0xFF800000, v37;
	vm1 =	veq.s32 v27, v20  }
0xdd: {  	v40 =	vsel vm10, $0xFF800000, v33;
	v30 =	vmax.f32 v30, v49;
	v38 =	vsel vm1, $0xFF800000, v32  }
0xde: {  	v50 =	vperm.xlane v30, v3;
	v51 =	vmax.f32 v36, v37;
	v52 =	vmax.f32 v38, v40  }
0xdf: {  	v33 =	vmax.f32 v51, v52  }
0xe0: {  	v30 =	vmax.f32 v30, v50;
	v53 =	vperm.xlane v33, v2  }
0xe1: {  	v54 =	vperm.xlane v30, v4  }
0xe2: {  	v32 =	vmax.f32 v33, v53  }
0xe3: {  	v30 =	vmax.f32 v30, v54;
	v33 =	vperm.xlane v32, v3  }
0xe4: {  	v41 =	vperm.xlane v30, v17  }
0xe5: {  	v33 =	vmax.f32 v32, v33  }
0xe6: {  	v32 =	vmax.f32 v30, v41;
	v55 =	vperm.xlane v33, v4  }
0xe7: {  	vm1 =	veq.f32 v34, v32  }
0xe8: {  	v56 =	vnsel vm1, $0xFFFFFFFF, v18;
	vm1 =	veq.f32 v35, v32;
	v30 =	vmax.f32 v33, v55  }
0xe9: {  	v57 =	vnsel vm1, $0xFFFFFFFF, v19;
	vm1 =	vgt.s32 v56, v1;
	v33 =	vperm.xlane v30, v17  }
0xea: {  	vm10 =	veq.f32 v31, v32;
	v58 =	vsel vm1, v56, v1;
	vm1 =	vgt.s32 v57, v20  }
0xeb: {  	v59 =	vsel vm1, v57, v20;
	vm1 =	veq.f32 v39, v32;
	v33 =	vmax.f32 v30, v33  }
0xec: {  	v60 =	vsel vm10, v58, v56;
	v61 =	vsel vm1, v59, v57;
	vm1 =	veq.f32 v37, v33  }
0xed: {  	vm10 =	vgt.s32 v60, v61;
	v62 =	vnsel vm1, $0xFFFFFFFF, v18;
	vm1 =	veq.f32 v40, v33  }
0xee: {  	v30 =	vsel vm10, v60, v61;
	v63 =	vnsel vm1, $0xFFFFFFFF, v19;
	vm1 =	vgt.s32 v62, v1  }
0xef: {  	v48 =	vperm.xlane v30, v2;
	v49 =	vsel vm1, v62, v1;
	vm1 =	vgt.s32 v63, v20  }
0xf0: {  	vm10 =	veq.f32 v36, v33;
	v45 =	vsel vm1, v63, v20;
	vm1 =	veq.f32 v38, v33  }
0xf1: {  	v42 =	vsel vm10, v49, v62;
	vm10 =	vgt.s32 v30, v48;
	v41 =	vsel vm1, v45, v63  }
0xf2: {  	v30 =	vsel vm10, v30, v48;
	vm1 =	vgt.s32 v42, v41  }
0xf3: {  	v43 =	vperm.xlane v30, v3;
	v41 =	vsel vm1, v42, v41  }
0xf4: {  	v42 =	vperm.xlane v41, v2  }
0xf5: {  	vm1 =	vgt.s32 v30, v43  }
0xf6: {  	v30 =	vsel vm1, v30, v43;
	vm1 =	vgt.s32 v41, v42  }
0xf7: {  	v43 =	vperm.xlane v30, v4;
	v41 =	vsel vm1, v41, v42  }
0xf8: {  	v42 =	vperm.xlane v41, v3  }
0xf9: {  	vm1 =	vgt.s32 v30, v43  }
0xfa: {  	v30 =	vsel vm1, v30, v43;
	vm1 =	vgt.s32 v41, v42  }
0xfb: {  	v43 =	vperm.xlane v30, v17;
	v41 =	vsel vm1, v41, v42  }
0xfc: {  	v42 =	vperm.xlane v41, v4  }
0xfd: {  	vm1 =	vgt.s32 v30, v43  }
0xfe: {  	v30 =	vsel vm1, v30, v43;
	vm1 =	vgt.s32 v41, v42  }
0xff: {  	vm10 =	veq.s32 v30, v1;
	v41 =	vsel vm1, v41, v42  }
0x100: {  	v42 =	vsel vm10, $0xFF800000, v31;
	vm1 =	veq.s32 v30, v18;
	v50 =	vperm.xlane v41, v17  }
0x101: {  	vm10 =	veq.s32 v30, v19;
	v43 =	vsel vm1, $0xFF800000, v34;
	vm1 =	veq.s32 v30, v20  }
0x102: {  	v35 =	vsel vm10, $0xFF800000, v35;
	v39 =	vsel vm1, $0xFF800000, v39;
	vm1 =	vgt.s32 v41, v50  }
0x103: {  	v34 =	vmax.f32 v42, v43;
	v51 =	vmax.f32 v39, v35;
	v31 =	vsel vm1, v41, v50  }
0x104: {  	v34 =	vmax.f32 v34, v51;
	vm1 =	veq.s32 v31, v1  }
0x105: {  	v52 =	vperm.xlane v34, v2;
	v44 =	vsel vm1, $0xFF800000, v36;
	vm1 =	veq.s32 v31, v18  }
0x106: {  	vm10 =	veq.s32 v31, v19;
	v45 =	vsel vm1, $0xFF800000, v37;
	vm1 =	veq.s32 v31, v20  }
0x107: {  	v40 =	vsel vm10, $0xFF800000, v40;
	v34 =	vmax.f32 v34, v52;
	v38 =	vsel vm1, $0xFF800000, v38  }
0x108: {  	v53 =	vperm.xlane v34, v3;
	v37 =	vmax.f32 v44, v45;
	v54 =	vmax.f32 v38, v40  }
0x109: {  	v37 =	vmax.f32 v37, v54  }
0x10a: {  	v34 =	vmax.f32 v34, v53;
	v55 =	vperm.xlane v37, v2  }
0x10b: {  	v56 =	vperm.xlane v34, v4  }
0x10c: {  	v36 =	vmax.f32 v37, v55  }
0x10d: {  	v34 =	vmax.f32 v34, v56;
	v37 =	vperm.xlane v36, v3  }
0x10e: {  	v41 =	vperm.xlane v34, v17  }
0x10f: {  	v37 =	vmax.f32 v36, v37  }
0x110: {  	v36 =	vmax.f32 v34, v41;
	v57 =	vperm.xlane v37, v4  }
0x111: {  	vm1 =	veq.f32 v43, v36  }
0x112: {  	v58 =	vnsel vm1, $0xFFFFFFFF, v18;
	vm1 =	veq.f32 v35, v36;
	v34 =	vmax.f32 v37, v57  }
0x113: {  	v46 =	vnsel vm1, $0xFFFFFFFF, v19;
	vm1 =	vgt.s32 v58, v1;
	v37 =	vperm.xlane v34, v17  }
0x114: {  	vm10 =	veq.f32 v42, v36;
	v47 =	vsel vm1, v58, v1;
	vm1 =	vgt.s32 v46, v20  }
0x115: {  	v48 =	vsel vm1, v46, v20;
	vm1 =	veq.f32 v39, v36;
	v37 =	vmax.f32 v34, v37  }
0x116: {  	v59 =	vsel vm10, v47, v58;
	v60 =	vsel vm1, v48, v46;
	vm1 =	veq.f32 v45, v37  }
0x117: {  	vm10 =	vgt.s32 v59, v60;
	v61 =	vnsel vm1, $0xFFFFFFFF, v18;
	vm1 =	veq.f32 v40, v37  }
0x118: {  	v34 =	vsel vm10, v59, v60;
	v62 =	vnsel vm1, $0xFFFFFFFF, v19;
	vm1 =	vgt.s32 v61, v1  }
0x119: {  	v63 =	vperm.xlane v34, v2;
	v52 =	vsel vm1, v61, v1;
	vm1 =	vgt.s32 v62, v20  }
0x11a: {  	vm10 =	veq.f32 v44, v37;
	v49 =	vsel vm1, v62, v20;
	vm1 =	veq.f32 v38, v37  }
0x11b: {  	v46 =	vsel vm10, v52, v61;
	vm10 =	vgt.s32 v34, v63;
	v41 =	vsel vm1, v49, v62  }
0x11c: {  	v34 =	vsel vm10, v34, v63;
	vm1 =	vgt.s32 v46, v41  }
0x11d: {  	v47 =	vperm.xlane v34, v3;
	v41 =	vsel vm1, v46, v41  }
0x11e: {  	v46 =	vperm.xlane v41, v2  }
0x11f: {  	vm1 =	vgt.s32 v34, v47  }
0x120: {  	v34 =	vsel vm1, v34, v47;
	vm1 =	vgt.s32 v41, v46  }
0x121: {  	v47 =	vperm.xlane v34, v4;
	v41 =	vsel vm1, v41, v46  }
0x122: {  	v46 =	vperm.xlane v41, v3  }
0x123: {  	vm1 =	vgt.s32 v34, v47  }
0x124: {  	v34 =	vsel vm1, v34, v47;
	vm1 =	vgt.s32 v41, v46  }
0x125: {  	v47 =	vperm.xlane v34, v17;
	v41 =	vsel vm1, v41, v46  }
0x126: {  	v46 =	vperm.xlane v41, v4  }
0x127: {  	vm1 =	vgt.s32 v34, v47  }
0x128: {  	v34 =	vsel vm1, v34, v47;
	vm1 =	vgt.s32 v41, v46  }
0x129: {  	vm10 =	veq.s32 v34, v1;
	v41 =	vsel vm1, v41, v46  }
0x12a: {  	v42 =	vsel vm10, $0xFF800000, v42;
	vm1 =	veq.s32 v34, v18;
	v46 =	vperm.xlane v41, v17  }
0x12b: {  	vm10 =	veq.s32 v34, v19;
	v43 =	vsel vm1, $0xFF800000, v43;
	vm1 =	veq.s32 v34, v20  }
0x12c: {  	v47 =	vsel vm10, $0xFF800000, v35;
	v39 =	vsel vm1, $0xFF800000, v39;
	vm1 =	vgt.s32 v41, v46  }
0x12d: {  	v53 =	vmax.f32 v42, v43;
	v54 =	vmax.f32 v39, v47;
	v35 =	vsel vm1, v41, v46  }
0x12e: {  	v55 =	vmax.f32 v53, v54;
	vm1 =	veq.s32 v35, v1  }
0x12f: {  	v56 =	vperm.xlane v55, v2;
	v44 =	vsel vm1, $0xFF800000, v44;
	vm1 =	veq.s32 v35, v18  }
0x130: {  	vm10 =	veq.s32 v35, v19;
	v45 =	vsel vm1, $0xFF800000, v45;
	vm1 =	veq.s32 v35, v20  }
0x131: {  	v48 =	vsel vm10, $0xFF800000, v40;
	v41 =	vmax.f32 v55, v56;
	v46 =	vsel vm1, $0xFF800000, v38  }
0x132: {  	v57 =	vperm.xlane v41, v3;
	v58 =	vmax.f32 v44, v45;
	v59 =	vmax.f32 v46, v48  }
0x133: {  	v40 =	vmax.f32 v58, v59  }
0x134: {  	v38 =	vmax.f32 v41, v57;
	v60 =	vperm.xlane v40, v2  }
0x135: {  	v61 =	vperm.xlane v38, v4  }
0x136: {  	v40 =	vmax.f32 v40, v60  }
0x137: {  	v38 =	vmax.f32 v38, v61;
	v41 =	vperm.xlane v40, v3  }
0x138: {  	v49 =	vperm.xlane v38, v17  }
0x139: {  	v41 =	vmax.f32 v40, v41  }
0x13a: {  	v40 =	vmax.f32 v38, v49;
	v62 =	vperm.xlane v41, v4  }
0x13b: {  	vm1 =	veq.f32 v43, v40  }
0x13c: {  	v63 =	vnsel vm1, $0xFFFFFFFF, v18;
	vm1 =	veq.f32 v47, v40;
	v38 =	vmax.f32 v41, v62  }
0x13d: {  	v50 =	vnsel vm1, $0xFFFFFFFF, v19;
	vm1 =	vgt.s32 v63, v1;
	v41 =	vperm.xlane v38, v17  }
0x13e: {  	vm10 =	veq.f32 v42, v40;
	v51 =	vsel vm1, v63, v1;
	vm1 =	vgt.s32 v50, v20  }
0x13f: {  	v52 =	vsel vm1, v50, v20;
	vm1 =	veq.f32 v39, v40;
	v41 =	vmax.f32 v38, v41  }
0x140: {  	v55 =	vsel vm10, v51, v63;
	v56 =	vsel vm1, v52, v50;
	vm1 =	veq.f32 v45, v41  }
0x141: {  	vm10 =	vgt.s32 v55, v56;
	v57 =	vnsel vm1, $0xFFFFFFFF, v18;
	vm1 =	veq.f32 v48, v41  }
0x142: {  	v38 =	vsel vm10, v55, v56;
	v58 =	vnsel vm1, $0xFFFFFFFF, v19;
	vm1 =	vgt.s32 v57, v1  }
0x143: {  	v59 =	vperm.xlane v38, v2;
	v60 =	vsel vm1, v57, v1;
	vm1 =	vgt.s32 v58, v20  }
0x144: {  	vm10 =	veq.f32 v44, v41;
	v53 =	vsel vm1, v58, v20;
	vm1 =	veq.f32 v46, v41  }
0x145: {  	v50 =	vsel vm10, v60, v57;
	vm10 =	vgt.s32 v38, v59;
	v49 =	vsel vm1, v53, v58  }
0x146: {  	v38 =	vsel vm10, v38, v59;
	vm1 =	vgt.s32 v50, v49  }
0x147: {  	v51 =	vperm.xlane v38, v3;
	v49 =	vsel vm1, v50, v49  }
0x148: {  	v50 =	vperm.xlane v49, v2  }
0x149: {  	vm1 =	vgt.s32 v38, v51  }
0x14a: {  	v38 =	vsel vm1, v38, v51;
	vm1 =	vgt.s32 v49, v50  }
0x14b: {  	v51 =	vperm.xlane v38, v4;
	v49 =	vsel vm1, v49, v50  }
0x14c: {  	v50 =	vperm.xlane v49, v3  }
0x14d: {  	vm1 =	vgt.s32 v38, v51  }
0x14e: {  	v38 =	vsel vm1, v38, v51;
	vm1 =	vgt.s32 v49, v50  }
0x14f: {  	v51 =	vperm.xlane v38, v17;
	v49 =	vsel vm1, v49, v50  }
0x150: {  	v50 =	vperm.xlane v49, v4  }
0x151: {  	vm1 =	vgt.s32 v38, v51  }
0x152: {  	v38 =	vsel vm1, v38, v51;
	vm1 =	vgt.s32 v49, v50  }
0x153: {  	vm10 =	veq.s32 v38, v1;
	v49 =	vsel vm1, v49, v50  }
0x154: {  	v50 =	vsel vm10, $0xFF800000, v42;
	vm1 =	veq.s32 v38, v18;
	v61 =	vperm.xlane v49, v17  }
0x155: {  	vm10 =	veq.s32 v38, v19;
	v43 =	vsel vm1, $0xFF800000, v43;
	vm1 =	veq.s32 v38, v20  }
0x156: {  	v47 =	vsel vm10, $0xFF800000, v47;
	v51 =	vsel vm1, $0xFF800000, v39;
	vm1 =	vgt.s32 v49, v61  }
0x157: {  	v62 =	vmax.f32 v50, v43;
	v63 =	vmax.f32 v51, v47;
	v39 =	vsel vm1, v49, v61  }
0x158: {  	v56 =	vmax.f32 v62, v63;
	vm1 =	veq.s32 v39, v1  }
0x159: {  	v57 =	vperm.xlane v56, v2;
	v52 =	vsel vm1, $0xFF800000, v44;
	vm1 =	veq.s32 v39, v18  }
0x15a: {  	vm10 =	veq.s32 v39, v19;
	v53 =	vsel vm1, $0xFF800000, v45;
	vm1 =	veq.s32 v39, v20  }
0x15b: {  	v48 =	vsel vm10, $0xFF800000, v48;
	v42 =	vmax.f32 v56, v57;
	v46 =	vsel vm1, $0xFF800000, v46  }
0x15c: {  	v58 =	vperm.xlane v42, v3;
	v45 =	vmax.f32 v52, v53;
	v59 =	vmax.f32 v46, v48  }
0x15d: {  	v45 =	vmax.f32 v45, v59  }
0x15e: {  	v42 =	vmax.f32 v42, v58;
	v60 =	vperm.xlane v45, v2  }
0x15f: {  	v61 =	vperm.xlane v42, v4  }
0x160: {  	v44 =	vmax.f32 v45, v60  }
0x161: {  	v42 =	vmax.f32 v42, v61;
	v45 =	vperm.xlane v44, v3  }
0x162: {  	v49 =	vperm.xlane v42, v17  }
0x163: {  	v45 =	vmax.f32 v44, v45  }
0x164: {  	v44 =	vmax.f32 v42, v49;
	v62 =	vperm.xlane v45, v4  }
0x165: {  	vm1 =	veq.f32 v43, v44  }
0x166: {  	v63 =	vnsel vm1, $0xFFFFFFFF, v18;
	vm1 =	veq.f32 v47, v44;
	v42 =	vmax.f32 v45, v62  }
0x167: {  	v54 =	vnsel vm1, $0xFFFFFFFF, v19;
	vm1 =	vgt.s32 v63, v1;
	v45 =	vperm.xlane v42, v17  }
0x168: {  	vm10 =	veq.f32 v50, v44;
	v55 =	vsel vm1, v63, v1;
	vm1 =	vgt.s32 v54, v20  }
0x169: {  	v56 =	vsel vm1, v54, v20;
	vm1 =	veq.f32 v51, v44;
	v45 =	vmax.f32 v42, v45  }
0x16a: {  	v60 =	vsel vm10, v55, v63;
	v61 =	vsel vm1, v56, v54;
	vm1 =	veq.f32 v53, v45  }
0x16b: {  	vm10 =	vgt.s32 v60, v61;
	v62 =	vnsel vm1, $0xFFFFFFFF, v18;
	vm1 =	veq.f32 v48, v45  }
0x16c: {  	v42 =	vsel vm10, v60, v61;
	v63 =	vnsel vm1, $0xFFFFFFFF, v19;
	vm1 =	vgt.s32 v62, v1  }
0x16d: {  	v60 =	vperm.xlane v42, v2;
	v61 =	vsel vm1, v62, v1;
	vm1 =	vgt.s32 v63, v20  }
0x16e: {  	vm10 =	veq.f32 v52, v45;
	v57 =	vsel vm1, v63, v20;
	vm1 =	veq.f32 v46, v45  }
0x16f: {  	v54 =	vsel vm10, v61, v62;
	vm10 =	vgt.s32 v42, v60;
	v49 =	vsel vm1, v57, v63  }
0x170: {  	v42 =	vsel vm10, v42, v60;
	vm1 =	vgt.s32 v54, v49  }
0x171: {  	v55 =	vperm.xlane v42, v3;
	v49 =	vsel vm1, v54, v49  }
0x172: {  	v54 =	vperm.xlane v49, v2  }
0x173: {  	vm1 =	vgt.s32 v42, v55  }
0x174: {  	v42 =	vsel vm1, v42, v55;
	vm1 =	vgt.s32 v49, v54  }
0x175: {  	v55 =	vperm.xlane v42, v4;
	v49 =	vsel vm1, v49, v54  }
0x176: {  	v54 =	vperm.xlane v49, v3  }
0x177: {  	vm1 =	vgt.s32 v42, v55  }
0x178: {  	v42 =	vsel vm1, v42, v55;
	vm1 =	vgt.s32 v49, v54  }
0x179: {  	v55 =	vperm.xlane v42, v17;
	v49 =	vsel vm1, v49, v54  }
0x17a: {  	v54 =	vperm.xlane v49, v4  }
0x17b: {  	vm1 =	vgt.s32 v42, v55  }
0x17c: {  	v42 =	vsel vm1, v42, v55;
	vm1 =	vgt.s32 v49, v54  }
0x17d: {  	vm10 =	veq.s32 v42, v1;
	v49 =	vsel vm1, v49, v54  }
0x17e: {  	v50 =	vsel vm10, $0xFF800000, v50;
	vm1 =	veq.s32 v42, v18;
	v54 =	vperm.xlane v49, v17  }
0x17f: {  	vm10 =	veq.s32 v42, v19;
	v55 =	vsel vm1, $0xFF800000, v43;
	vm1 =	veq.s32 v42, v20  }
0x180: {  	v47 =	vsel vm10, $0xFF800000, v47;
	v51 =	vsel vm1, $0xFF800000, v51;
	vm1 =	vgt.s32 v49, v54  }
0x181: {  	v62 =	vmax.f32 v50, v55;
	v63 =	vmax.f32 v51, v47;
	v43 =	vsel vm1, v49, v54  }
0x182: {  	v59 =	vmax.f32 v62, v63;
	vm1 =	veq.s32 v43, v1  }
0x183: {  	v60 =	vperm.xlane v59, v2;
	v52 =	vsel vm1, $0xFF800000, v52;
	vm1 =	veq.s32 v43, v18  }
0x184: {  	vm10 =	veq.s32 v43, v19;
	v53 =	vsel vm1, $0xFF800000, v53;
	vm1 =	veq.s32 v43, v20  }
0x185: {  	v48 =	vsel vm10, $0xFF800000, v48;
	v49 =	vmax.f32 v59, v60;
	v54 =	vsel vm1, $0xFF800000, v46  }
0x186: {  	v61 =	vperm.xlane v49, v3;
	v62 =	vmax.f32 v52, v53;
	v63 =	vmax.f32 v54, v48  }
0x187: {  	v56 =	vmax.f32 v62, v63  }
0x188: {  	v46 =	vmax.f32 v49, v61;
	v60 =	vperm.xlane v56, v2  }
0x189: {  	v61 =	vperm.xlane v46, v4  }
0x18a: {  	v49 =	vmax.f32 v56, v60  }
0x18b: {  	v46 =	vmax.f32 v46, v61;
	v56 =	vperm.xlane v49, v3  }
0x18c: {  	v57 =	vperm.xlane v46, v17  }
0x18d: {  	v49 =	vmax.f32 v49, v56  }
0x18e: {  	v56 =	vmax.f32 v46, v57;
	v62 =	vperm.xlane v49, v4  }
0x18f: {  	vm1 =	veq.f32 v55, v56  }
0x190: {  	v57 =	vnsel vm1, $0xFFFFFFFF, v18;
	vm1 =	veq.f32 v47, v56;
	v46 =	vmax.f32 v49, v62  }
0x191: {  	v49 =	vnsel vm1, $0xFFFFFFFF, v19;
	vm1 =	vgt.s32 v57, v1;
	v58 =	vperm.xlane v46, v17  }
0x192: {  	vm10 =	veq.f32 v50, v56;
	v59 =	vsel vm1, v57, v1;
	vm1 =	vgt.s32 v49, v20  }
0x193: {  	v60 =	vsel vm1, v49, v20;
	vm1 =	veq.f32 v51, v56;
	v58 =	vmax.f32 v46, v58  }
0x194: {  	v63 =	vsel vm10, v59, v57;
	v49 =	vsel vm1, v60, v49;
	vm1 =	veq.f32 v53, v58  }
0x195: {  	vm10 =	vgt.s32 v63, v49;
	v57 =	vnsel vm1, $0xFFFFFFFF, v18;
	vm1 =	veq.f32 v48, v58  }
0x196: {  	v46 =	vsel vm10, v63, v49;
	v49 =	vnsel vm1, $0xFFFFFFFF, v19;
	vm1 =	vgt.s32 v57, v1  }
0x197: {  	v59 =	vperm.xlane v46, v2;
	v60 =	vsel vm1, v57, v1;
	vm1 =	vgt.s32 v49, v20  }
0x198: {  	vm10 =	veq.f32 v52, v58;
	v61 =	vsel vm1, v49, v20;
	vm1 =	veq.f32 v54, v58  }
0x199: {  	v57 =	vsel vm10, v60, v57;
	v49 =	vsel vm1, v61, v49;
	vm1 =	vgt.s32 v46, v59  }
0x19a: {  	v46 =	vsel vm1, v46, v59;
	vm1 =	vgt.s32 v57, v49  }
0x19b: {  	v59 =	vperm.xlane v46, v3;
	v49 =	vsel vm1, v57, v49  }
0x19c: {  	v57 =	vperm.xlane v49, v2  }
0x19d: {  	vm1 =	vgt.s32 v46, v59  }
0x19e: {  	v46 =	vsel vm1, v46, v59;
	vm1 =	vgt.s32 v49, v57  }
0x19f: {  	v59 =	vperm.xlane v46, v4;
	v49 =	vsel vm1, v49, v57  }
0x1a0: {  	v57 =	vperm.xlane v49, v3  }
0x1a1: {  	vm1 =	vgt.s32 v46, v59  }
0x1a2: {  	v46 =	vsel vm1, v46, v59;
	vm1 =	vgt.s32 v49, v57  }
0x1a3: {  	v59 =	vperm.xlane v46, v17;
	v49 =	vsel vm1, v49, v57  }
0x1a4: {  	vm9 =	vmmov vm6;
	vm7 =	vmmov vm15;
	v57 =	vperm.xlane v49, v4  }
0x1a5: {  	vm15 =	vcmask $0x3F1C;
	vm4 =	vcmask $0x3F14;
	vm1 =	vgt.s32 v46, v59  }
0x1a6: {  	vm5 =	vmmov vm13;
	v46 =	vsel vm1, v46, v59;
	vm1 =	vgt.s32 v49, v57  }
0x1a7: {  	vm13 =	vcmask $0x3F08;
	vm10 =	veq.s32 v46, v1;
	v49 =	vsel vm1, v49, v57  }
0x1a8: {  	vm1 =	veq.s32 v46, v18;
	v50 =	vsel vm10, $0xFF800000, v50;
	v57 =	vperm.xlane v49, v17  }
0x1a9: {  	v55 =	vsel vm1, $0xFF800000, v55;
	vm1 =	veq.s32 v46, v20;
	vm10 =	veq.s32 v46, v19  }
0x1aa: {  	v51 =	vsel vm1, $0xFF800000, v51;
	v47 =	vsel vm10, $0xFF800000, v47;
	vm1 =	vgt.s32 v49, v57  }
0x1ab: {  	v59 =	vmax.f32 v50, v55;
	v60 =	vmax.f32 v51, v47;
	v49 =	vsel vm1, v49, v57  }
0x1ac: {  	vm11 =	vcmask $0x3F20;
	v61 =	vmax.f32 v59, v60;
	vm1 =	veq.s32 v49, v1  }
0x1ad: {  	v59 =	vperm.xlane v61, v2;
	v52 =	vsel vm1, $0xFF800000, v52;
	vm1 =	veq.s32 v49, v18  }
0x1ae: {  	vm10 =	veq.s32 v49, v19;
	v53 =	vsel vm1, $0xFF800000, v53;
	vm1 =	veq.s32 v49, v20  }
0x1af: {  	v48 =	vsel vm10, $0xFF800000, v48;
	v57 =	vmax.f32 v61, v59;
	v54 =	vsel vm1, $0xFF800000, v54  }
0x1b0: {  	v59 =	vperm.xlane v57, v3;
	v60 =	vmax.f32 v52, v53;
	v61 =	vmax.f32 v54, v48  }
0x1b1: {  	v24 =	vsel vm11, $0x0, v24;
	v25 =	vsel vm11, $0x0, v25;
	v60 =	vmax.f32 v60, v61  }
0x1b2: {  	v24 =	vsel vm15, v24, v28;
	v57 =	vmax.f32 v57, v59;
	v59 =	vperm.xlane v60, v2  }
0x1b3: {  	v25 =	vsel vm15, v25, v29;
	vm10 =	vmmov vm12;
	vm12 =	vcmask $0x3F18  }
0x1b4: {  	v24 =	vsel vm12, v24, v32;
	v61 =	vperm.xlane v57, v4;
	v62 =	vmax.f32 v60, v59  }
0x1b5: {  	v25 =	vsel vm12, v25, v33;
	v24 =	vsel vm4, v24, v36;
	v60 =	vperm.xlane v62, v3  }
0x1b6: {  	v25 =	vsel vm4, v25, v37;
	v24 =	vsel vm7, v24, v40;
	v63 =	vmax.f32 v57, v61  }
0x1b7: {  	v25 =	vsel vm7, v25, v41;
	v61 =	vperm.xlane v63, v17;
	v28 =	vmax.f32 v62, v60  }
0x1b8: {  	v24 =	vsel vm5, v24, v44;
	v25 =	vsel vm5, v25, v45;
	v62 =	vperm.xlane v28, v4  }
0x1b9: {  	v24 =	vsel vm13, v24, v56;
	v25 =	vsel vm13, v25, v58;
	v32 =	vmax.f32 v63, v61  }
0x1ba: {  	vm1 =	veq.f32 v55, v32;
	v24 =	vsel vm9, v32, v24;
	v28 =	vmax.f32 v28, v62  }
0x1bb: {  	v63 =	vnsel vm1, $0xFFFFFFFF, v18;
	vm1 =	veq.f32 v47, v32;
	v44 =	vperm.xlane v28, v17  }
0x1bc: {  	v55 =	vperm.xlane v24, v2;
	v47 =	vnsel vm1, $0xFFFFFFFF, v19;
	vm1 =	vgt.s32 v63, v1  }
0x1bd: {  	v56 =	vsel vm1, v63, v1;
	vm1 =	veq.f32 v50, v32;
	v28 =	vmax.f32 v28, v44  }
0x1be: {  	v29 =	vsel vm1, v56, v63;
	vm1 =	vgt.s32 v47, v20;
	v25 =	vsel vm9, v28, v25  }
0x1bf: {  	v58 =	vsel vm1, v47, v20;
	vm1 =	veq.f32 v51, v32;
	v57 =	vperm.xlane v25, v2  }
0x1c0: {  	v33 =	vadd.f32 v24, v55;
	v36 =	vsel vm1, v58, v47;
	vm1 =	veq.f32 v53, v28  }
0x1c1: {  	v61 =	vnsel vm1, $0xFFFFFFFF, v18;
	vm1 =	veq.f32 v48, v28;
	v59 =	vadd.f32 v25, v57  }
0x1c2: {  	v60 =	vperm.xlane v33, v3;
	v63 =	vnsel vm1, $0xFFFFFFFF, v19;
	vm1 =	vgt.s32 v61, v1  }
0x1c3: {  	v48 =	vsel vm1, v61, v1;
	vm1 =	veq.f32 v52, v28;
	v62 =	vperm.xlane v59, v3  }
0x1c4: {  	v33 =	vadd.f32 v33, v60;
	v40 =	vsel vm1, v48, v61;
	vm1 =	vgt.s32 v63, v20  }
0x1c5: {  	v51 =	vsel vm1, v63, v20;
	vm1 =	veq.f32 v54, v28;
	v32 =	vadd.f32 v59, v62  }
0x1c6: {  	v50 =	vperm.xlane v33, v4;
	v37 =	vsel vm1, v51, v63;
	vm1 =	vgt.s32 v29, v36  }
0x1c7: {  	v29 =	vsel vm1, v29, v36;
	vm1 =	vgt.s32 v40, v37;
	v52 =	vperm.xlane v32, v4  }
0x1c8: {  	v33 =	vadd.f32 v33, v50;
	v53 =	vsel vm1, v40, v37;
	v36 =	vperm.xlane v29, v2  }
0x1c9: {  	v37 =	vperm.xlane v53, v2;
	v28 =	vadd.f32 v32, v52  }
0x1ca: {  	vm0 =	vcmask $0x1F18;
	v33 =	vadd.f32 $9.999999680e-21, v33;
	vm1 =	vgt.s32 v29, v36  }
0x1cb: {  	v29 =	vsel vm1, v29, v36;
	vm1 =	vgt.s32 v53, v37;
	v28 =	vadd.f32 $9.999999680e-21, v28  }
0x1cc: {  	(erf) = vrcp.f32 v33;
	v54 =	vperm.xlane v29, v3;
	v32 =	vsel vm1, v53, v37  }
0x1cd: {  	vm2 =	vmmov vm3;
	v55 =	vperm.xlane v32, v3;
	(erf) = vrcp.f32 v28  }
0x1ce: {  	vm3 =	vcmask $0x1F1C;
	vm6 =	vcmask $0x1F14;
	vm1 =	vgt.s32 v29, v54  }
0x1cf: {  	v23 =	vsel vm11, $0x0, v23;
	v28 =	vsel vm1, v29, v54;
	vm1 =	vgt.s32 v32, v55  }
0x1d0: {  	v22 =	vsel vm3, v22, v26;
	v56 =	vsel vm1, v32, v55;
	v57 =	vperm.xlane v28, v4  }
0x1d1: {  	vm11 =	vcmask $0x1F08;
	v22 =	vsel vm0, v22, v30;
	v58 =	vperm.xlane v56, v4  }
0x1d2: {  	v23 =	vsel vm15, v23, v27;
	v22 =	vsel vm6, v22, v34;
	vm1 =	vgt.s32 v28, v57  }
0x1d3: {  	v23 =	vsel vm12, v23, v31;
	v26 =	vsel vm1, v28, v57;
	vm1 =	vgt.s32 v56, v58  }
0x1d4: {  	v22 =	vsel vm14, v22, v38;
	v23 =	vsel vm4, v23, v35;
	v60 =	vsel vm1, v56, v58  }
0x1d5: {  	v22 =	vsel vm10, v22, v42;
	v23 =	vsel vm7, v23, v39;
	v59 =	vpop (erf);
	v30 =	vperm.xlane v60, v17  }
0x1d6: {  	v22 =	vsel vm11, v22, v46;
	v23 =	vsel vm5, v23, v43;
	v63 =	vld [tilespmem:$0x1FFF0];
	v61 =	vpop (erf)  }
0x1d7: {  	v62 =	vperm.xlane v26, v17;
	vm1 =	vgt.s32 v60, v30;
	v29 =	vmul.f32 $2.500000000e+00, v61  }
0x1d8: {  	v23 =	vsel vm13, v23, v49;
	v27 =	vmul.f32 $2.500000000e+00, v59;
	v28 =	vsel vm1, v60, v30  }
0x1d9: {  	p0 =	sne.s32 s13, $0x1FC0;
	vm1 =	vgt.s32 v26, v62;
	v23 =	vsel vm9, v28, v23;
	v25 =	vmul.f32 v29, v25  }
.Ltmp0:
0x1da: {  	v24 =	vmul.f32 v27, v24;
	v26 =	vsel vm1, v26, v62;
	v23 =	vperm.xlane v23, v21;
	(pc) =	sbr.rel @p0 .LBB2_2-.Ltmp0, $4  }
0x1db: {  	vm1 =	vnez.u8 v63;
	v22 =	vsel vm9, v26, v22;
	v25 =	vperm.xlane v25, v21  }
0x1dc: {  	s14 =	sshra.s32 s13, $0x2;
	v22 =	vsel vm1, v22, v23  }
0x1dd: {  	[tilespmem:s14+$0x4880] =	vst v22;
	v24 =	vsel vm1, v24, v25  }
0x1de: {  	s13 =	sadd.s32 $0x40, s13;
	s12 =	sadd.s32 $0x80, s12;
	[tilespmem:s14+$0x4000] =	vst v24  }
0x1df: {  	[hbm4b:s4+s2] =	stream.linear.scatter [tilespmem:s8], [sflag:$0x2], $0x800, $0x38;
	[tilespmem:$0x5100] =	vst v63  }
0x1e0: {  	s11 =	sadd.s32 $0x1, s11;
	_ =	swait.ge [sflag:s9], $0x800  }
0x1e1: {  	p0 =	sne.s32 s11, s6;
	[sflag:s9] =	ssyncset.done $0x0  }
.Ltmp1:
0x1e2: {  	[sflag:s9] =	ssyncadd.s32 $0xFFFFF800;
	(pc) =	sbr.rel @p0 .LBB2_1-.Ltmp1, $4  }
0x1e3: {  	[hbm4b:s5+s2] =	stream.linear.scatter [tilespmem:s10], [sflag:$0x2], $0x800, $0x38;
	[tilespmem:$0x5100] =	vst v63  }
0x1e4: {  	_ =	swait.ge [sflag:s9], $0x800  }
0x1e5: {  	[sflag:s9] =	ssyncset.done $0x0  }
0x1e6: {  	[sflag:s9] =	ssyncadd.s32 $0xFFFFF800  }
0x1e7: {  	_ =	sfence.sel $0x180000  }
0x1e8: {  	[bflag:$0x0] =	sbarrier.arrive $0xFFFF  }
0x1e9: {  	p0 =	sne.s32 s1, $0x0;
	_ =	strace $0x90000047  }
0x1ea: {  	s0 =	sadd.s32 @!p0 $0x100000, s0;
	[bflag:$0x2] =	sbarrier.arrive $0xFFFF  }
0x1eb: {  	[sflag:s0] =	ssyncadd.tile.s32 @!p0 $0x1;
	_ =	shalt  }
.Lfunc_end2:
_tile_overlayer_lowered:
.L_overlay_start_2:
0x1ec: {  	(tag) =	ssettag $0x2  }
0x1ed: {  	s0 =	rddreg [dreg:$0x0];
	s2 =	stileid.u32  }
0x1ee: {  	s1 =	rddreg [dreg:$0x1];
	p0 =	sne.s32 s2, $0x0  }
0x1ef: {  	s3 =	rddreg [dreg:$0x2];
	[bflag:$0x3] =	sbarrier.arrive $0xFFFF;
	s2 =	simm.s32 @!p0 $0x1C02  }
0x1f0: {  	[timem:s3], [sflag:s2] =	dma.local @!p0 [hbm:s0], s1  }
0x1f1: {  	s0 =	simm.s32 @!p0 $0x2  }
0x1f2: {  	_ =	swait.ge @!p0 [sflag:s0], s1  }
0x1f3: {  	s1 =	ssub.s32 @!p0 $0x0, s1;
	[sflag:s0] =	ssyncset.done @!p0 $0x0  }
0x1f4: {  	[sflag:s0] =	ssyncadd.s32 @!p0 s1  }
0x1f5: {  	[bflag:$0x3] =	sbarrier.arrive $0xFFFF  }
0x1f6: {  	_ =	shalt  }

</sc_bundles>
